<compile_context>
chip_gen: v7x
topology: tpu7x:2x2x1
jax: 0.10.2.dev20260603
libtpu: 0.0.44.dev20260713+nightly
codegen_flags: <defaults>
</compile_context>

<pallas_src>
import jax
import jax.numpy as jnp
from jax import lax
from jax.experimental import pallas as pl
from jax.experimental.pallas import tpu as pltpu
from jax.experimental.pallas import tpu_sc as plsc

N = 10000
E = 640000
D = 128
NPAD = 10240
NW = 32
EPW = E // NW
CHUNK = 128
NCHUNK = E // CHUNK
RPT = 624


def _sc_mesh():
    return plsc.VectorSubcoreMesh(core_axis_name="c", subcore_axis_name="s")


def _hist_body(dst_hbm, histp_hbm, idxbuf, hist, redbuf, obuf, slab):
    cid = lax.axis_index("c")
    sid = lax.axis_index("s")
    wid = sid * 2 + cid

    @pl.loop(0, NPAD // 16)
    def _zero(i):
        hist[pl.ds(i * 16, 16)] = jnp.zeros((16,), jnp.float32)

    ones = jnp.ones((16,), jnp.float32)
    base = wid * EPW

    @pl.loop(0, 10)
    def _outer(jc):
        pltpu.sync_copy(dst_hbm.at[pl.ds(base + jc * 2000, 2000)], idxbuf)

        @pl.loop(0, 125)
        def _inner(i):
            idx16 = idxbuf[pl.ds(i * 16, 16)]
            plsc.addupdate_scatter(hist, [idx16], ones)

    pltpu.sync_copy(hist, slab.at[pl.ds(sid * NPAD, NPAD)])
    plsc.subcore_barrier()
    for i in range(16):
        pltpu.sync_copy(slab.at[pl.ds(i * NPAD + sid * 640, 640)], redbuf.at[i])

    @pl.loop(0, 40)
    def _red(j):
        acc = jnp.zeros((16,), jnp.float32)
        for i in range(16):
            acc = acc + redbuf[i, pl.ds(j * 16, 16)]
        obuf[pl.ds(j * 16, 16)] = acc

    pltpu.sync_copy(obuf, histp_hbm.at[pl.ds(cid * NPAD + sid * 640, 640)])


def _sc_hist(dst):
    k = pl.kernel(
        _hist_body,
        out_type=jax.ShapeDtypeStruct((2 * NPAD,), jnp.float32),
        mesh=_sc_mesh(),
        compiler_params=pltpu.CompilerParams(needs_layout_passes=False),
        scratch_types=[
            pltpu.VMEM((2000,), jnp.int32),
            pltpu.VMEM((NPAD,), jnp.float32),
            pltpu.VMEM((16, 640), jnp.float32),
            pltpu.VMEM((640,), jnp.float32),
            pltpu.VMEM_SHARED((16 * NPAD,), jnp.float32),
        ],
    )
    return k(dst)


def _scat_body(src_hbm, dst_hbm, hs_hbm, out_hbm,
               sidx0, sidx1, sidx2, didx0, didx1, didx2, sidxt, didxt,
               rows0, rows1, rows2, oshared,
               semi0, semi1, semi2, semr0, semr1, semr2,
               sems0, sems1, sems2):
    cid = lax.axis_index("c")
    sid = lax.axis_index("s")
    wid = sid * 2 + cid
    base = wid * EPW
    sidx = (sidx0, sidx1, sidx2)
    didx = (didx0, didx1, didx2)
    rows = (rows0, rows1, rows2)
    semi = (semi0, semi1, semi2)
    semr = (semr0, semr1, semr2)
    sems = (sems0, sems1, sems2)

    @pl.loop(0, 128)
    def _z(i):
        for j in range(8):
            rows0[i, pl.ds(j * 16, 16)] = jnp.zeros((16,), jnp.float32)

    rbase = sid * RPT
    for k in range(4):
        pltpu.sync_copy(rows0, oshared.at[pl.ds(rbase + k * 128, 128)])
    pltpu.sync_copy(rows0.at[pl.ds(0, 112)],
                    oshared.at[pl.ds(rbase + 512, 112)])

    @pl.when(sid == 15)
    def _ztail():
        pltpu.sync_copy(rows0.at[pl.ds(0, 16)],
                        oshared.at[pl.ds(16 * RPT, 16)])

    plsc.subcore_barrier()

    def _i_start(t, k):
        off = base + t * CHUNK
        pltpu.async_copy(src_hbm.at[pl.ds(off, CHUNK)], sidx[k], semi[k])
        pltpu.async_copy(dst_hbm.at[pl.ds(off, CHUNK)], didx[k], semi[k])

    def _i_wait(k):
        pltpu.make_async_copy(src_hbm.at[pl.ds(0, CHUNK)], sidx[k],
                              semi[k]).wait()
        pltpu.make_async_copy(dst_hbm.at[pl.ds(0, CHUNK)], didx[k],
                              semi[k]).wait()

    def _g_start(k):
        pltpu.async_copy(hs_hbm.at[sidx[k]], rows[k], semr[k])

    def _g_wait(k):
        pltpu.make_async_copy(hs_hbm.at[sidx[k]], rows[k], semr[k]).wait()

    def _s_start(k):
        pltpu.async_copy(rows[k], oshared.at[didx[k]], sems[k], add=True)

    def _s_wait(k):
        pltpu.make_async_copy(rows[k], oshared.at[didx[k]], sems[k]).wait()

    for k in range(3):
        _i_start(k, k)
    for k in range(3):
        _i_wait(k)
        _g_start(k)

    @pl.loop(0, 52)
    def _body(j):
        u = 3 * j
        for k in range(3):
            _g_wait(k)
            _s_start(k)
        for k in range(3):
            _s_wait(k)

            @pl.when(j < 51)
            def _():
                _i_start(u + 3 + k, k)
        for k in range(3):
            @pl.when(j < 51)
            def _():
                _i_wait(k)
                _g_start(k)

    toff = base + 156 * CHUNK
    pltpu.sync_copy(src_hbm.at[pl.ds(toff, 32)], sidxt)
    pltpu.sync_copy(dst_hbm.at[pl.ds(toff, 32)], didxt)
    pltpu.async_copy(hs_hbm.at[sidxt], rows0.at[pl.ds(0, 32)], semr0)
    pltpu.make_async_copy(hs_hbm.at[sidxt], rows0.at[pl.ds(0, 32)],
                          semr0).wait()
    pltpu.sync_copy(rows0.at[pl.ds(0, 32)], oshared.at[didxt], add=True)

    plsc.subcore_barrier()
    pltpu.sync_copy(oshared.at[pl.ds(rbase, RPT)],
                    out_hbm.at[cid, pl.ds(rbase, RPT)])

    @pl.when(sid == 15)
    def _wtail():
        pltpu.sync_copy(oshared.at[pl.ds(16 * RPT, 16)],
                        out_hbm.at[cid, pl.ds(16 * RPT, 16)])


def _sc_scatter(src, dst, hs):
    k = pl.kernel(
        _scat_body,
        out_type=jax.ShapeDtypeStruct((2, N, D), jnp.float32),
        mesh=_sc_mesh(),
        scratch_types=[
            pltpu.VMEM((CHUNK,), jnp.int32),
            pltpu.VMEM((CHUNK,), jnp.int32),
            pltpu.VMEM((CHUNK,), jnp.int32),
            pltpu.VMEM((CHUNK,), jnp.int32),
            pltpu.VMEM((CHUNK,), jnp.int32),
            pltpu.VMEM((CHUNK,), jnp.int32),
            pltpu.VMEM((32,), jnp.int32),
            pltpu.VMEM((32,), jnp.int32),
            pltpu.VMEM((CHUNK, D), jnp.float32),
            pltpu.VMEM((CHUNK, D), jnp.float32),
            pltpu.VMEM((CHUNK, D), jnp.float32),
            pltpu.VMEM_SHARED((N, D), jnp.float32),
            pltpu.SemaphoreType.DMA,
            pltpu.SemaphoreType.DMA,
            pltpu.SemaphoreType.DMA,
            pltpu.SemaphoreType.DMA,
            pltpu.SemaphoreType.DMA,
            pltpu.SemaphoreType.DMA,
            pltpu.SemaphoreType.DMA,
            pltpu.SemaphoreType.DMA,
            pltpu.SemaphoreType.DMA,
        ],
    )
    return k(src, dst, hs)


def _dinv_body(histp_ref, o_ref):
    p = histp_ref[...]
    o_ref[...] = lax.rsqrt(p[0] + p[1] + 1.0)[None, :]


def _tc_dinv(histp):
    return pl.pallas_call(
        _dinv_body,
        out_shape=jax.ShapeDtypeStruct((1, NPAD), jnp.float32),
    )(histp)


def _mm_body(x_ref, w_ref, dinv_ref, o_ref):
    h = lax.dot_general(x_ref[...], w_ref[...], (((1,), (1,)), ((), ())),
                        preferred_element_type=jnp.float32)
    o_ref[...] = h * dinv_ref[...]


def _tc_matmul(x, w, dinv_col):
    mb = 1000
    grid = N // mb
    return pl.pallas_call(
        _mm_body,
        grid=(grid,),
        in_specs=[
            pl.BlockSpec((mb, 1000), lambda i: (i, 0)),
            pl.BlockSpec((D, 1000), lambda i: (0, 0)),
            pl.BlockSpec((mb, 1), lambda i: (i, 0)),
        ],
        out_specs=pl.BlockSpec((mb, D), lambda i: (i, 0)),
        out_shape=jax.ShapeDtypeStruct((N, D), jnp.float32),
    )(x, w, dinv_col)


def _epi_body(p0_ref, p1_ref, hs_ref, dinv_ref, b_ref, o_ref):
    t = p0_ref[...] + p1_ref[...] + hs_ref[...]
    o_ref[...] = jnp.maximum(t * dinv_ref[...] + b_ref[...], 0.0)


def _tc_epilogue(p0, p1, hs, dinv_col, b_row):
    mb = 1000
    grid = N // mb
    return pl.pallas_call(
        _epi_body,
        grid=(grid,),
        in_specs=[
            pl.BlockSpec((mb, D), lambda i: (i, 0)),
            pl.BlockSpec((mb, D), lambda i: (i, 0)),
            pl.BlockSpec((mb, D), lambda i: (i, 0)),
            pl.BlockSpec((mb, 1), lambda i: (i, 0)),
            pl.BlockSpec((1, D), lambda i: (0, 0)),
        ],
        out_specs=pl.BlockSpec((mb, D), lambda i: (i, 0)),
        out_shape=jax.ShapeDtypeStruct((N, D), jnp.float32),
    )(p0, p1, hs, dinv_col, b_row)


def kernel(num_feature, edge_index, conv1_W, conv1_b, convA_W, convA_b,
           r2p_W, r2p_b, anchor_num_feature, relanchor_edge_index,
           num_rel, chosenrelnum):
    src = edge_index[0]
    dst = edge_index[1]
    histp = _sc_hist(dst).reshape(2, NPAD)
    dinv = _tc_dinv(histp)
    dinv_col = dinv.reshape(NPAD)[:N].reshape(N, 1)
    hs = _tc_matmul(num_feature, conv1_W, dinv_col)
    parts = _sc_scatter(src, dst, hs)
    return _tc_epilogue(parts[0], parts[1], hs, dinv_col,
                        conv1_b.reshape(1, D))

# --- scband reference (transcript-rebuilt; emitter-appended) ---
"""Pipeline reference for scband-hypergraph-neural-network-88347477279158 (READ-ONLY COPY).

The authoritative reference and input builder live on the scoring server;
editing this copy changes nothing except your own understanding.
"""

import jax, jax.numpy as jnp
import numpy as np

N = 10000
E = 640000
D_IN = 1000
D_EMB = 128
NUM_REL = 2000
CHOSEN = 256
N_ANCHOR = 256
E2 = 8192


def gcn_conv(x, edge_index, W, b):
    # PyG-style GCNConv: linear transform, add self-loops, symmetric norm, scatter-add
    n = x.shape[0]
    h = x @ W.T
    loop = jnp.arange(n, dtype=edge_index.dtype)
    src = jnp.concatenate([edge_index[0], loop])
    dst = jnp.concatenate([edge_index[1], loop])
    deg = jnp.zeros((n,), h.dtype).at[dst].add(1.0)
    dinv = jnp.where(deg > 0, deg ** -0.5, 0.0)
    norm = dinv[src] * dinv[dst]
    msg = h[src] * norm[:, None]
    out = jax.ops.segment_sum(msg, dst, num_segments=n)
    return out + b


def setup_inputs(seed: int = 0):
    key = jax.random.key(seed)
    ks = jax.random.split(key, 10)
    num_feature = jax.random.normal(ks[0], (N, D_IN), jnp.float32)
    edge_index = jax.random.randint(ks[1], (2, E), 0, N, jnp.int32)
    s = 0.02
    conv1_W = jax.random.normal(ks[2], (D_EMB, D_IN), jnp.float32) * s
    conv1_b = jnp.zeros((D_EMB,), jnp.float32)
    convA_W = jax.random.normal(ks[3], (D_IN, D_IN), jnp.float32) * s
    convA_b = jnp.zeros((D_IN,), jnp.float32)
    r2p_W = jax.random.normal(ks[4], (1, D_IN), jnp.float32) * s
    r2p_b = jnp.zeros((1,), jnp.float32)
    anchor_num_feature = jax.random.normal(ks[5], (N_ANCHOR, D_IN), jnp.float32)
    relanchor_edge_index = jax.random.randint(ks[6], (2, E2), 0, N_ANCHOR + CHOSEN, jnp.int32)
    return {
        'num_feature': num_feature,
        'edge_index': edge_index,
        'conv1_W': conv1_W,
        'conv1_b': conv1_b,
        'convA_W': convA_W,
        'convA_b': convA_b,
        'r2p_W': r2p_W,
        'r2p_b': r2p_b,
        'anchor_num_feature': anchor_num_feature,
        'relanchor_edge_index': relanchor_edge_index,
        'num_rel': NUM_REL,
        'chosenrelnum': CHOSEN,
    }


def reference(num_feature, edge_index, conv1_W, conv1_b, convA_W, convA_b,
              r2p_W, r2p_b, anchor_num_feature, relanchor_edge_index,
              num_rel, chosenrelnum):
    # rel branch (writes into temp; temp is never consumed downstream, as in original)
    zero = (jnp.asarray(num_rel) - NUM_REL) + (jnp.asarray(chosenrelnum) - CHOSEN)
    rel_nf = num_feature[: NUM_REL - 1]
    rel_prob = rel_nf @ r2p_W.T + r2p_b + zero.astype(jnp.float32)
    prob = jax.nn.softmax(rel_prob, axis=0)
    rel_nf = rel_nf * prob.reshape(-1, 1)
    _, index_rel = jax.lax.top_k(prob[:, 0], CHOSEN)
    index_rel = jnp.sort(index_rel)
    rel_nf1 = rel_nf[index_rel]
    relandanchor = jnp.concatenate([anchor_num_feature, rel_nf1], axis=0)
    x1 = gcn_conv(relandanchor, relanchor_edge_index, convA_W, convA_b)
    x1 = jax.nn.relu(x1)
    # dropout is identity in eval mode
    rel = x1[CHOSEN:]
    temp = num_feature.at[index_rel].set(rel)  # side-effect branch, output unused
    # main GCN over full graph
    x = gcn_conv(num_feature, edge_index, conv1_W, conv1_b)
    x = jax.nn.relu(x)
    return x

if __name__ == "__main__":
    import jax
    _d = setup_inputs()
    print(jax.jit(kernel)(*tuple(_d.values())))

</pallas_src>

<mosaic_0001>
#map = affine_map<(d0, d1) -> (0)>
module attributes {stable_mosaic.version = 14 : i64} {
  func.func @_hist_body(%arg0: i32, %arg1: i32, %arg2: memref<640000xi32, #tpu.memory_space<hbm>>, %arg3: memref<20480xf32, #tpu.memory_space<hbm>>, %arg4: memref<2000xi32, #tpu.memory_space<vmem>>, %arg5: memref<10240xf32, #tpu.memory_space<vmem>>, %arg6: memref<16x640xf32, #tpu.memory_space<vmem>>, %arg7: memref<640xf32, #tpu.memory_space<vmem>>, %arg8: memref<163840xf32, #tpu.memory_space<vmem_shared>>) attributes {dimension_semantics = [#tpu.dimension_semantics<core_parallel>, #tpu.dimension_semantics<subcore_parallel>], iteration_bounds = array<i64: 2, 16>, scalar_prefetch = 0 : i64, scratch_operands = 5 : i64, tpu.core_type = #tpu.core_type<sc_vector_subcore>, window_params = [{transform_indices = #map}, {transform_indices = #map}]} {
    %mul3A = arith.constant 2 : i32
    %mul3A_0 = arith.muli %arg1, %mul3A : i32
    %add3A = arith.addi %mul3A_0, %arg0 : i32
    %scan3A = arith.constant 0 : i32
    %scan3A_1 = arith.constant 640 : i32
    %scan3A_2 = arith.addi %scan3A, %scan3A_1 : i32
    %scan3A_3 = arith.constant 1 : i32
    scf.for %scan3A_104 = %scan3A to %scan3A_2 step %scan3A_3  : i32 {
      %mul3A_105 = arith.constant 1 : i32
      %mul3A_106 = arith.muli %scan3A_104, %mul3A_105 : i32
      %add3A_107 = arith.constant 0 : i32
      %add3A_108 = arith.addi %add3A_107, %mul3A_106 : i32
      %broadcast_in_dim3A_109 = arith.constant 0.000000e+00 : f32
      %broadcast_in_dim3A_110 = vector.broadcast %broadcast_in_dim3A_109 : f32 to vector<16xf32>
      %mul3A_111 = arith.constant 16 : i32
      %mul3A_112 = arith.muli %add3A_108, %mul3A_111 : i32
      %swap3A = arith.index_cast %mul3A_112 : i32 to index
      %swap3A_113 = tpu.vector_load %arg5[%swap3A] {strides = array<i32>} : memref<10240xf32, #tpu.memory_space<vmem>>, vector<16xf32>,
      tpu.vector_store %arg5[%swap3A], %broadcast_in_dim3A_110 {strides = array<i32>} : memref<10240xf32, #tpu.memory_space<vmem>>, vector<16xf32>,
    }
    %scan3A_4 = arith.constant 640 : i32
    %broadcast_in_dim3A = arith.constant 1.000000e+00 : f32
    %broadcast_in_dim3A_5 = vector.broadcast %broadcast_in_dim3A : f32 to vector<16xf32>
    %mul3A_6 = arith.constant 20000 : i32
    %mul3A_7 = arith.muli %add3A, %mul3A_6 : i32
    %scan3A_8 = arith.constant 0 : i32
    %scan3A_9 = arith.constant 10 : i32
    %scan3A_10 = arith.addi %scan3A_8, %scan3A_9 : i32
    %scan3A_11 = arith.constant 1 : i32
    scf.for %scan3A_104 = %scan3A_8 to %scan3A_10 step %scan3A_11  : i32 {
      %mul3A_105 = arith.constant 1 : i32
      %mul3A_106 = arith.muli %scan3A_104, %mul3A_105 : i32
      %add3A_107 = arith.constant 0 : i32
      %add3A_108 = arith.addi %add3A_107, %mul3A_106 : i32
      %mul3A_109 = arith.constant 2000 : i32
      %mul3A_110 = arith.muli %add3A_108, %mul3A_109 : i32
      %add3A_111 = arith.addi %mul3A_7, %mul3A_110 : i32
      "tpu.region"() ({
        %run_scoped3A_117 = tpu.sem_alloc : memref<!tpu.dma_semaphore, #tpu.memory_space<semaphore_mem>>
        %dma_start3A = tpu.memref_slice %arg2[%add3A_111] : memref<640000xi32, #tpu.memory_space<hbm>> -> memref<2000xi32, #tpu.memory_space<hbm>>
        %dma_start3A_118 = tpu.memref_slice %arg2[%add3A_111] : memref<640000xi32, #tpu.memory_space<hbm>> -> memref<2000xi32, #tpu.memory_space<hbm>>
        tpu.enqueue_dma source(%dma_start3A_118 : memref<2000xi32, #tpu.memory_space<hbm>>) target(%arg4 : memref<2000xi32, #tpu.memory_space<vmem>>) target_semaphore(%run_scoped3A_117 : memref<!tpu.dma_semaphore, #tpu.memory_space<semaphore_mem>>)
        %dma_wait3A = tpu.memref_slice %arg2[%add3A_111] : memref<640000xi32, #tpu.memory_space<hbm>> -> memref<2000xi32, #tpu.memory_space<hbm>>
        %dma_wait3A_119 = tpu.memref_slice %arg2[%add3A_111] : memref<640000xi32, #tpu.memory_space<hbm>> -> memref<2000xi32, #tpu.memory_space<hbm>>
        tpu.wait_dma2 semaphore(%run_scoped3A_117 : memref<!tpu.dma_semaphore, #tpu.memory_space<semaphore_mem>>) src(%dma_wait3A_119 : memref<2000xi32, #tpu.memory_space<hbm>>) dst(%arg4 : memref<2000xi32, #tpu.memory_space<vmem>>)
        tpu.yield
      }) : () -> ()
      %scan3A_112 = arith.constant 0 : i32
      %scan3A_113 = arith.constant 125 : i32
      %scan3A_114 = arith.addi %scan3A_112, %scan3A_113 : i32
      %scan3A_115 = arith.constant 1 : i32
      scf.for %scan3A_117 = %scan3A_112 to %scan3A_114 step %scan3A_115  : i32 {
        %mul3A_118 = arith.constant 1 : i32
        %mul3A_119 = arith.muli %scan3A_117, %mul3A_118 : i32
        %add3A_120 = arith.constant 0 : i32
        %add3A_121 = arith.addi %add3A_120, %mul3A_119 : i32
        %mul3A_122 = arith.constant 16 : i32
        %mul3A_123 = arith.muli %add3A_121, %mul3A_122 : i32
        %get3A = arith.index_cast %mul3A_123 : i32 to index
        %get3A_124 = tpu.vector_load %arg4[%get3A] {strides = array<i32>} : memref<2000xi32, #tpu.memory_space<vmem>>, vector<16xi32>,
        tpu.vector_store_idx %arg5[%get3A_124], %broadcast_in_dim3A_5 {add = true} : memref<10240xf32, #tpu.memory_space<vmem>>[vector<16xi32>], vector<16xf32>,
      }
      %scan3A_116 = arith.constant 125 : i32
    }
    %scan3A_12 = arith.constant 10 : i32
    %mul3A_13 = arith.constant 10240 : i32
    %mul3A_14 = arith.muli %arg1, %mul3A_13 : i32
    "tpu.region"() ({
      %run_scoped3A_104 = tpu.sem_alloc : memref<!tpu.dma_semaphore, #tpu.memory_space<semaphore_mem>>
      %dma_start3A = tpu.memref_slice %arg8[%mul3A_14] : memref<163840xf32, #tpu.memory_space<vmem_shared>> -> memref<10240xf32, #tpu.memory_space<vmem_shared>>
      %dma_start3A_105 = tpu.memref_slice %arg8[%mul3A_14] : memref<163840xf32, #tpu.memory_space<vmem_shared>> -> memref<10240xf32, #tpu.memory_space<vmem_shared>>
      tpu.enqueue_dma source(%arg5 : memref<10240xf32, #tpu.memory_space<vmem>>) target(%dma_start3A_105 : memref<10240xf32, #tpu.memory_space<vmem_shared>>) target_semaphore(%run_scoped3A_104 : memref<!tpu.dma_semaphore, #tpu.memory_space<semaphore_mem>>)
      %dma_wait3A = tpu.memref_slice %arg8[%mul3A_14] : memref<163840xf32, #tpu.memory_space<vmem_shared>> -> memref<10240xf32, #tpu.memory_space<vmem_shared>>
      %dma_wait3A_106 = tpu.memref_slice %arg8[%mul3A_14] : memref<163840xf32, #tpu.memory_space<vmem_shared>> -> memref<10240xf32, #tpu.memory_space<vmem_shared>>
      tpu.wait_dma2 semaphore(%run_scoped3A_104 : memref<!tpu.dma_semaphore, #tpu.memory_space<semaphore_mem>>) src(%arg5 : memref<10240xf32, #tpu.memory_space<vmem>>) dst(%dma_wait3A_106 : memref<10240xf32, #tpu.memory_space<vmem_shared>>)
      tpu.yield
    }) : () -> ()
    %barrier3A = arith.constant 0 : index
    tpu.barrier barrier_id(%barrier3A)
    %mul3A_15 = arith.constant 640 : i32
    %mul3A_16 = arith.muli %arg1, %mul3A_15 : i32
    %add3A_17 = arith.constant 0 : i32
    %add3A_18 = arith.addi %add3A_17, %mul3A_16 : i32
    %run_scoped3A = arith.constant 0 : i32
    "tpu.region"() ({
      %run_scoped3A_104 = tpu.sem_alloc : memref<!tpu.dma_semaphore, #tpu.memory_space<semaphore_mem>>
      %dma_start3A = arith.constant 0 : i32
      %dma_start3A_105 = tpu.memref_slice %arg6[%run_scoped3A, %dma_start3A] : memref<16x640xf32, #tpu.memory_space<vmem>> -> memref<1x640xf32, #tpu.memory_space<vmem>>
      %dma_start3A_106 = tpu.memref_squeeze %dma_start3A_105 : memref<1x640xf32, #tpu.memory_space<vmem>> -> memref<640xf32, #tpu.memory_space<vmem>>
      %dma_start3A_107 = tpu.memref_slice %arg8[%add3A_18] : memref<163840xf32, #tpu.memory_space<vmem_shared>> -> memref<640xf32, #tpu.memory_space<vmem_shared>>
      %dma_start3A_108 = arith.constant 0 : i32
      %dma_start3A_109 = tpu.memref_slice %arg6[%run_scoped3A, %dma_start3A_108] : memref<16x640xf32, #tpu.memory_space<vmem>> -> memref<1x640xf32, #tpu.memory_space<vmem>>
      %dma_start3A_110 = tpu.memref_squeeze %dma_start3A_109 : memref<1x640xf32, #tpu.memory_space<vmem>> -> memref<640xf32, #tpu.memory_space<vmem>>
      %dma_start3A_111 = tpu.memref_slice %arg8[%add3A_18] : memref<163840xf32, #tpu.memory_space<vmem_shared>> -> memref<640xf32, #tpu.memory_space<vmem_shared>>
      tpu.enqueue_dma source(%dma_start3A_111 : memref<640xf32, #tpu.memory_space<vmem_shared>>) target(%dma_start3A_110 : memref<640xf32, #tpu.memory_space<vmem>>) target_semaphore(%run_scoped3A_104 : memref<!tpu.dma_semaphore, #tpu.memory_space<semaphore_mem>>)
      %dma_wait3A = arith.constant 0 : i32
      %dma_wait3A_112 = tpu.memref_slice %arg6[%run_scoped3A, %dma_wait3A] : memref<16x640xf32, #tpu.memory_space<vmem>> -> memref<1x640xf32, #tpu.memory_space<vmem>>
      %dma_wait3A_113 = tpu.memref_squeeze %dma_wait3A_112 : memref<1x640xf32, #tpu.memory_space<vmem>> -> memref<640xf32, #tpu.memory_space<vmem>>
      %dma_wait3A_114 = tpu.memref_slice %arg8[%add3A_18] : memref<163840xf32, #tpu.memory_space<vmem_shared>> -> memref<640xf32, #tpu.memory_space<vmem_shared>>
      %dma_wait3A_115 = arith.constant 0 : i32
      %dma_wait3A_116 = tpu.memref_slice %arg6[%run_scoped3A, %dma_wait3A_115] : memref<16x640xf32, #tpu.memory_space<vmem>> -> memref<1x640xf32, #tpu.memory_space<vmem>>
      %dma_wait3A_117 = tpu.memref_squeeze %dma_wait3A_116 : memref<1x640xf32, #tpu.memory_space<vmem>> -> memref<640xf32, #tpu.memory_space<vmem>>
      %dma_wait3A_118 = tpu.memref_slice %arg8[%add3A_18] : memref<163840xf32, #tpu.memory_space<vmem_shared>> -> memref<640xf32, #tpu.memory_space<vmem_shared>>
      tpu.wait_dma2 semaphore(%run_scoped3A_104 : memref<!tpu.dma_semaphore, #tpu.memory_space<semaphore_mem>>) src(%dma_wait3A_118 : memref<640xf32, #tpu.memory_space<vmem_shared>>) dst(%dma_wait3A_117 : memref<640xf32, #tpu.memory_space<vmem>>)
      tpu.yield
    }) : () -> ()
    %mul3A_19 = arith.constant 640 : i32
    %mul3A_20 = arith.muli %arg1, %mul3A_19 : i32
    %add3A_21 = arith.constant 10240 : i32
    %add3A_22 = arith.addi %add3A_21, %mul3A_20 : i32
    %run_scoped3A_23 = arith.constant 1 : i32
    "tpu.region"() ({
      %run_scoped3A_104 = tpu.sem_alloc : memref<!tpu.dma_semaphore, #tpu.memory_space<semaphore_mem>>
      %dma_start3A = arith.constant 0 : i32
      %dma_start3A_105 = tpu.memref_slice %arg6[%run_scoped3A_23, %dma_start3A] : memref<16x640xf32, #tpu.memory_space<vmem>> -> memref<1x640xf32, #tpu.memory_space<vmem>>
      %dma_start3A_106 = tpu.memref_squeeze %dma_start3A_105 : memref<1x640xf32, #tpu.memory_space<vmem>> -> memref<640xf32, #tpu.memory_space<vmem>>
      %dma_start3A_107 = tpu.memref_slice %arg8[%add3A_22] : memref<163840xf32, #tpu.memory_space<vmem_shared>> -> memref<640xf32, #tpu.memory_space<vmem_shared>>
      %dma_start3A_108 = arith.constant 0 : i32
      %dma_start3A_109 = tpu.memref_slice %arg6[%run_scoped3A_23, %dma_start3A_108] : memref<16x640xf32, #tpu.memory_space<vmem>> -> memref<1x640xf32, #tpu.memory_space<vmem>>
      %dma_start3A_110 = tpu.memref_squeeze %dma_start3A_109 : memref<1x640xf32, #tpu.memory_space<vmem>> -> memref<640xf32, #tpu.memory_space<vmem>>
      %dma_start3A_111 = tpu.memref_slice %arg8[%add3A_22] : memref<163840xf32, #tpu.memory_space<vmem_shared>> -> memref<640xf32, #tpu.memory_space<vmem_shared>>
      tpu.enqueue_dma source(%dma_start3A_111 : memref<640xf32, #tpu.memory_space<vmem_shared>>) target(%dma_start3A_110 : memref<640xf32, #tpu.memory_space<vmem>>) target_semaphore(%run_scoped3A_104 : memref<!tpu.dma_semaphore, #tpu.memory_space<semaphore_mem>>)
      %dma_wait3A = arith.constant 0 : i32
      %dma_wait3A_112 = tpu.memref_slice %arg6[%run_scoped3A_23, %dma_wait3A] : memref<16x640xf32, #tpu.memory_space<vmem>> -> memref<1x640xf32, #tpu.memory_space<vmem>>
      %dma_wait3A_113 = tpu.memref_squeeze %dma_wait3A_112 : memref<1x640xf32, #tpu.memory_space<vmem>> -> memref<640xf32, #tpu.memory_space<vmem>>
      %dma_wait3A_114 = tpu.memref_slice %arg8[%add3A_22] : memref<163840xf32, #tpu.memory_space<vmem_shared>> -> memref<640xf32, #tpu.memory_space<vmem_shared>>
      %dma_wait3A_115 = arith.constant 0 : i32
      %dma_wait3A_116 = tpu.memref_slice %arg6[%run_scoped3A_23, %dma_wait3A_115] : memref<16x640xf32, #tpu.memory_space<vmem>> -> memref<1x640xf32, #tpu.memory_space<vmem>>
      %dma_wait3A_117 = tpu.memref_squeeze %dma_wait3A_116 : memref<1x640xf32, #tpu.memory_space<vmem>> -> memref<640xf32, #tpu.memory_space<vmem>>
      %dma_wait3A_118 = tpu.memref_slice %arg8[%add3A_22] : memref<163840xf32, #tpu.memory_space<vmem_shared>> -> memref<640xf32, #tpu.memory_space<vmem_shared>>
      tpu.wait_dma2 semaphore(%run_scoped3A_104 : memref<!tpu.dma_semaphore, #tpu.memory_space<semaphore_mem>>) src(%dma_wait3A_118 : memref<640xf32, #tpu.memory_space<vmem_shared>>) dst(%dma_wait3A_117 : memref<640xf32, #tpu.memory_space<vmem>>)
      tpu.yield
    }) : () -> ()
    %mul3A_24 = arith.constant 640 : i32
    %mul3A_25 = arith.muli %arg1, %mul3A_24 : i32
    %add3A_26 = arith.constant 20480 : i32
    %add3A_27 = arith.addi %add3A_26, %mul3A_25 : i32
    %run_scoped3A_28 = arith.constant 2 : i32
    "tpu.region"() ({
      %run_scoped3A_104 = tpu.sem_alloc : memref<!tpu.dma_semaphore, #tpu.memory_space<semaphore_mem>>
      %dma_start3A = arith.constant 0 : i32
      %dma_start3A_105 = tpu.memref_slice %arg6[%run_scoped3A_28, %dma_start3A] : memref<16x640xf32, #tpu.memory_space<vmem>> -> memref<1x640xf32, #tpu.memory_space<vmem>>
      %dma_start3A_106 = tpu.memref_squeeze %dma_start3A_105 : memref<1x640xf32, #tpu.memory_space<vmem>> -> memref<640xf32, #tpu.memory_space<vmem>>
      %dma_start3A_107 = tpu.memref_slice %arg8[%add3A_27] : memref<163840xf32, #tpu.memory_space<vmem_shared>> -> memref<640xf32, #tpu.memory_space<vmem_shared>>
      %dma_start3A_108 = arith.constant 0 : i32
      %dma_start3A_109 = tpu.memref_slice %arg6[%run_scoped3A_28, %dma_start3A_108] : memref<16x640xf32, #tpu.memory_space<vmem>> -> memref<1x640xf32, #tpu.memory_space<vmem>>
      %dma_start3A_110 = tpu.memref_squeeze %dma_start3A_109 : memref<1x640xf32, #tpu.memory_space<vmem>> -> memref<640xf32, #tpu.memory_space<vmem>>
      %dma_start3A_111 = tpu.memref_slice %arg8[%add3A_27] : memref<163840xf32, #tpu.memory_space<vmem_shared>> -> memref<640xf32, #tpu.memory_space<vmem_shared>>
      tpu.enqueue_dma source(%dma_start3A_111 : memref<640xf32, #tpu.memory_space<vmem_shared>>) target(%dma_start3A_110 : memref<640xf32, #tpu.memory_space<vmem>>) target_semaphore(%run_scoped3A_104 : memref<!tpu.dma_semaphore, #tpu.memory_space<semaphore_mem>>)
      %dma_wait3A = arith.constant 0 : i32
      %dma_wait3A_112 = tpu.memref_slice %arg6[%run_scoped3A_28, %dma_wait3A] : memref<16x640xf32, #tpu.memory_space<vmem>> -> memref<1x640xf32, #tpu.memory_space<vmem>>
      %dma_wait3A_113 = tpu.memref_squeeze %dma_wait3A_112 : memref<1x640xf32, #tpu.memory_space<vmem>> -> memref<640xf32, #tpu.memory_space<vmem>>
      %dma_wait3A_114 = tpu.memref_slice %arg8[%add3A_27] : memref<163840xf32, #tpu.memory_space<vmem_shared>> -> memref<640xf32, #tpu.memory_space<vmem_shared>>
      %dma_wait3A_115 = arith.constant 0 : i32
      %dma_wait3A_116 = tpu.memref_slice %arg6[%run_scoped3A_28, %dma_wait3A_115] : memref<16x640xf32, #tpu.memory_space<vmem>> -> memref<1x640xf32, #tpu.memory_space<vmem>>
      %dma_wait3A_117 = tpu.memref_squeeze %dma_wait3A_116 : memref<1x640xf32, #tpu.memory_space<vmem>> -> memref<640xf32, #tpu.memory_space<vmem>>
      %dma_wait3A_118 = tpu.memref_slice %arg8[%add3A_27] : memref<163840xf32, #tpu.memory_space<vmem_shared>> -> memref<640xf32, #tpu.memory_space<vmem_shared>>
      tpu.wait_dma2 semaphore(%run_scoped3A_104 : memref<!tpu.dma_semaphore, #tpu.memory_space<semaphore_mem>>) src(%dma_wait3A_118 : memref<640xf32, #tpu.memory_space<vmem_shared>>) dst(%dma_wait3A_117 : memref<640xf32, #tpu.memory_space<vmem>>)
      tpu.yield
    }) : () -> ()
    %mul3A_29 = arith.constant 640 : i32
    %mul3A_30 = arith.muli %arg1, %mul3A_29 : i32
    %add3A_31 = arith.constant 30720 : i32
    %add3A_32 = arith.addi %add3A_31, %mul3A_30 : i32
    %run_scoped3A_33 = arith.constant 3 : i32
    "tpu.region"() ({
      %run_scoped3A_104 = tpu.sem_alloc : memref<!tpu.dma_semaphore, #tpu.memory_space<semaphore_mem>>
      %dma_start3A = arith.constant 0 : i32
      %dma_start3A_105 = tpu.memref_slice %arg6[%run_scoped3A_33, %dma_start3A] : memref<16x640xf32, #tpu.memory_space<vmem>> -> memref<1x640xf32, #tpu.memory_space<vmem>>
      %dma_start3A_106 = tpu.memref_squeeze %dma_start3A_105 : memref<1x640xf32, #tpu.memory_space<vmem>> -> memref<640xf32, #tpu.memory_space<vmem>>
      %dma_start3A_107 = tpu.memref_slice %arg8[%add3A_32] : memref<163840xf32, #tpu.memory_space<vmem_shared>> -> memref<640xf32, #tpu.memory_space<vmem_shared>>
      %dma_start3A_108 = arith.constant 0 : i32
      %dma_start3A_109 = tpu.memref_slice %arg6[%run_scoped3A_33, %dma_start3A_108] : memref<16x640xf32, #tpu.memory_space<vmem>> -> memref<1x640xf32, #tpu.memory_space<vmem>>
      %dma_start3A_110 = tpu.memref_squeeze %dma_start3A_109 : memref<1x640xf32, #tpu.memory_space<vmem>> -> memref<640xf32, #tpu.memory_space<vmem>>
      %dma_start3A_111 = tpu.memref_slice %arg8[%add3A_32] : memref<163840xf32, #tpu.memory_space<vmem_shared>> -> memref<640xf32, #tpu.memory_space<vmem_shared>>
      tpu.enqueue_dma source(%dma_start3A_111 : memref<640xf32, #tpu.memory_space<vmem_shared>>) target(%dma_start3A_110 : memref<640xf32, #tpu.memory_space<vmem>>) target_semaphore(%run_scoped3A_104 : memref<!tpu.dma_semaphore, #tpu.memory_space<semaphore_mem>>)
      %dma_wait3A = arith.constant 0 : i32
      %dma_wait3A_112 = tpu.memref_slice %arg6[%run_scoped3A_33, %dma_wait3A] : memref<16x640xf32, #tpu.memory_space<vmem>> -> memref<1x640xf32, #tpu.memory_space<vmem>>
      %dma_wait3A_113 = tpu.memref_squeeze %dma_wait3A_112 : memref<1x640xf32, #tpu.memory_space<vmem>> -> memref<640xf32, #tpu.memory_space<vmem>>
      %dma_wait3A_114 = tpu.memref_slice %arg8[%add3A_32] : memref<163840xf32, #tpu.memory_space<vmem_shared>> -> memref<640xf32, #tpu.memory_space<vmem_shared>>
      %dma_wait3A_115 = arith.constant 0 : i32
      %dma_wait3A_116 = tpu.memref_slice %arg6[%run_scoped3A_33, %dma_wait3A_115] : memref<16x640xf32, #tpu.memory_space<vmem>> -> memref<1x640xf32, #tpu.memory_space<vmem>>
      %dma_wait3A_117 = tpu.memref_squeeze %dma_wait3A_116 : memref<1x640xf32, #tpu.memory_space<vmem>> -> memref<640xf32, #tpu.memory_space<vmem>>
      %dma_wait3A_118 = tpu.memref_slice %arg8[%add3A_32] : memref<163840xf32, #tpu.memory_space<vmem_shared>> -> memref<640xf32, #tpu.memory_space<vmem_shared>>
      tpu.wait_dma2 semaphore(%run_scoped3A_104 : memref<!tpu.dma_semaphore, #tpu.memory_space<semaphore_mem>>) src(%dma_wait3A_118 : memref<640xf32, #tpu.memory_space<vmem_shared>>) dst(%dma_wait3A_117 : memref<640xf32, #tpu.memory_space<vmem>>)
      tpu.yield
    }) : () -> ()
    %mul3A_34 = arith.constant 640 : i32
    %mul3A_35 = arith.muli %arg1, %mul3A_34 : i32
    %add3A_36 = arith.constant 40960 : i32
    %add3A_37 = arith.addi %add3A_36, %mul3A_35 : i32
    %run_scoped3A_38 = arith.constant 4 : i32
    "tpu.region"() ({
      %run_scoped3A_104 = tpu.sem_alloc : memref<!tpu.dma_semaphore, #tpu.memory_space<semaphore_mem>>
      %dma_start3A = arith.constant 0 : i32
      %dma_start3A_105 = tpu.memref_slice %arg6[%run_scoped3A_38, %dma_start3A] : memref<16x640xf32, #tpu.memory_space<vmem>> -> memref<1x640xf32, #tpu.memory_space<vmem>>
      %dma_start3A_106 = tpu.memref_squeeze %dma_start3A_105 : memref<1x640xf32, #tpu.memory_space<vmem>> -> memref<640xf32, #tpu.memory_space<vmem>>
      %dma_start3A_107 = tpu.memref_slice %arg8[%add3A_37] : memref<163840xf32, #tpu.memory_space<vmem_shared>> -> memref<640xf32, #tpu.memory_space<vmem_shared>>
      %dma_start3A_108 = arith.constant 0 : i32
      %dma_start3A_109 = tpu.memref_slice %arg6[%run_scoped3A_38, %dma_start3A_108] : memref<16x640xf32, #tpu.memory_space<vmem>> -> memref<1x640xf32, #tpu.memory_space<vmem>>
      %dma_start3A_110 = tpu.memref_squeeze %dma_start3A_109 : memref<1x640xf32, #tpu.memory_space<vmem>> -> memref<640xf32, #tpu.memory_space<vmem>>
      %dma_start3A_111 = tpu.memref_slice %arg8[%add3A_37] : memref<163840xf32, #tpu.memory_space<vmem_shared>> -> memref<640xf32, #tpu.memory_space<vmem_shared>>
      tpu.enqueue_dma source(%dma_start3A_111 : memref<640xf32, #tpu.memory_space<vmem_shared>>) target(%dma_start3A_110 : memref<640xf32, #tpu.memory_space<vmem>>) target_semaphore(%run_scoped3A_104 : memref<!tpu.dma_semaphore, #tpu.memory_space<semaphore_mem>>)
      %dma_wait3A = arith.constant 0 : i32
      %dma_wait3A_112 = tpu.memref_slice %arg6[%run_scoped3A_38, %dma_wait3A] : memref<16x640xf32, #tpu.memory_space<vmem>> -> memref<1x640xf32, #tpu.memory_space<vmem>>
      %dma_wait3A_113 = tpu.memref_squeeze %dma_wait3A_112 : memref<1x640xf32, #tpu.memory_space<vmem>> -> memref<640xf32, #tpu.memory_space<vmem>>
      %dma_wait3A_114 = tpu.memref_slice %arg8[%add3A_37] : memref<163840xf32, #tpu.memory_space<vmem_shared>> -> memref<640xf32, #tpu.memory_space<vmem_shared>>
      %dma_wait3A_115 = arith.constant 0 : i32
      %dma_wait3A_116 = tpu.memref_slice %arg6[%run_scoped3A_38, %dma_wait3A_115] : memref<16x640xf32, #tpu.memory_space<vmem>> -> memref<1x640xf32, #tpu.memory_space<vmem>>
      %dma_wait3A_117 = tpu.memref_squeeze %dma_wait3A_116 : memref<1x640xf32, #tpu.memory_space<vmem>> -> memref<640xf32, #tpu.memory_space<vmem>>
      %dma_wait3A_118 = tpu.memref_slice %arg8[%add3A_37] : memref<163840xf32, #tpu.memory_space<vmem_shared>> -> memref<640xf32, #tpu.memory_space<vmem_shared>>
      tpu.wait_dma2 semaphore(%run_scoped3A_104 : memref<!tpu.dma_semaphore, #tpu.memory_space<semaphore_mem>>) src(%dma_wait3A_118 : memref<640xf32, #tpu.memory_space<vmem_shared>>) dst(%dma_wait3A_117 : memref<640xf32, #tpu.memory_space<vmem>>)
      tpu.yield
    }) : () -> ()
    %mul3A_39 = arith.constant 640 : i32
    %mul3A_40 = arith.muli %arg1, %mul3A_39 : i32
    %add3A_41 = arith.constant 51200 : i32
    %add3A_42 = arith.addi %add3A_41, %mul3A_40 : i32
    %run_scoped3A_43 = arith.constant 5 : i32
    "tpu.region"() ({
      %run_scoped3A_104 = tpu.sem_alloc : memref<!tpu.dma_semaphore, #tpu.memory_space<semaphore_mem>>
      %dma_start3A = arith.constant 0 : i32
      %dma_start3A_105 = tpu.memref_slice %arg6[%run_scoped3A_43, %dma_start3A] : memref<16x640xf32, #tpu.memory_space<vmem>> -> memref<1x640xf32, #tpu.memory_space<vmem>>
      %dma_start3A_106 = tpu.memref_squeeze %dma_start3A_105 : memref<1x640xf32, #tpu.memory_space<vmem>> -> memref<640xf32, #tpu.memory_space<vmem>>
      %dma_start3A_107 = tpu.memref_slice %arg8[%add3A_42] : memref<163840xf32, #tpu.memory_space<vmem_shared>> -> memref<640xf32, #tpu.memory_space<vmem_shared>>
      %dma_start3A_108 = arith.constant 0 : i32
      %dma_start3A_109 = tpu.memref_slice %arg6[%run_scoped3A_43, %dma_start3A_108] : memref<16x640xf32, #tpu.memory_space<vmem>> -> memref<1x640xf32, #tpu.memory_space<vmem>>
      %dma_start3A_110 = tpu.memref_squeeze %dma_start3A_109 : memref<1x640xf32, #tpu.memory_space<vmem>> -> memref<640xf32, #tpu.memory_space<vmem>>
      %dma_start3A_111 = tpu.memref_slice %arg8[%add3A_42] : memref<163840xf32, #tpu.memory_space<vmem_shared>> -> memref<640xf32, #tpu.memory_space<vmem_shared>>
      tpu.enqueue_dma source(%dma_start3A_111 : memref<640xf32, #tpu.memory_space<vmem_shared>>) target(%dma_start3A_110 : memref<640xf32, #tpu.memory_space<vmem>>) target_semaphore(%run_scoped3A_104 : memref<!tpu.dma_semaphore, #tpu.memory_space<semaphore_mem>>)
      %dma_wait3A = arith.constant 0 : i32
      %dma_wait3A_112 = tpu.memref_slice %arg6[%run_scoped3A_43, %dma_wait3A] : memref<16x640xf32, #tpu.memory_space<vmem>> -> memref<1x640xf32, #tpu.memory_space<vmem>>
      %dma_wait3A_113 = tpu.memref_squeeze %dma_wait3A_112 : memref<1x640xf32, #tpu.memory_space<vmem>> -> memref<640xf32, #tpu.memory_space<vmem>>
      %dma_wait3A_114 = tpu.memref_slice %arg8[%add3A_42] : memref<163840xf32, #tpu.memory_space<vmem_shared>> -> memref<640xf32, #tpu.memory_space<vmem_shared>>
      %dma_wait3A_115 = arith.constant 0 : i32
      %dma_wait3A_116 = tpu.memref_slice %arg6[%run_scoped3A_43, %dma_wait3A_115] : memref<16x640xf32, #tpu.memory_space<vmem>> -> memref<1x640xf32, #tpu.memory_space<vmem>>
      %dma_wait3A_117 = tpu.memref_squeeze %dma_wait3A_116 : memref<1x640xf32, #tpu.memory_space<vmem>> -> memref<640xf32, #tpu.memory_space<vmem>>
      %dma_wait3A_118 = tpu.memref_slice %arg8[%add3A_42] : memref<163840xf32, #tpu.memory_space<vmem_shared>> -> memref<640xf32, #tpu.memory_space<vmem_shared>>
      tpu.wait_dma2 semaphore(%run_scoped3A_104 : memref<!tpu.dma_semaphore, #tpu.memory_space<semaphore_mem>>) src(%dma_wait3A_118 : memref<640xf32, #tpu.memory_space<vmem_shared>>) dst(%dma_wait3A_117 : memref<640xf32, #tpu.memory_space<vmem>>)
      tpu.yield
    }) : () -> ()
    %mul3A_44 = arith.constant 640 : i32
    %mul3A_45 = arith.muli %arg1, %mul3A_44 : i32
    %add3A_46 = arith.constant 61440 : i32
    %add3A_47 = arith.addi %add3A_46, %mul3A_45 : i32
    %run_scoped3A_48 = arith.constant 6 : i32
    "tpu.region"() ({
      %run_scoped3A_104 = tpu.sem_alloc : memref<!tpu.dma_semaphore, #tpu.memory_space<semaphore_mem>>
      %dma_start3A = arith.constant 0 : i32
      %dma_start3A_105 = tpu.memref_slice %arg6[%run_scoped3A_48, %dma_start3A] : memref<16x640xf32, #tpu.memory_space<vmem>> -> memref<1x640xf32, #tpu.memory_space<vmem>>
      %dma_start3A_106 = tpu.memref_squeeze %dma_start3A_105 : memref<1x640xf32, #tpu.memory_space<vmem>> -> memref<640xf32, #tpu.memory_space<vmem>>
      %dma_start3A_107 = tpu.memref_slice %arg8[%add3A_47] : memref<163840xf32, #tpu.memory_space<vmem_shared>> -> memref<640xf32, #tpu.memory_space<vmem_shared>>
      %dma_start3A_108 = arith.constant 0 : i32
      %dma_start3A_109 = tpu.memref_slice %arg6[%run_scoped3A_48, %dma_start3A_108] : memref<16x640xf32, #tpu.memory_space<vmem>> -> memref<1x640xf32, #tpu.memory_space<vmem>>
      %dma_start3A_110 = tpu.memref_squeeze %dma_start3A_109 : memref<1x640xf32, #tpu.memory_space<vmem>> -> memref<640xf32, #tpu.memory_space<vmem>>
      %dma_start3A_111 = tpu.memref_slice %arg8[%add3A_47] : memref<163840xf32, #tpu.memory_space<vmem_shared>> -> memref<640xf32, #tpu.memory_space<vmem_shared>>
      tpu.enqueue_dma source(%dma_start3A_111 : memref<640xf32, #tpu.memory_space<vmem_shared>>) target(%dma_start3A_110 : memref<640xf32, #tpu.memory_space<vmem>>) target_semaphore(%run_scoped3A_104 : memref<!tpu.dma_semaphore, #tpu.memory_space<semaphore_mem>>)
      %dma_wait3A = arith.constant 0 : i32
      %dma_wait3A_112 = tpu.memref_slice %arg6[%run_scoped3A_48, %dma_wait3A] : memref<16x640xf32, #tpu.memory_space<vmem>> -> memref<1x640xf32, #tpu.memory_space<vmem>>
      %dma_wait3A_113 = tpu.memref_squeeze %dma_wait3A_112 : memref<1x640xf32, #tpu.memory_space<vmem>> -> memref<640xf32, #tpu.memory_space<vmem>>
      %dma_wait3A_114 = tpu.memref_slice %arg8[%add3A_47] : memref<163840xf32, #tpu.memory_space<vmem_shared>> -> memref<640xf32, #tpu.memory_space<vmem_shared>>
      %dma_wait3A_115 = arith.constant 0 : i32
      %dma_wait3A_116 = tpu.memref_slice %arg6[%run_scoped3A_48, %dma_wait3A_115] : memref<16x640xf32, #tpu.memory_space<vmem>> -> memref<1x640xf32, #tpu.memory_space<vmem>>
      %dma_wait3A_117 = tpu.memref_squeeze %dma_wait3A_116 : memref<1x640xf32, #tpu.memory_space<vmem>> -> memref<640xf32, #tpu.memory_space<vmem>>
      %dma_wait3A_118 = tpu.memref_slice %arg8[%add3A_47] : memref<163840xf32, #tpu.memory_space<vmem_shared>> -> memref<640xf32, #tpu.memory_space<vmem_shared>>
      tpu.wait_dma2 semaphore(%run_scoped3A_104 : memref<!tpu.dma_semaphore, #tpu.memory_space<semaphore_mem>>) src(%dma_wait3A_118 : memref<640xf32, #tpu.memory_space<vmem_shared>>) dst(%dma_wait3A_117 : memref<640xf32, #tpu.memory_space<vmem>>)
      tpu.yield
    }) : () -> ()
    %mul3A_49 = arith.constant 640 : i32
    %mul3A_50 = arith.muli %arg1, %mul3A_49 : i32
    %add3A_51 = arith.constant 71680 : i32
    %add3A_52 = arith.addi %add3A_51, %mul3A_50 : i32
    %run_scoped3A_53 = arith.constant 7 : i32
    "tpu.region"() ({
      %run_scoped3A_104 = tpu.sem_alloc : memref<!tpu.dma_semaphore, #tpu.memory_space<semaphore_mem>>
      %dma_start3A = arith.constant 0 : i32
      %dma_start3A_105 = tpu.memref_slice %arg6[%run_scoped3A_53, %dma_start3A] : memref<16x640xf32, #tpu.memory_space<vmem>> -> memref<1x640xf32, #tpu.memory_space<vmem>>
      %dma_start3A_106 = tpu.memref_squeeze %dma_start3A_105 : memref<1x640xf32, #tpu.memory_space<vmem>> -> memref<640xf32, #tpu.memory_space<vmem>>
      %dma_start3A_107 = tpu.memref_slice %arg8[%add3A_52] : memref<163840xf32, #tpu.memory_space<vmem_shared>> -> memref<640xf32, #tpu.memory_space<vmem_shared>>
      %dma_start3A_108 = arith.constant 0 : i32
      %dma_start3A_109 = tpu.memref_slice %arg6[%run_scoped3A_53, %dma_start3A_108] : memref<16x640xf32, #tpu.memory_space<vmem>> -> memref<1x640xf32, #tpu.memory_space<vmem>>
      %dma_start3A_110 = tpu.memref_squeeze %dma_start3A_109 : memref<1x640xf32, #tpu.memory_space<vmem>> -> memref<640xf32, #tpu.memory_space<vmem>>
      %dma_start3A_111 = tpu.memref_slice %arg8[%add3A_52] : memref<163840xf32, #tpu.memory_space<vmem_shared>> -> memref<640xf32, #tpu.memory_space<vmem_shared>>
      tpu.enqueue_dma source(%dma_start3A_111 : memref<640xf32, #tpu.memory_space<vmem_shared>>) target(%dma_start3A_110 : memref<640xf32, #tpu.memory_space<vmem>>) target_semaphore(%run_scoped3A_104 : memref<!tpu.dma_semaphore, #tpu.memory_space<semaphore_mem>>)
      %dma_wait3A = arith.constant 0 : i32
      %dma_wait3A_112 = tpu.memref_slice %arg6[%run_scoped3A_53, %dma_wait3A] : memref<16x640xf32, #tpu.memory_space<vmem>> -> memref<1x640xf32, #tpu.memory_space<vmem>>
      %dma_wait3A_113 = tpu.memref_squeeze %dma_wait3A_112 : memref<1x640xf32, #tpu.memory_space<vmem>> -> memref<640xf32, #tpu.memory_space<vmem>>
      %dma_wait3A_114 = tpu.memref_slice %arg8[%add3A_52] : memref<163840xf32, #tpu.memory_space<vmem_shared>> -> memref<640xf32, #tpu.memory_space<vmem_shared>>
      %dma_wait3A_115 = arith.constant 0 : i32
      %dma_wait3A_116 = tpu.memref_slice %arg6[%run_scoped3A_53, %dma_wait3A_115] : memref<16x640xf32, #tpu.memory_space<vmem>> -> memref<1x640xf32, #tpu.memory_space<vmem>>
      %dma_wait3A_117 = tpu.memref_squeeze %dma_wait3A_116 : memref<1x640xf32, #tpu.memory_space<vmem>> -> memref<640xf32, #tpu.memory_space<vmem>>
      %dma_wait3A_118 = tpu.memref_slice %arg8[%add3A_52] : memref<163840xf32, #tpu.memory_space<vmem_shared>> -> memref<640xf32, #tpu.memory_space<vmem_shared>>
      tpu.wait_dma2 semaphore(%run_scoped3A_104 : memref<!tpu.dma_semaphore, #tpu.memory_space<semaphore_mem>>) src(%dma_wait3A_118 : memref<640xf32, #tpu.memory_space<vmem_shared>>) dst(%dma_wait3A_117 : memref<640xf32, #tpu.memory_space<vmem>>)
      tpu.yield
    }) : () -> ()
    %mul3A_54 = arith.constant 640 : i32
    %mul3A_55 = arith.muli %arg1, %mul3A_54 : i32
    %add3A_56 = arith.constant 81920 : i32
    %add3A_57 = arith.addi %add3A_56, %mul3A_55 : i32
    %run_scoped3A_58 = arith.constant 8 : i32
    "tpu.region"() ({
      %run_scoped3A_104 = tpu.sem_alloc : memref<!tpu.dma_semaphore, #tpu.memory_space<semaphore_mem>>
      %dma_start3A = arith.constant 0 : i32
      %dma_start3A_105 = tpu.memref_slice %arg6[%run_scoped3A_58, %dma_start3A] : memref<16x640xf32, #tpu.memory_space<vmem>> -> memref<1x640xf32, #tpu.memory_space<vmem>>
      %dma_start3A_106 = tpu.memref_squeeze %dma_start3A_105 : memref<1x640xf32, #tpu.memory_space<vmem>> -> memref<640xf32, #tpu.memory_space<vmem>>
      %dma_start3A_107 = tpu.memref_slice %arg8[%add3A_57] : memref<163840xf32, #tpu.memory_space<vmem_shared>> -> memref<640xf32, #tpu.memory_space<vmem_shared>>
      %dma_start3A_108 = arith.constant 0 : i32
      %dma_start3A_109 = tpu.memref_slice %arg6[%run_scoped3A_58, %dma_start3A_108] : memref<16x640xf32, #tpu.memory_space<vmem>> -> memref<1x640xf32, #tpu.memory_space<vmem>>
      %dma_start3A_110 = tpu.memref_squeeze %dma_start3A_109 : memref<1x640xf32, #tpu.memory_space<vmem>> -> memref<640xf32, #tpu.memory_space<vmem>>
      %dma_start3A_111 = tpu.memref_slice %arg8[%add3A_57] : memref<163840xf32, #tpu.memory_space<vmem_shared>> -> memref<640xf32, #tpu.memory_space<vmem_shared>>
      tpu.enqueue_dma source(%dma_start3A_111 : memref<640xf32, #tpu.memory_space<vmem_shared>>) target(%dma_start3A_110 : memref<640xf32, #tpu.memory_space<vmem>>) target_semaphore(%run_scoped3A_104 : memref<!tpu.dma_semaphore, #tpu.memory_space<semaphore_mem>>)
      %dma_wait3A = arith.constant 0 : i32
      %dma_wait3A_112 = tpu.memref_slice %arg6[%run_scoped3A_58, %dma_wait3A] : memref<16x640xf32, #tpu.memory_space<vmem>> -> memref<1x640xf32, #tpu.memory_space<vmem>>
      %dma_wait3A_113 = tpu.memref_squeeze %dma_wait3A_112 : memref<1x640xf32, #tpu.memory_space<vmem>> -> memref<640xf32, #tpu.memory_space<vmem>>
      %dma_wait3A_114 = tpu.memref_slice %arg8[%add3A_57] : memref<163840xf32, #tpu.memory_space<vmem_shared>> -> memref<640xf32, #tpu.memory_space<vmem_shared>>
      %dma_wait3A_115 = arith.constant 0 : i32
      %dma_wait3A_116 = tpu.memref_slice %arg6[%run_scoped3A_58, %dma_wait3A_115] : memref<16x640xf32, #tpu.memory_space<vmem>> -> memref<1x640xf32, #tpu.memory_space<vmem>>
      %dma_wait3A_117 = tpu.memref_squeeze %dma_wait3A_116 : memref<1x640xf32, #tpu.memory_space<vmem>> -> memref<640xf32, #tpu.memory_space<vmem>>
      %dma_wait3A_118 = tpu.memref_slice %arg8[%add3A_57] : memref<163840xf32, #tpu.memory_space<vmem_shared>> -> memref<640xf32, #tpu.memory_space<vmem_shared>>
      tpu.wait_dma2 semaphore(%run_scoped3A_104 : memref<!tpu.dma_semaphore, #tpu.memory_space<semaphore_mem>>) src(%dma_wait3A_118 : memref<640xf32, #tpu.memory_space<vmem_shared>>) dst(%dma_wait3A_117 : memref<640xf32, #tpu.memory_space<vmem>>)
      tpu.yield
    }) : () -> ()
    %mul3A_59 = arith.constant 640 : i32
    %mul3A_60 = arith.muli %arg1, %mul3A_59 : i32
    %add3A_61 = arith.constant 92160 : i32
    %add3A_62 = arith.addi %add3A_61, %mul3A_60 : i32
    %run_scoped3A_63 = arith.constant 9 : i32
    "tpu.region"() ({
      %run_scoped3A_104 = tpu.sem_alloc : memref<!tpu.dma_semaphore, #tpu.memory_space<semaphore_mem>>
      %dma_start3A = arith.constant 0 : i32
      %dma_start3A_105 = tpu.memref_slice %arg6[%run_scoped3A_63, %dma_start3A] : memref<16x640xf32, #tpu.memory_space<vmem>> -> memref<1x640xf32, #tpu.memory_space<vmem>>
      %dma_start3A_106 = tpu.memref_squeeze %dma_start3A_105 : memref<1x640xf32, #tpu.memory_space<vmem>> -> memref<640xf32, #tpu.memory_space<vmem>>
      %dma_start3A_107 = tpu.memref_slice %arg8[%add3A_62] : memref<163840xf32, #tpu.memory_space<vmem_shared>> -> memref<640xf32, #tpu.memory_space<vmem_shared>>
      %dma_start3A_108 = arith.constant 0 : i32
      %dma_start3A_109 = tpu.memref_slice %arg6[%run_scoped3A_63, %dma_start3A_108] : memref<16x640xf32, #tpu.memory_space<vmem>> -> memref<1x640xf32, #tpu.memory_space<vmem>>
      %dma_start3A_110 = tpu.memref_squeeze %dma_start3A_109 : memref<1x640xf32, #tpu.memory_space<vmem>> -> memref<640xf32, #tpu.memory_space<vmem>>
      %dma_start3A_111 = tpu.memref_slice %arg8[%add3A_62] : memref<163840xf32, #tpu.memory_space<vmem_shared>> -> memref<640xf32, #tpu.memory_space<vmem_shared>>
      tpu.enqueue_dma source(%dma_start3A_111 : memref<640xf32, #tpu.memory_space<vmem_shared>>) target(%dma_start3A_110 : memref<640xf32, #tpu.memory_space<vmem>>) target_semaphore(%run_scoped3A_104 : memref<!tpu.dma_semaphore, #tpu.memory_space<semaphore_mem>>)
      %dma_wait3A = arith.constant 0 : i32
      %dma_wait3A_112 = tpu.memref_slice %arg6[%run_scoped3A_63, %dma_wait3A] : memref<16x640xf32, #tpu.memory_space<vmem>> -> memref<1x640xf32, #tpu.memory_space<vmem>>
      %dma_wait3A_113 = tpu.memref_squeeze %dma_wait3A_112 : memref<1x640xf32, #tpu.memory_space<vmem>> -> memref<640xf32, #tpu.memory_space<vmem>>
      %dma_wait3A_114 = tpu.memref_slice %arg8[%add3A_62] : memref<163840xf32, #tpu.memory_space<vmem_shared>> -> memref<640xf32, #tpu.memory_space<vmem_shared>>
      %dma_wait3A_115 = arith.constant 0 : i32
      %dma_wait3A_116 = tpu.memref_slice %arg6[%run_scoped3A_63, %dma_wait3A_115] : memref<16x640xf32, #tpu.memory_space<vmem>> -> memref<1x640xf32, #tpu.memory_space<vmem>>
      %dma_wait3A_117 = tpu.memref_squeeze %dma_wait3A_116 : memref<1x640xf32, #tpu.memory_space<vmem>> -> memref<640xf32, #tpu.memory_space<vmem>>
      %dma_wait3A_118 = tpu.memref_slice %arg8[%add3A_62] : memref<163840xf32, #tpu.memory_space<vmem_shared>> -> memref<640xf32, #tpu.memory_space<vmem_shared>>
      tpu.wait_dma2 semaphore(%run_scoped3A_104 : memref<!tpu.dma_semaphore, #tpu.memory_space<semaphore_mem>>) src(%dma_wait3A_118 : memref<640xf32, #tpu.memory_space<vmem_shared>>) dst(%dma_wait3A_117 : memref<640xf32, #tpu.memory_space<vmem>>)
      tpu.yield
    }) : () -> ()
    %mul3A_64 = arith.constant 640 : i32
    %mul3A_65 = arith.muli %arg1, %mul3A_64 : i32
    %add3A_66 = arith.constant 102400 : i32
    %add3A_67 = arith.addi %add3A_66, %mul3A_65 : i32
    %run_scoped3A_68 = arith.constant 10 : i32
    "tpu.region"() ({
      %run_scoped3A_104 = tpu.sem_alloc : memref<!tpu.dma_semaphore, #tpu.memory_space<semaphore_mem>>
      %dma_start3A = arith.constant 0 : i32
      %dma_start3A_105 = tpu.memref_slice %arg6[%run_scoped3A_68, %dma_start3A] : memref<16x640xf32, #tpu.memory_space<vmem>> -> memref<1x640xf32, #tpu.memory_space<vmem>>
      %dma_start3A_106 = tpu.memref_squeeze %dma_start3A_105 : memref<1x640xf32, #tpu.memory_space<vmem>> -> memref<640xf32, #tpu.memory_space<vmem>>
      %dma_start3A_107 = tpu.memref_slice %arg8[%add3A_67] : memref<163840xf32, #tpu.memory_space<vmem_shared>> -> memref<640xf32, #tpu.memory_space<vmem_shared>>
      %dma_start3A_108 = arith.constant 0 : i32
      %dma_start3A_109 = tpu.memref_slice %arg6[%run_scoped3A_68, %dma_start3A_108] : memref<16x640xf32, #tpu.memory_space<vmem>> -> memref<1x640xf32, #tpu.memory_space<vmem>>
      %dma_start3A_110 = tpu.memref_squeeze %dma_start3A_109 : memref<1x640xf32, #tpu.memory_space<vmem>> -> memref<640xf32, #tpu.memory_space<vmem>>
      %dma_start3A_111 = tpu.memref_slice %arg8[%add3A_67] : memref<163840xf32, #tpu.memory_space<vmem_shared>> -> memref<640xf32, #tpu.memory_space<vmem_shared>>
      tpu.enqueue_dma source(%dma_start3A_111 : memref<640xf32, #tpu.memory_space<vmem_shared>>) target(%dma_start3A_110 : memref<640xf32, #tpu.memory_space<vmem>>) target_semaphore(%run_scoped3A_104 : memref<!tpu.dma_semaphore, #tpu.memory_space<semaphore_mem>>)
      %dma_wait3A = arith.constant 0 : i32
      %dma_wait3A_112 = tpu.memref_slice %arg6[%run_scoped3A_68, %dma_wait3A] : memref<16x640xf32, #tpu.memory_space<vmem>> -> memref<1x640xf32, #tpu.memory_space<vmem>>
      %dma_wait3A_113 = tpu.memref_squeeze %dma_wait3A_112 : memref<1x640xf32, #tpu.memory_space<vmem>> -> memref<640xf32, #tpu.memory_space<vmem>>
      %dma_wait3A_114 = tpu.memref_slice %arg8[%add3A_67] : memref<163840xf32, #tpu.memory_space<vmem_shared>> -> memref<640xf32, #tpu.memory_space<vmem_shared>>
      %dma_wait3A_115 = arith.constant 0 : i32
      %dma_wait3A_116 = tpu.memref_slice %arg6[%run_scoped3A_68, %dma_wait3A_115] : memref<16x640xf32, #tpu.memory_space<vmem>> -> memref<1x640xf32, #tpu.memory_space<vmem>>
      %dma_wait3A_117 = tpu.memref_squeeze %dma_wait3A_116 : memref<1x640xf32, #tpu.memory_space<vmem>> -> memref<640xf32, #tpu.memory_space<vmem>>
      %dma_wait3A_118 = tpu.memref_slice %arg8[%add3A_67] : memref<163840xf32, #tpu.memory_space<vmem_shared>> -> memref<640xf32, #tpu.memory_space<vmem_shared>>
      tpu.wait_dma2 semaphore(%run_scoped3A_104 : memref<!tpu.dma_semaphore, #tpu.memory_space<semaphore_mem>>) src(%dma_wait3A_118 : memref<640xf32, #tpu.memory_space<vmem_shared>>) dst(%dma_wait3A_117 : memref<640xf32, #tpu.memory_space<vmem>>)
      tpu.yield
    }) : () -> ()
    %mul3A_69 = arith.constant 640 : i32
    %mul3A_70 = arith.muli %arg1, %mul3A_69 : i32
    %add3A_71 = arith.constant 112640 : i32
    %add3A_72 = arith.addi %add3A_71, %mul3A_70 : i32
    %run_scoped3A_73 = arith.constant 11 : i32
    "tpu.region"() ({
      %run_scoped3A_104 = tpu.sem_alloc : memref<!tpu.dma_semaphore, #tpu.memory_space<semaphore_mem>>
      %dma_start3A = arith.constant 0 : i32
      %dma_start3A_105 = tpu.memref_slice %arg6[%run_scoped3A_73, %dma_start3A] : memref<16x640xf32, #tpu.memory_space<vmem>> -> memref<1x640xf32, #tpu.memory_space<vmem>>
      %dma_start3A_106 = tpu.memref_squeeze %dma_start3A_105 : memref<1x640xf32, #tpu.memory_space<vmem>> -> memref<640xf32, #tpu.memory_space<vmem>>
      %dma_start3A_107 = tpu.memref_slice %arg8[%add3A_72] : memref<163840xf32, #tpu.memory_space<vmem_shared>> -> memref<640xf32, #tpu.memory_space<vmem_shared>>
      %dma_start3A_108 = arith.constant 0 : i32
      %dma_start3A_109 = tpu.memref_slice %arg6[%run_scoped3A_73, %dma_start3A_108] : memref<16x640xf32, #tpu.memory_space<vmem>> -> memref<1x640xf32, #tpu.memory_space<vmem>>
      %dma_start3A_110 = tpu.memref_squeeze %dma_start3A_109 : memref<1x640xf32, #tpu.memory_space<vmem>> -> memref<640xf32, #tpu.memory_space<vmem>>
      %dma_start3A_111 = tpu.memref_slice %arg8[%add3A_72] : memref<163840xf32, #tpu.memory_space<vmem_shared>> -> memref<640xf32, #tpu.memory_space<vmem_shared>>
      tpu.enqueue_dma source(%dma_start3A_111 : memref<640xf32, #tpu.memory_space<vmem_shared>>) target(%dma_start3A_110 : memref<640xf32, #tpu.memory_space<vmem>>) target_semaphore(%run_scoped3A_104 : memref<!tpu.dma_semaphore, #tpu.memory_space<semaphore_mem>>)
      %dma_wait3A = arith.constant 0 : i32
      %dma_wait3A_112 = tpu.memref_slice %arg6[%run_scoped3A_73, %dma_wait3A] : memref<16x640xf32, #tpu.memory_space<vmem>> -> memref<1x640xf32, #tpu.memory_space<vmem>>
      %dma_wait3A_113 = tpu.memref_squeeze %dma_wait3A_112 : memref<1x640xf32, #tpu.memory_space<vmem>> -> memref<640xf32, #tpu.memory_space<vmem>>
      %dma_wait3A_114 = tpu.memref_slice %arg8[%add3A_72] : memref<163840xf32, #tpu.memory_space<vmem_shared>> -> memref<640xf32, #tpu.memory_space<vmem_shared>>
      %dma_wait3A_115 = arith.constant 0 : i32
      %dma_wait3A_116 = tpu.memref_slice %arg6[%run_scoped3A_73, %dma_wait3A_115] : memref<16x640xf32, #tpu.memory_space<vmem>> -> memref<1x640xf32, #tpu.memory_space<vmem>>
      %dma_wait3A_117 = tpu.memref_squeeze %dma_wait3A_116 : memref<1x640xf32, #tpu.memory_space<vmem>> -> memref<640xf32, #tpu.memory_space<vmem>>
      %dma_wait3A_118 = tpu.memref_slice %arg8[%add3A_72] : memref<163840xf32, #tpu.memory_space<vmem_shared>> -> memref<640xf32, #tpu.memory_space<vmem_shared>>
      tpu.wait_dma2 semaphore(%run_scoped3A_104 : memref<!tpu.dma_semaphore, #tpu.memory_space<semaphore_mem>>) src(%dma_wait3A_118 : memref<640xf32, #tpu.memory_space<vmem_shared>>) dst(%dma_wait3A_117 : memref<640xf32, #tpu.memory_space<vmem>>)
      tpu.yield
    }) : () -> ()
    %mul3A_74 = arith.constant 640 : i32
    %mul3A_75 = arith.muli %arg1, %mul3A_74 : i32
    %add3A_76 = arith.constant 122880 : i32
    %add3A_77 = arith.addi %add3A_76, %mul3A_75 : i32
    %run_scoped3A_78 = arith.constant 12 : i32
    "tpu.region"() ({
      %run_scoped3A_104 = tpu.sem_alloc : memref<!tpu.dma_semaphore, #tpu.memory_space<semaphore_mem>>
      %dma_start3A = arith.constant 0 : i32
      %dma_start3A_105 = tpu.memref_slice %arg6[%run_scoped3A_78, %dma_start3A] : memref<16x640xf32, #tpu.memory_space<vmem>> -> memref<1x640xf32, #tpu.memory_space<vmem>>
      %dma_start3A_106 = tpu.memref_squeeze %dma_start3A_105 : memref<1x640xf32, #tpu.memory_space<vmem>> -> memref<640xf32, #tpu.memory_space<vmem>>
      %dma_start3A_107 = tpu.memref_slice %arg8[%add3A_77] : memref<163840xf32, #tpu.memory_space<vmem_shared>> -> memref<640xf32, #tpu.memory_space<vmem_shared>>
      %dma_start3A_108 = arith.constant 0 : i32
      %dma_start3A_109 = tpu.memref_slice %arg6[%run_scoped3A_78, %dma_start3A_108] : memref<16x640xf32, #tpu.memory_space<vmem>> -> memref<1x640xf32, #tpu.memory_space<vmem>>
      %dma_start3A_110 = tpu.memref_squeeze %dma_start3A_109 : memref<1x640xf32, #tpu.memory_space<vmem>> -> memref<640xf32, #tpu.memory_space<vmem>>
      %dma_start3A_111 = tpu.memref_slice %arg8[%add3A_77] : memref<163840xf32, #tpu.memory_space<vmem_shared>> -> memref<640xf32, #tpu.memory_space<vmem_shared>>
      tpu.enqueue_dma source(%dma_start3A_111 : memref<640xf32, #tpu.memory_space<vmem_shared>>) target(%dma_start3A_110 : memref<640xf32, #tpu.memory_space<vmem>>) target_semaphore(%run_scoped3A_104 : memref<!tpu.dma_semaphore, #tpu.memory_space<semaphore_mem>>)
      %dma_wait3A = arith.constant 0 : i32
      %dma_wait3A_112 = tpu.memref_slice %arg6[%run_scoped3A_78, %dma_wait3A] : memref<16x640xf32, #tpu.memory_space<vmem>> -> memref<1x640xf32, #tpu.memory_space<vmem>>
      %dma_wait3A_113 = tpu.memref_squeeze %dma_wait3A_112 : memref<1x640xf32, #tpu.memory_space<vmem>> -> memref<640xf32, #tpu.memory_space<vmem>>
      %dma_wait3A_114 = tpu.memref_slice %arg8[%add3A_77] : memref<163840xf32, #tpu.memory_space<vmem_shared>> -> memref<640xf32, #tpu.memory_space<vmem_shared>>
      %dma_wait3A_115 = arith.constant 0 : i32
      %dma_wait3A_116 = tpu.memref_slice %arg6[%run_scoped3A_78, %dma_wait3A_115] : memref<16x640xf32, #tpu.memory_space<vmem>> -> memref<1x640xf32, #tpu.memory_space<vmem>>
      %dma_wait3A_117 = tpu.memref_squeeze %dma_wait3A_116 : memref<1x640xf32, #tpu.memory_space<vmem>> -> memref<640xf32, #tpu.memory_space<vmem>>
      %dma_wait3A_118 = tpu.memref_slice %arg8[%add3A_77] : memref<163840xf32, #tpu.memory_space<vmem_shared>> -> memref<640xf32, #tpu.memory_space<vmem_shared>>
      tpu.wait_dma2 semaphore(%run_scoped3A_104 : memref<!tpu.dma_semaphore, #tpu.memory_space<semaphore_mem>>) src(%dma_wait3A_118 : memref<640xf32, #tpu.memory_space<vmem_shared>>) dst(%dma_wait3A_117 : memref<640xf32, #tpu.memory_space<vmem>>)
      tpu.yield
    }) : () -> ()
    %mul3A_79 = arith.constant 640 : i32
    %mul3A_80 = arith.muli %arg1, %mul3A_79 : i32
    %add3A_81 = arith.constant 133120 : i32
    %add3A_82 = arith.addi %add3A_81, %mul3A_80 : i32
    %run_scoped3A_83 = arith.constant 13 : i32
    "tpu.region"() ({
      %run_scoped3A_104 = tpu.sem_alloc : memref<!tpu.dma_semaphore, #tpu.memory_space<semaphore_mem>>
      %dma_start3A = arith.constant 0 : i32
      %dma_start3A_105 = tpu.memref_slice %arg6[%run_scoped3A_83, %dma_start3A] : memref<16x640xf32, #tpu.memory_space<vmem>> -> memref<1x640xf32, #tpu.memory_space<vmem>>
      %dma_start3A_106 = tpu.memref_squeeze %dma_start3A_105 : memref<1x640xf32, #tpu.memory_space<vmem>> -> memref<640xf32, #tpu.memory_space<vmem>>
      %dma_start3A_107 = tpu.memref_slice %arg8[%add3A_82] : memref<163840xf32, #tpu.memory_space<vmem_shared>> -> memref<640xf32, #tpu.memory_space<vmem_shared>>
      %dma_start3A_108 = arith.constant 0 : i32
      %dma_start3A_109 = tpu.memref_slice %arg6[%run_scoped3A_83, %dma_start3A_108] : memref<16x640xf32, #tpu.memory_space<vmem>> -> memref<1x640xf32, #tpu.memory_space<vmem>>
      %dma_start3A_110 = tpu.memref_squeeze %dma_start3A_109 : memref<1x640xf32, #tpu.memory_space<vmem>> -> memref<640xf32, #tpu.memory_space<vmem>>
      %dma_start3A_111 = tpu.memref_slice %arg8[%add3A_82] : memref<163840xf32, #tpu.memory_space<vmem_shared>> -> memref<640xf32, #tpu.memory_space<vmem_shared>>
      tpu.enqueue_dma source(%dma_start3A_111 : memref<640xf32, #tpu.memory_space<vmem_shared>>) target(%dma_start3A_110 : memref<640xf32, #tpu.memory_space<vmem>>) target_semaphore(%run_scoped3A_104 : memref<!tpu.dma_semaphore, #tpu.memory_space<semaphore_mem>>)
      %dma_wait3A = arith.constant 0 : i32
      %dma_wait3A_112 = tpu.memref_slice %arg6[%run_scoped3A_83, %dma_wait3A] : memref<16x640xf32, #tpu.memory_space<vmem>> -> memref<1x640xf32, #tpu.memory_space<vmem>>
      %dma_wait3A_113 = tpu.memref_squeeze %dma_wait3A_112 : memref<1x640xf32, #tpu.memory_space<vmem>> -> memref<640xf32, #tpu.memory_space<vmem>>
      %dma_wait3A_114 = tpu.memref_slice %arg8[%add3A_82] : memref<163840xf32, #tpu.memory_space<vmem_shared>> -> memref<640xf32, #tpu.memory_space<vmem_shared>>
      %dma_wait3A_115 = arith.constant 0 : i32
      %dma_wait3A_116 = tpu.memref_slice %arg6[%run_scoped3A_83, %dma_wait3A_115] : memref<16x640xf32, #tpu.memory_space<vmem>> -> memref<1x640xf32, #tpu.memory_space<vmem>>
      %dma_wait3A_117 = tpu.memref_squeeze %dma_wait3A_116 : memref<1x640xf32, #tpu.memory_space<vmem>> -> memref<640xf32, #tpu.memory_space<vmem>>
      %dma_wait3A_118 = tpu.memref_slice %arg8[%add3A_82] : memref<163840xf32, #tpu.memory_space<vmem_shared>> -> memref<640xf32, #tpu.memory_space<vmem_shared>>
      tpu.wait_dma2 semaphore(%run_scoped3A_104 : memref<!tpu.dma_semaphore, #tpu.memory_space<semaphore_mem>>) src(%dma_wait3A_118 : memref<640xf32, #tpu.memory_space<vmem_shared>>) dst(%dma_wait3A_117 : memref<640xf32, #tpu.memory_space<vmem>>)
      tpu.yield
    }) : () -> ()
    %mul3A_84 = arith.constant 640 : i32
    %mul3A_85 = arith.muli %arg1, %mul3A_84 : i32
    %add3A_86 = arith.constant 143360 : i32
    %add3A_87 = arith.addi %add3A_86, %mul3A_85 : i32
    %run_scoped3A_88 = arith.constant 14 : i32
    "tpu.region"() ({
      %run_scoped3A_104 = tpu.sem_alloc : memref<!tpu.dma_semaphore, #tpu.memory_space<semaphore_mem>>
      %dma_start3A = arith.constant 0 : i32
      %dma_start3A_105 = tpu.memref_slice %arg6[%run_scoped3A_88, %dma_start3A] : memref<16x640xf32, #tpu.memory_space<vmem>> -> memref<1x640xf32, #tpu.memory_space<vmem>>
      %dma_start3A_106 = tpu.memref_squeeze %dma_start3A_105 : memref<1x640xf32, #tpu.memory_space<vmem>> -> memref<640xf32, #tpu.memory_space<vmem>>
      %dma_start3A_107 = tpu.memref_slice %arg8[%add3A_87] : memref<163840xf32, #tpu.memory_space<vmem_shared>> -> memref<640xf32, #tpu.memory_space<vmem_shared>>
      %dma_start3A_108 = arith.constant 0 : i32
      %dma_start3A_109 = tpu.memref_slice %arg6[%run_scoped3A_88, %dma_start3A_108] : memref<16x640xf32, #tpu.memory_space<vmem>> -> memref<1x640xf32, #tpu.memory_space<vmem>>
      %dma_start3A_110 = tpu.memref_squeeze %dma_start3A_109 : memref<1x640xf32, #tpu.memory_space<vmem>> -> memref<640xf32, #tpu.memory_space<vmem>>
      %dma_start3A_111 = tpu.memref_slice %arg8[%add3A_87] : memref<163840xf32, #tpu.memory_space<vmem_shared>> -> memref<640xf32, #tpu.memory_space<vmem_shared>>
      tpu.enqueue_dma source(%dma_start3A_111 : memref<640xf32, #tpu.memory_space<vmem_shared>>) target(%dma_start3A_110 : memref<640xf32, #tpu.memory_space<vmem>>) target_semaphore(%run_scoped3A_104 : memref<!tpu.dma_semaphore, #tpu.memory_space<semaphore_mem>>)
      %dma_wait3A = arith.constant 0 : i32
      %dma_wait3A_112 = tpu.memref_slice %arg6[%run_scoped3A_88, %dma_wait3A] : memref<16x640xf32, #tpu.memory_space<vmem>> -> memref<1x640xf32, #tpu.memory_space<vmem>>
      %dma_wait3A_113 = tpu.memref_squeeze %dma_wait3A_112 : memref<1x640xf32, #tpu.memory_space<vmem>> -> memref<640xf32, #tpu.memory_space<vmem>>
      %dma_wait3A_114 = tpu.memref_slice %arg8[%add3A_87] : memref<163840xf32, #tpu.memory_space<vmem_shared>> -> memref<640xf32, #tpu.memory_space<vmem_shared>>
      %dma_wait3A_115 = arith.constant 0 : i32
      %dma_wait3A_116 = tpu.memref_slice %arg6[%run_scoped3A_88, %dma_wait3A_115] : memref<16x640xf32, #tpu.memory_space<vmem>> -> memref<1x640xf32, #tpu.memory_space<vmem>>
      %dma_wait3A_117 = tpu.memref_squeeze %dma_wait3A_116 : memref<1x640xf32, #tpu.memory_space<vmem>> -> memref<640xf32, #tpu.memory_space<vmem>>
      %dma_wait3A_118 = tpu.memref_slice %arg8[%add3A_87] : memref<163840xf32, #tpu.memory_space<vmem_shared>> -> memref<640xf32, #tpu.memory_space<vmem_shared>>
      tpu.wait_dma2 semaphore(%run_scoped3A_104 : memref<!tpu.dma_semaphore, #tpu.memory_space<semaphore_mem>>) src(%dma_wait3A_118 : memref<640xf32, #tpu.memory_space<vmem_shared>>) dst(%dma_wait3A_117 : memref<640xf32, #tpu.memory_space<vmem>>)
      tpu.yield
    }) : () -> ()
    %mul3A_89 = arith.constant 640 : i32
    %mul3A_90 = arith.muli %arg1, %mul3A_89 : i32
    %add3A_91 = arith.constant 153600 : i32
    %add3A_92 = arith.addi %add3A_91, %mul3A_90 : i32
    %run_scoped3A_93 = arith.constant 15 : i32
    "tpu.region"() ({
      %run_scoped3A_104 = tpu.sem_alloc : memref<!tpu.dma_semaphore, #tpu.memory_space<semaphore_mem>>
      %dma_start3A = arith.constant 0 : i32
      %dma_start3A_105 = tpu.memref_slice %arg6[%run_scoped3A_93, %dma_start3A] : memref<16x640xf32, #tpu.memory_space<vmem>> -> memref<1x640xf32, #tpu.memory_space<vmem>>
      %dma_start3A_106 = tpu.memref_squeeze %dma_start3A_105 : memref<1x640xf32, #tpu.memory_space<vmem>> -> memref<640xf32, #tpu.memory_space<vmem>>
      %dma_start3A_107 = tpu.memref_slice %arg8[%add3A_92] : memref<163840xf32, #tpu.memory_space<vmem_shared>> -> memref<640xf32, #tpu.memory_space<vmem_shared>>
      %dma_start3A_108 = arith.constant 0 : i32
      %dma_start3A_109 = tpu.memref_slice %arg6[%run_scoped3A_93, %dma_start3A_108] : memref<16x640xf32, #tpu.memory_space<vmem>> -> memref<1x640xf32, #tpu.memory_space<vmem>>
      %dma_start3A_110 = tpu.memref_squeeze %dma_start3A_109 : memref<1x640xf32, #tpu.memory_space<vmem>> -> memref<640xf32, #tpu.memory_space<vmem>>
      %dma_start3A_111 = tpu.memref_slice %arg8[%add3A_92] : memref<163840xf32, #tpu.memory_space<vmem_shared>> -> memref<640xf32, #tpu.memory_space<vmem_shared>>
      tpu.enqueue_dma source(%dma_start3A_111 : memref<640xf32, #tpu.memory_space<vmem_shared>>) target(%dma_start3A_110 : memref<640xf32, #tpu.memory_space<vmem>>) target_semaphore(%run_scoped3A_104 : memref<!tpu.dma_semaphore, #tpu.memory_space<semaphore_mem>>)
      %dma_wait3A = arith.constant 0 : i32
      %dma_wait3A_112 = tpu.memref_slice %arg6[%run_scoped3A_93, %dma_wait3A] : memref<16x640xf32, #tpu.memory_space<vmem>> -> memref<1x640xf32, #tpu.memory_space<vmem>>
      %dma_wait3A_113 = tpu.memref_squeeze %dma_wait3A_112 : memref<1x640xf32, #tpu.memory_space<vmem>> -> memref<640xf32, #tpu.memory_space<vmem>>
      %dma_wait3A_114 = tpu.memref_slice %arg8[%add3A_92] : memref<163840xf32, #tpu.memory_space<vmem_shared>> -> memref<640xf32, #tpu.memory_space<vmem_shared>>
      %dma_wait3A_115 = arith.constant 0 : i32
      %dma_wait3A_116 = tpu.memref_slice %arg6[%run_scoped3A_93, %dma_wait3A_115] : memref<16x640xf32, #tpu.memory_space<vmem>> -> memref<1x640xf32, #tpu.memory_space<vmem>>
      %dma_wait3A_117 = tpu.memref_squeeze %dma_wait3A_116 : memref<1x640xf32, #tpu.memory_space<vmem>> -> memref<640xf32, #tpu.memory_space<vmem>>
      %dma_wait3A_118 = tpu.memref_slice %arg8[%add3A_92] : memref<163840xf32, #tpu.memory_space<vmem_shared>> -> memref<640xf32, #tpu.memory_space<vmem_shared>>
      tpu.wait_dma2 semaphore(%run_scoped3A_104 : memref<!tpu.dma_semaphore, #tpu.memory_space<semaphore_mem>>) src(%dma_wait3A_118 : memref<640xf32, #tpu.memory_space<vmem_shared>>) dst(%dma_wait3A_117 : memref<640xf32, #tpu.memory_space<vmem>>)
      tpu.yield
    }) : () -> ()
    %scan3A_94 = arith.constant 0 : i32
    %scan3A_95 = arith.constant 40 : i32
    %scan3A_96 = arith.addi %scan3A_94, %scan3A_95 : i32
    %scan3A_97 = arith.constant 1 : i32
    scf.for %scan3A_104 = %scan3A_94 to %scan3A_96 step %scan3A_97  : i32 {
      %mul3A_105 = arith.constant 1 : i32
      %mul3A_106 = arith.muli %scan3A_104, %mul3A_105 : i32
      %add3A_107 = arith.constant 0 : i32
      %add3A_108 = arith.addi %add3A_107, %mul3A_106 : i32
      %broadcast_in_dim3A_109 = arith.constant 0.000000e+00 : f32
      %broadcast_in_dim3A_110 = vector.broadcast %broadcast_in_dim3A_109 : f32 to vector<16xf32>
      %mul3A_111 = arith.constant 16 : i32
      %mul3A_112 = arith.muli %add3A_108, %mul3A_111 : i32
      %get3A = arith.constant 0 : i32
      %get3A_113 = arith.index_cast %get3A : i32 to index
      %get3A_114 = arith.index_cast %mul3A_112 : i32 to index
      %get3A_115 = tpu.vector_load %arg6[%get3A_113, %get3A_114] {strides = array<i32>} : memref<16x640xf32, #tpu.memory_space<vmem>>, vector<16xf32>,
      %add3A_116 = arith.addf %broadcast_in_dim3A_110, %get3A_115 : vector<16xf32>
      %mul3A_117 = arith.constant 16 : i32
      %mul3A_118 = arith.muli %add3A_108, %mul3A_117 : i32
      %get3A_119 = arith.constant 1 : i32
      %get3A_120 = arith.index_cast %get3A_119 : i32 to index
      %get3A_121 = arith.index_cast %mul3A_118 : i32 to index
      %get3A_122 = tpu.vector_load %arg6[%get3A_120, %get3A_121] {strides = array<i32>} : memref<16x640xf32, #tpu.memory_space<vmem>>, vector<16xf32>,
      %add3A_123 = arith.addf %add3A_116, %get3A_122 : vector<16xf32>
      %mul3A_124 = arith.constant 16 : i32
      %mul3A_125 = arith.muli %add3A_108, %mul3A_124 : i32
      %get3A_126 = arith.constant 2 : i32
      %get3A_127 = arith.index_cast %get3A_126 : i32 to index
      %get3A_128 = arith.index_cast %mul3A_125 : i32 to index
      %get3A_129 = tpu.vector_load %arg6[%get3A_127, %get3A_128] {strides = array<i32>} : memref<16x640xf32, #tpu.memory_space<vmem>>, vector<16xf32>,
      %add3A_130 = arith.addf %add3A_123, %get3A_129 : vector<16xf32>
      %mul3A_131 = arith.constant 16 : i32
      %mul3A_132 = arith.muli %add3A_108, %mul3A_131 : i32
      %get3A_133 = arith.constant 3 : i32
      %get3A_134 = arith.index_cast %get3A_133 : i32 to index
      %get3A_135 = arith.index_cast %mul3A_132 : i32 to index
      %get3A_136 = tpu.vector_load %arg6[%get3A_134, %get3A_135] {strides = array<i32>} : memref<16x640xf32, #tpu.memory_space<vmem>>, vector<16xf32>,
      %add3A_137 = arith.addf %add3A_130, %get3A_136 : vector<16xf32>
      %mul3A_138 = arith.constant 16 : i32
      %mul3A_139 = arith.muli %add3A_108, %mul3A_138 : i32
      %get3A_140 = arith.constant 4 : i32
      %get3A_141 = arith.index_cast %get3A_140 : i32 to index
      %get3A_142 = arith.index_cast %mul3A_139 : i32 to index
      %get3A_143 = tpu.vector_load %arg6[%get3A_141, %get3A_142] {strides = array<i32>} : memref<16x640xf32, #tpu.memory_space<vmem>>, vector<16xf32>,
      %add3A_144 = arith.addf %add3A_137, %get3A_143 : vector<16xf32>
      %mul3A_145 = arith.constant 16 : i32
      %mul3A_146 = arith.muli %add3A_108, %mul3A_145 : i32
      %get3A_147 = arith.constant 5 : i32
      %get3A_148 = arith.index_cast %get3A_147 : i32 to index
      %get3A_149 = arith.index_cast %mul3A_146 : i32 to index
      %get3A_150 = tpu.vector_load %arg6[%get3A_148, %get3A_149] {strides = array<i32>} : memref<16x640xf32, #tpu.memory_space<vmem>>, vector<16xf32>,
      %add3A_151 = arith.addf %add3A_144, %get3A_150 : vector<16xf32>
      %mul3A_152 = arith.constant 16 : i32
      %mul3A_153 = arith.muli %add3A_108, %mul3A_152 : i32
      %get3A_154 = arith.constant 6 : i32
      %get3A_155 = arith.index_cast %get3A_154 : i32 to index
      %get3A_156 = arith.index_cast %mul3A_153 : i32 to index
      %get3A_157 = tpu.vector_load %arg6[%get3A_155, %get3A_156] {strides = array<i32>} : memref<16x640xf32, #tpu.memory_space<vmem>>, vector<16xf32>,
      %add3A_158 = arith.addf %add3A_151, %get3A_157 : vector<16xf32>
      %mul3A_159 = arith.constant 16 : i32
      %mul3A_160 = arith.muli %add3A_108, %mul3A_159 : i32
      %get3A_161 = arith.constant 7 : i32
      %get3A_162 = arith.index_cast %get3A_161 : i32 to index
      %get3A_163 = arith.index_cast %mul3A_160 : i32 to index
      %get3A_164 = tpu.vector_load %arg6[%get3A_162, %get3A_163] {strides = array<i32>} : memref<16x640xf32, #tpu.memory_space<vmem>>, vector<16xf32>,
      %add3A_165 = arith.addf %add3A_158, %get3A_164 : vector<16xf32>
      %mul3A_166 = arith.constant 16 : i32
      %mul3A_167 = arith.muli %add3A_108, %mul3A_166 : i32
      %get3A_168 = arith.constant 8 : i32
      %get3A_169 = arith.index_cast %get3A_168 : i32 to index
      %get3A_170 = arith.index_cast %mul3A_167 : i32 to index
      %get3A_171 = tpu.vector_load %arg6[%get3A_169, %get3A_170] {strides = array<i32>} : memref<16x640xf32, #tpu.memory_space<vmem>>, vector<16xf32>,
      %add3A_172 = arith.addf %add3A_165, %get3A_171 : vector<16xf32>
      %mul3A_173 = arith.constant 16 : i32
      %mul3A_174 = arith.muli %add3A_108, %mul3A_173 : i32
      %get3A_175 = arith.constant 9 : i32
      %get3A_176 = arith.index_cast %get3A_175 : i32 to index
      %get3A_177 = arith.index_cast %mul3A_174 : i32 to index
      %get3A_178 = tpu.vector_load %arg6[%get3A_176, %get3A_177] {strides = array<i32>} : memref<16x640xf32, #tpu.memory_space<vmem>>, vector<16xf32>,
      %add3A_179 = arith.addf %add3A_172, %get3A_178 : vector<16xf32>
      %mul3A_180 = arith.constant 16 : i32
      %mul3A_181 = arith.muli %add3A_108, %mul3A_180 : i32
      %get3A_182 = arith.constant 10 : i32
      %get3A_183 = arith.index_cast %get3A_182 : i32 to index
      %get3A_184 = arith.index_cast %mul3A_181 : i32 to index
      %get3A_185 = tpu.vector_load %arg6[%get3A_183, %get3A_184] {strides = array<i32>} : memref<16x640xf32, #tpu.memory_space<vmem>>, vector<16xf32>,
      %add3A_186 = arith.addf %add3A_179, %get3A_185 : vector<16xf32>
      %mul3A_187 = arith.constant 16 : i32
      %mul3A_188 = arith.muli %add3A_108, %mul3A_187 : i32
      %get3A_189 = arith.constant 11 : i32
      %get3A_190 = arith.index_cast %get3A_189 : i32 to index
      %get3A_191 = arith.index_cast %mul3A_188 : i32 to index
      %get3A_192 = tpu.vector_load %arg6[%get3A_190, %get3A_191] {strides = array<i32>} : memref<16x640xf32, #tpu.memory_space<vmem>>, vector<16xf32>,
      %add3A_193 = arith.addf %add3A_186, %get3A_192 : vector<16xf32>
      %mul3A_194 = arith.constant 16 : i32
      %mul3A_195 = arith.muli %add3A_108, %mul3A_194 : i32
      %get3A_196 = arith.constant 12 : i32
      %get3A_197 = arith.index_cast %get3A_196 : i32 to index
      %get3A_198 = arith.index_cast %mul3A_195 : i32 to index
      %get3A_199 = tpu.vector_load %arg6[%get3A_197, %get3A_198] {strides = array<i32>} : memref<16x640xf32, #tpu.memory_space<vmem>>, vector<16xf32>,
      %add3A_200 = arith.addf %add3A_193, %get3A_199 : vector<16xf32>
      %mul3A_201 = arith.constant 16 : i32
      %mul3A_202 = arith.muli %add3A_108, %mul3A_201 : i32
      %get3A_203 = arith.constant 13 : i32
      %get3A_204 = arith.index_cast %get3A_203 : i32 to index
      %get3A_205 = arith.index_cast %mul3A_202 : i32 to index
      %get3A_206 = tpu.vector_load %arg6[%get3A_204, %get3A_205] {strides = array<i32>} : memref<16x640xf32, #tpu.memory_space<vmem>>, vector<16xf32>,
      %add3A_207 = arith.addf %add3A_200, %get3A_206 : vector<16xf32>
      %mul3A_208 = arith.constant 16 : i32
      %mul3A_209 = arith.muli %add3A_108, %mul3A_208 : i32
      %get3A_210 = arith.constant 14 : i32
      %get3A_211 = arith.index_cast %get3A_210 : i32 to index
      %get3A_212 = arith.index_cast %mul3A_209 : i32 to index
      %get3A_213 = tpu.vector_load %arg6[%get3A_211, %get3A_212] {strides = array<i32>} : memref<16x640xf32, #tpu.memory_space<vmem>>, vector<16xf32>,
      %add3A_214 = arith.addf %add3A_207, %get3A_213 : vector<16xf32>
      %mul3A_215 = arith.constant 16 : i32
      %mul3A_216 = arith.muli %add3A_108, %mul3A_215 : i32
      %get3A_217 = arith.constant 15 : i32
      %get3A_218 = arith.index_cast %get3A_217 : i32 to index
      %get3A_219 = arith.index_cast %mul3A_216 : i32 to index
      %get3A_220 = tpu.vector_load %arg6[%get3A_218, %get3A_219] {strides = array<i32>} : memref<16x640xf32, #tpu.memory_space<vmem>>, vector<16xf32>,
      %add3A_221 = arith.addf %add3A_214, %get3A_220 : vector<16xf32>
      %mul3A_222 = arith.constant 16 : i32
      %mul3A_223 = arith.muli %add3A_108, %mul3A_222 : i32
      %swap3A = arith.index_cast %mul3A_223 : i32 to index
      %swap3A_224 = tpu.vector_load %arg7[%swap3A] {strides = array<i32>} : memref<640xf32, #tpu.memory_space<vmem>>, vector<16xf32>,
      tpu.vector_store %arg7[%swap3A], %add3A_221 {strides = array<i32>} : memref<640xf32, #tpu.memory_space<vmem>>, vector<16xf32>,
    }
    %scan3A_98 = arith.constant 40 : i32
    %mul3A_99 = arith.constant 10240 : i32
    %mul3A_100 = arith.muli %arg0, %mul3A_99 : i32
    %mul3A_101 = arith.constant 640 : i32
    %mul3A_102 = arith.muli %arg1, %mul3A_101 : i32
    %add3A_103 = arith.addi %mul3A_100, %mul3A_102 : i32
    "tpu.region"() ({
      %run_scoped3A_104 = tpu.sem_alloc : memref<!tpu.dma_semaphore, #tpu.memory_space<semaphore_mem>>
      %dma_start3A = tpu.memref_slice %arg3[%add3A_103] : memref<20480xf32, #tpu.memory_space<hbm>> -> memref<640xf32, #tpu.memory_space<hbm>>
      %dma_start3A_105 = tpu.memref_slice %arg3[%add3A_103] : memref<20480xf32, #tpu.memory_space<hbm>> -> memref<640xf32, #tpu.memory_space<hbm>>
      tpu.enqueue_dma source(%arg7 : memref<640xf32, #tpu.memory_space<vmem>>) target(%dma_start3A_105 : memref<640xf32, #tpu.memory_space<hbm>>) target_semaphore(%run_scoped3A_104 : memref<!tpu.dma_semaphore, #tpu.memory_space<semaphore_mem>>)
      %dma_wait3A = tpu.memref_slice %arg3[%add3A_103] : memref<20480xf32, #tpu.memory_space<hbm>> -> memref<640xf32, #tpu.memory_space<hbm>>
      %dma_wait3A_106 = tpu.memref_slice %arg3[%add3A_103] : memref<20480xf32, #tpu.memory_space<hbm>> -> memref<640xf32, #tpu.memory_space<hbm>>
      tpu.wait_dma2 semaphore(%run_scoped3A_104 : memref<!tpu.dma_semaphore, #tpu.memory_space<semaphore_mem>>) src(%arg7 : memref<640xf32, #tpu.memory_space<vmem>>) dst(%dma_wait3A_106 : memref<640xf32, #tpu.memory_space<hbm>>)
      tpu.yield
    }) : () -> ()
    return
  }
}

#map = affine_map<(d0, d1) -> (0)>
#map1 = affine_map<(d0, d1) -> (0, 0)>
#map2 = affine_map<(d0, d1) -> (0, 0, 0)>
module attributes {stable_mosaic.version = 14 : i64} {
  func.func @_scat_body(%arg0: i32, %arg1: i32, %arg2: memref<640000xi32, #tpu.memory_space<hbm>>, %arg3: memref<640000xi32, #tpu.memory_space<hbm>>, %arg4: memref<10000x128xf32, #tpu.memory_space<hbm>>, %arg5: memref<2x10000x128xf32, #tpu.memory_space<hbm>>, %arg6: memref<128xi32, #tpu.memory_space<vmem>>, %arg7: memref<128xi32, #tpu.memory_space<vmem>>, %arg8: memref<128xi32, #tpu.memory_space<vmem>>, %arg9: memref<128xi32, #tpu.memory_space<vmem>>, %arg10: memref<128xi32, #tpu.memory_space<vmem>>, %arg11: memref<128xi32, #tpu.memory_space<vmem>>, %arg12: memref<32xi32, #tpu.memory_space<vmem>>, %arg13: memref<32xi32, #tpu.memory_space<vmem>>, %arg14: memref<128x128xf32, #tpu.memory_space<vmem>>, %arg15: memref<128x128xf32, #tpu.memory_space<vmem>>, %arg16: memref<128x128xf32, #tpu.memory_space<vmem>>, %arg17: memref<10000x128xf32, #tpu.memory_space<vmem_shared>>, %arg18: memref<!tpu.dma_semaphore, #tpu.memory_space<semaphore_mem>>, %arg19: memref<!tpu.dma_semaphore, #tpu.memory_space<semaphore_mem>>, %arg20: memref<!tpu.dma_semaphore, #tpu.memory_space<semaphore_mem>>, %arg21: memref<!tpu.dma_semaphore, #tpu.memory_space<semaphore_mem>>, %arg22: memref<!tpu.dma_semaphore, #tpu.memory_space<semaphore_mem>>, %arg23: memref<!tpu.dma_semaphore, #tpu.memory_space<semaphore_mem>>, %arg24: memref<!tpu.dma_semaphore, #tpu.memory_space<semaphore_mem>>, %arg25: memref<!tpu.dma_semaphore, #tpu.memory_space<semaphore_mem>>, %arg26: memref<!tpu.dma_semaphore, #tpu.memory_space<semaphore_mem>>) attributes {dimension_semantics = [#tpu.dimension_semantics<core_parallel>, #tpu.dimension_semantics<subcore_parallel>], iteration_bounds = array<i64: 2, 16>, scalar_prefetch = 0 : i64, scratch_operands = 21 : i64, tpu.core_type = #tpu.core_type<sc_vector_subcore>, window_params = [{transform_indices = #map}, {transform_indices = #map}, {transform_indices = #map1}, {transform_indices = #map2}]} {
    %mul3A = arith.constant 2 : i32
    %mul3A_0 = arith.muli %arg1, %mul3A : i32
    %add3A = arith.addi %mul3A_0, %arg0 : i32
    %mul3A_1 = arith.constant 20000 : i32
    %mul3A_2 = arith.muli %add3A, %mul3A_1 : i32
    %scan3A = arith.constant 0 : i32
    %scan3A_3 = arith.constant 128 : i32
    %scan3A_4 = arith.addi %scan3A, %scan3A_3 : i32
    %scan3A_5 = arith.constant 1 : i32
    scf.for %scan3A_95 = %scan3A to %scan3A_4 step %scan3A_5  : i32 {
      %mul3A_96 = arith.constant 1 : i32
      %mul3A_97 = arith.muli %scan3A_95, %mul3A_96 : i32
      %add3A_98 = arith.constant 0 : i32
      %add3A_99 = arith.addi %add3A_98, %mul3A_97 : i32
      %broadcast_in_dim3A = arith.constant 0.000000e+00 : f32
      %broadcast_in_dim3A_100 = vector.broadcast %broadcast_in_dim3A : f32 to vector<16xf32>
      %swap3A = arith.index_cast %add3A_99 : i32 to index
      %swap3A_101 = arith.constant 0 : index
      %swap3A_102 = tpu.vector_load %arg14[%swap3A, %swap3A_101] {strides = array<i32>} : memref<128x128xf32, #tpu.memory_space<vmem>>, vector<1x16xf32>,
      %swap3A_103 = vector.shape_cast %swap3A_102 : vector<1x16xf32> to vector<16xf32>
      %swap3A_104 = vector.shape_cast %broadcast_in_dim3A_100 : vector<16xf32> to vector<1x16xf32>
      tpu.vector_store %arg14[%swap3A, %swap3A_101], %swap3A_104 {strides = array<i32>} : memref<128x128xf32, #tpu.memory_space<vmem>>, vector<1x16xf32>,
      %broadcast_in_dim3A_105 = arith.constant 0.000000e+00 : f32
      %broadcast_in_dim3A_106 = vector.broadcast %broadcast_in_dim3A_105 : f32 to vector<16xf32>
      %swap3A_107 = arith.index_cast %add3A_99 : i32 to index
      %swap3A_108 = arith.constant 16 : index
      %swap3A_109 = tpu.vector_load %arg14[%swap3A_107, %swap3A_108] {strides = array<i32>} : memref<128x128xf32, #tpu.memory_space<vmem>>, vector<1x16xf32>,
      %swap3A_110 = vector.shape_cast %swap3A_109 : vector<1x16xf32> to vector<16xf32>
      %swap3A_111 = vector.shape_cast %broadcast_in_dim3A_106 : vector<16xf32> to vector<1x16xf32>
      tpu.vector_store %arg14[%swap3A_107, %swap3A_108], %swap3A_111 {strides = array<i32>} : memref<128x128xf32, #tpu.memory_space<vmem>>, vector<1x16xf32>,
      %broadcast_in_dim3A_112 = arith.constant 0.000000e+00 : f32
      %broadcast_in_dim3A_113 = vector.broadcast %broadcast_in_dim3A_112 : f32 to vector<16xf32>
      %swap3A_114 = arith.index_cast %add3A_99 : i32 to index
      %swap3A_115 = arith.constant 32 : index
      %swap3A_116 = tpu.vector_load %arg14[%swap3A_114, %swap3A_115] {strides = array<i32>} : memref<128x128xf32, #tpu.memory_space<vmem>>, vector<1x16xf32>,
      %swap3A_117 = vector.shape_cast %swap3A_116 : vector<1x16xf32> to vector<16xf32>
      %swap3A_118 = vector.shape_cast %broadcast_in_dim3A_113 : vector<16xf32> to vector<1x16xf32>
      tpu.vector_store %arg14[%swap3A_114, %swap3A_115], %swap3A_118 {strides = array<i32>} : memref<128x128xf32, #tpu.memory_space<vmem>>, vector<1x16xf32>,
      %broadcast_in_dim3A_119 = arith.constant 0.000000e+00 : f32
      %broadcast_in_dim3A_120 = vector.broadcast %broadcast_in_dim3A_119 : f32 to vector<16xf32>
      %swap3A_121 = arith.index_cast %add3A_99 : i32 to index
      %swap3A_122 = arith.constant 48 : index
      %swap3A_123 = tpu.vector_load %arg14[%swap3A_121, %swap3A_122] {strides = array<i32>} : memref<128x128xf32, #tpu.memory_space<vmem>>, vector<1x16xf32>,
      %swap3A_124 = vector.shape_cast %swap3A_123 : vector<1x16xf32> to vector<16xf32>
      %swap3A_125 = vector.shape_cast %broadcast_in_dim3A_120 : vector<16xf32> to vector<1x16xf32>
      tpu.vector_store %arg14[%swap3A_121, %swap3A_122], %swap3A_125 {strides = array<i32>} : memref<128x128xf32, #tpu.memory_space<vmem>>, vector<1x16xf32>,
      %broadcast_in_dim3A_126 = arith.constant 0.000000e+00 : f32
      %broadcast_in_dim3A_127 = vector.broadcast %broadcast_in_dim3A_126 : f32 to vector<16xf32>
      %swap3A_128 = arith.index_cast %add3A_99 : i32 to index
      %swap3A_129 = arith.constant 64 : index
      %swap3A_130 = tpu.vector_load %arg14[%swap3A_128, %swap3A_129] {strides = array<i32>} : memref<128x128xf32, #tpu.memory_space<vmem>>, vector<1x16xf32>,
      %swap3A_131 = vector.shape_cast %swap3A_130 : vector<1x16xf32> to vector<16xf32>
      %swap3A_132 = vector.shape_cast %broadcast_in_dim3A_127 : vector<16xf32> to vector<1x16xf32>
      tpu.vector_store %arg14[%swap3A_128, %swap3A_129], %swap3A_132 {strides = array<i32>} : memref<128x128xf32, #tpu.memory_space<vmem>>, vector<1x16xf32>,
      %broadcast_in_dim3A_133 = arith.constant 0.000000e+00 : f32
      %broadcast_in_dim3A_134 = vector.broadcast %broadcast_in_dim3A_133 : f32 to vector<16xf32>
      %swap3A_135 = arith.index_cast %add3A_99 : i32 to index
      %swap3A_136 = arith.constant 80 : index
      %swap3A_137 = tpu.vector_load %arg14[%swap3A_135, %swap3A_136] {strides = array<i32>} : memref<128x128xf32, #tpu.memory_space<vmem>>, vector<1x16xf32>,
      %swap3A_138 = vector.shape_cast %swap3A_137 : vector<1x16xf32> to vector<16xf32>
      %swap3A_139 = vector.shape_cast %broadcast_in_dim3A_134 : vector<16xf32> to vector<1x16xf32>
      tpu.vector_store %arg14[%swap3A_135, %swap3A_136], %swap3A_139 {strides = array<i32>} : memref<128x128xf32, #tpu.memory_space<vmem>>, vector<1x16xf32>,
      %broadcast_in_dim3A_140 = arith.constant 0.000000e+00 : f32
      %broadcast_in_dim3A_141 = vector.broadcast %broadcast_in_dim3A_140 : f32 to vector<16xf32>
      %swap3A_142 = arith.index_cast %add3A_99 : i32 to index
      %swap3A_143 = arith.constant 96 : index
      %swap3A_144 = tpu.vector_load %arg14[%swap3A_142, %swap3A_143] {strides = array<i32>} : memref<128x128xf32, #tpu.memory_space<vmem>>, vector<1x16xf32>,
      %swap3A_145 = vector.shape_cast %swap3A_144 : vector<1x16xf32> to vector<16xf32>
      %swap3A_146 = vector.shape_cast %broadcast_in_dim3A_141 : vector<16xf32> to vector<1x16xf32>
      tpu.vector_store %arg14[%swap3A_142, %swap3A_143], %swap3A_146 {strides = array<i32>} : memref<128x128xf32, #tpu.memory_space<vmem>>, vector<1x16xf32>,
      %broadcast_in_dim3A_147 = arith.constant 0.000000e+00 : f32
      %broadcast_in_dim3A_148 = vector.broadcast %broadcast_in_dim3A_147 : f32 to vector<16xf32>
      %swap3A_149 = arith.index_cast %add3A_99 : i32 to index
      %swap3A_150 = arith.constant 112 : index
      %swap3A_151 = tpu.vector_load %arg14[%swap3A_149, %swap3A_150] {strides = array<i32>} : memref<128x128xf32, #tpu.memory_space<vmem>>, vector<1x16xf32>,
      %swap3A_152 = vector.shape_cast %swap3A_151 : vector<1x16xf32> to vector<16xf32>
      %swap3A_153 = vector.shape_cast %broadcast_in_dim3A_148 : vector<16xf32> to vector<1x16xf32>
      tpu.vector_store %arg14[%swap3A_149, %swap3A_150], %swap3A_153 {strides = array<i32>} : memref<128x128xf32, #tpu.memory_space<vmem>>, vector<1x16xf32>,
    }
    %scan3A_6 = arith.constant 128 : i32
    %mul3A_7 = arith.constant 624 : i32
    %mul3A_8 = arith.muli %arg1, %mul3A_7 : i32
    %add3A_9 = arith.constant 0 : i32
    %add3A_10 = arith.addi %mul3A_8, %add3A_9 : i32
    "tpu.region"() ({
      %run_scoped3A = tpu.sem_alloc : memref<!tpu.dma_semaphore, #tpu.memory_space<semaphore_mem>>
      %dma_start3A_95 = arith.constant 0 : i32
      %dma_start3A_96 = tpu.memref_slice %arg17[%add3A_10, %dma_start3A_95] : memref<10000x128xf32, #tpu.memory_space<vmem_shared>> -> memref<128x128xf32, #tpu.memory_space<vmem_shared>>
      %dma_start3A_97 = arith.constant 0 : i32
      %dma_start3A_98 = tpu.memref_slice %arg17[%add3A_10, %dma_start3A_97] : memref<10000x128xf32, #tpu.memory_space<vmem_shared>> -> memref<128x128xf32, #tpu.memory_space<vmem_shared>>
      tpu.enqueue_dma source(%arg14 : memref<128x128xf32, #tpu.memory_space<vmem>>) target(%dma_start3A_98 : memref<128x128xf32, #tpu.memory_space<vmem_shared>>) target_semaphore(%run_scoped3A : memref<!tpu.dma_semaphore, #tpu.memory_space<semaphore_mem>>)
      %dma_wait3A_99 = arith.constant 0 : i32
      %dma_wait3A_100 = tpu.memref_slice %arg17[%add3A_10, %dma_wait3A_99] : memref<10000x128xf32, #tpu.memory_space<vmem_shared>> -> memref<128x128xf32, #tpu.memory_space<vmem_shared>>
      %dma_wait3A_101 = arith.constant 0 : i32
      %dma_wait3A_102 = tpu.memref_slice %arg17[%add3A_10, %dma_wait3A_101] : memref<10000x128xf32, #tpu.memory_space<vmem_shared>> -> memref<128x128xf32, #tpu.memory_space<vmem_shared>>
      tpu.wait_dma2 semaphore(%run_scoped3A : memref<!tpu.dma_semaphore, #tpu.memory_space<semaphore_mem>>) src(%arg14 : memref<128x128xf32, #tpu.memory_space<vmem>>) dst(%dma_wait3A_102 : memref<128x128xf32, #tpu.memory_space<vmem_shared>>)
      tpu.yield
    }) : () -> ()
    %add3A_11 = arith.constant 128 : i32
    %add3A_12 = arith.addi %mul3A_8, %add3A_11 : i32
    "tpu.region"() ({
      %run_scoped3A = tpu.sem_alloc : memref<!tpu.dma_semaphore, #tpu.memory_space<semaphore_mem>>
      %dma_start3A_95 = arith.constant 0 : i32
      %dma_start3A_96 = tpu.memref_slice %arg17[%add3A_12, %dma_start3A_95] : memref<10000x128xf32, #tpu.memory_space<vmem_shared>> -> memref<128x128xf32, #tpu.memory_space<vmem_shared>>
      %dma_start3A_97 = arith.constant 0 : i32
      %dma_start3A_98 = tpu.memref_slice %arg17[%add3A_12, %dma_start3A_97] : memref<10000x128xf32, #tpu.memory_space<vmem_shared>> -> memref<128x128xf32, #tpu.memory_space<vmem_shared>>
      tpu.enqueue_dma source(%arg14 : memref<128x128xf32, #tpu.memory_space<vmem>>) target(%dma_start3A_98 : memref<128x128xf32, #tpu.memory_space<vmem_shared>>) target_semaphore(%run_scoped3A : memref<!tpu.dma_semaphore, #tpu.memory_space<semaphore_mem>>)
      %dma_wait3A_99 = arith.constant 0 : i32
      %dma_wait3A_100 = tpu.memref_slice %arg17[%add3A_12, %dma_wait3A_99] : memref<10000x128xf32, #tpu.memory_space<vmem_shared>> -> memref<128x128xf32, #tpu.memory_space<vmem_shared>>
      %dma_wait3A_101 = arith.constant 0 : i32
      %dma_wait3A_102 = tpu.memref_slice %arg17[%add3A_12, %dma_wait3A_101] : memref<10000x128xf32, #tpu.memory_space<vmem_shared>> -> memref<128x128xf32, #tpu.memory_space<vmem_shared>>
      tpu.wait_dma2 semaphore(%run_scoped3A : memref<!tpu.dma_semaphore, #tpu.memory_space<semaphore_mem>>) src(%arg14 : memref<128x128xf32, #tpu.memory_space<vmem>>) dst(%dma_wait3A_102 : memref<128x128xf32, #tpu.memory_space<vmem_shared>>)
      tpu.yield
    }) : () -> ()
    %add3A_13 = arith.constant 256 : i32
    %add3A_14 = arith.addi %mul3A_8, %add3A_13 : i32
    "tpu.region"() ({
      %run_scoped3A = tpu.sem_alloc : memref<!tpu.dma_semaphore, #tpu.memory_space<semaphore_mem>>
      %dma_start3A_95 = arith.constant 0 : i32
      %dma_start3A_96 = tpu.memref_slice %arg17[%add3A_14, %dma_start3A_95] : memref<10000x128xf32, #tpu.memory_space<vmem_shared>> -> memref<128x128xf32, #tpu.memory_space<vmem_shared>>
      %dma_start3A_97 = arith.constant 0 : i32
      %dma_start3A_98 = tpu.memref_slice %arg17[%add3A_14, %dma_start3A_97] : memref<10000x128xf32, #tpu.memory_space<vmem_shared>> -> memref<128x128xf32, #tpu.memory_space<vmem_shared>>
      tpu.enqueue_dma source(%arg14 : memref<128x128xf32, #tpu.memory_space<vmem>>) target(%dma_start3A_98 : memref<128x128xf32, #tpu.memory_space<vmem_shared>>) target_semaphore(%run_scoped3A : memref<!tpu.dma_semaphore, #tpu.memory_space<semaphore_mem>>)
      %dma_wait3A_99 = arith.constant 0 : i32
      %dma_wait3A_100 = tpu.memref_slice %arg17[%add3A_14, %dma_wait3A_99] : memref<10000x128xf32, #tpu.memory_space<vmem_shared>> -> memref<128x128xf32, #tpu.memory_space<vmem_shared>>
      %dma_wait3A_101 = arith.constant 0 : i32
      %dma_wait3A_102 = tpu.memref_slice %arg17[%add3A_14, %dma_wait3A_101] : memref<10000x128xf32, #tpu.memory_space<vmem_shared>> -> memref<128x128xf32, #tpu.memory_space<vmem_shared>>
      tpu.wait_dma2 semaphore(%run_scoped3A : memref<!tpu.dma_semaphore, #tpu.memory_space<semaphore_mem>>) src(%arg14 : memref<128x128xf32, #tpu.memory_space<vmem>>) dst(%dma_wait3A_102 : memref<128x128xf32, #tpu.memory_space<vmem_shared>>)
      tpu.yield
    }) : () -> ()
    %add3A_15 = arith.constant 384 : i32
    %add3A_16 = arith.addi %mul3A_8, %add3A_15 : i32
    "tpu.region"() ({
      %run_scoped3A = tpu.sem_alloc : memref<!tpu.dma_semaphore, #tpu.memory_space<semaphore_mem>>
      %dma_start3A_95 = arith.constant 0 : i32
      %dma_start3A_96 = tpu.memref_slice %arg17[%add3A_16, %dma_start3A_95] : memref<10000x128xf32, #tpu.memory_space<vmem_shared>> -> memref<128x128xf32, #tpu.memory_space<vmem_shared>>
      %dma_start3A_97 = arith.constant 0 : i32
      %dma_start3A_98 = tpu.memref_slice %arg17[%add3A_16, %dma_start3A_97] : memref<10000x128xf32, #tpu.memory_space<vmem_shared>> -> memref<128x128xf32, #tpu.memory_space<vmem_shared>>
      tpu.enqueue_dma source(%arg14 : memref<128x128xf32, #tpu.memory_space<vmem>>) target(%dma_start3A_98 : memref<128x128xf32, #tpu.memory_space<vmem_shared>>) target_semaphore(%run_scoped3A : memref<!tpu.dma_semaphore, #tpu.memory_space<semaphore_mem>>)
      %dma_wait3A_99 = arith.constant 0 : i32
      %dma_wait3A_100 = tpu.memref_slice %arg17[%add3A_16, %dma_wait3A_99] : memref<10000x128xf32, #tpu.memory_space<vmem_shared>> -> memref<128x128xf32, #tpu.memory_space<vmem_shared>>
      %dma_wait3A_101 = arith.constant 0 : i32
      %dma_wait3A_102 = tpu.memref_slice %arg17[%add3A_16, %dma_wait3A_101] : memref<10000x128xf32, #tpu.memory_space<vmem_shared>> -> memref<128x128xf32, #tpu.memory_space<vmem_shared>>
      tpu.wait_dma2 semaphore(%run_scoped3A : memref<!tpu.dma_semaphore, #tpu.memory_space<semaphore_mem>>) src(%arg14 : memref<128x128xf32, #tpu.memory_space<vmem>>) dst(%dma_wait3A_102 : memref<128x128xf32, #tpu.memory_space<vmem_shared>>)
      tpu.yield
    }) : () -> ()
    %add3A_17 = arith.constant 512 : i32
    %add3A_18 = arith.addi %mul3A_8, %add3A_17 : i32
    "tpu.region"() ({
      %run_scoped3A = tpu.sem_alloc : memref<!tpu.dma_semaphore, #tpu.memory_space<semaphore_mem>>
      %dma_start3A_95 = arith.constant 0 : i32
      %dma_start3A_96 = arith.constant 0 : i32
      %dma_start3A_97 = tpu.memref_slice %arg14[%dma_start3A_95, %dma_start3A_96] : memref<128x128xf32, #tpu.memory_space<vmem>> -> memref<112x128xf32, #tpu.memory_space<vmem>>
      %dma_start3A_98 = arith.constant 0 : i32
      %dma_start3A_99 = tpu.memref_slice %arg17[%add3A_18, %dma_start3A_98] : memref<10000x128xf32, #tpu.memory_space<vmem_shared>> -> memref<112x128xf32, #tpu.memory_space<vmem_shared>>
      %dma_start3A_100 = arith.constant 0 : i32
      %dma_start3A_101 = tpu.memref_slice %arg17[%add3A_18, %dma_start3A_100] : memref<10000x128xf32, #tpu.memory_space<vmem_shared>> -> memref<112x128xf32, #tpu.memory_space<vmem_shared>>
      %dma_start3A_102 = arith.constant 0 : i32
      %dma_start3A_103 = arith.constant 0 : i32
      %dma_start3A_104 = tpu.memref_slice %arg14[%dma_start3A_102, %dma_start3A_103] : memref<128x128xf32, #tpu.memory_space<vmem>> -> memref<112x128xf32, #tpu.memory_space<vmem>>
      tpu.enqueue_dma source(%dma_start3A_104 : memref<112x128xf32, #tpu.memory_space<vmem>>) target(%dma_start3A_101 : memref<112x128xf32, #tpu.memory_space<vmem_shared>>) target_semaphore(%run_scoped3A : memref<!tpu.dma_semaphore, #tpu.memory_space<semaphore_mem>>)
      %dma_wait3A_105 = arith.constant 0 : i32
      %dma_wait3A_106 = arith.constant 0 : i32
      %dma_wait3A_107 = tpu.memref_slice %arg14[%dma_wait3A_105, %dma_wait3A_106] : memref<128x128xf32, #tpu.memory_space<vmem>> -> memref<112x128xf32, #tpu.memory_space<vmem>>
      %dma_wait3A_108 = arith.constant 0 : i32
      %dma_wait3A_109 = tpu.memref_slice %arg17[%add3A_18, %dma_wait3A_108] : memref<10000x128xf32, #tpu.memory_space<vmem_shared>> -> memref<112x128xf32, #tpu.memory_space<vmem_shared>>
      %dma_wait3A_110 = arith.constant 0 : i32
      %dma_wait3A_111 = tpu.memref_slice %arg17[%add3A_18, %dma_wait3A_110] : memref<10000x128xf32, #tpu.memory_space<vmem_shared>> -> memref<112x128xf32, #tpu.memory_space<vmem_shared>>
      %dma_wait3A_112 = arith.constant 0 : i32
      %dma_wait3A_113 = arith.constant 0 : i32
      %dma_wait3A_114 = tpu.memref_slice %arg14[%dma_wait3A_112, %dma_wait3A_113] : memref<128x128xf32, #tpu.memory_space<vmem>> -> memref<112x128xf32, #tpu.memory_space<vmem>>
      tpu.wait_dma2 semaphore(%run_scoped3A : memref<!tpu.dma_semaphore, #tpu.memory_space<semaphore_mem>>) src(%dma_wait3A_114 : memref<112x128xf32, #tpu.memory_space<vmem>>) dst(%dma_wait3A_111 : memref<112x128xf32, #tpu.memory_space<vmem_shared>>)
      tpu.yield
    }) : () -> ()
    %eq3A = arith.constant 15 : i32
    %eq3A_19 = arith.cmpi eq, %arg1, %eq3A : i32
    %convert_element_type3A = arith.extui %eq3A_19 : i1 to i32
    %cond3A = arith.constant 0 : i32
    %cond3A_20 = arith.cmpi ne, %convert_element_type3A, %cond3A : i32
    scf.if %cond3A_20 {
      "tpu.region"() ({
        %run_scoped3A = tpu.sem_alloc : memref<!tpu.dma_semaphore, #tpu.memory_space<semaphore_mem>>
        %dma_start3A_95 = arith.constant 0 : i32
        %dma_start3A_96 = arith.constant 0 : i32
        %dma_start3A_97 = tpu.memref_slice %arg14[%dma_start3A_95, %dma_start3A_96] : memref<128x128xf32, #tpu.memory_space<vmem>> -> memref<16x128xf32, #tpu.memory_space<vmem>>
        %dma_start3A_98 = arith.constant 9984 : i32
        %dma_start3A_99 = arith.constant 0 : i32
        %dma_start3A_100 = tpu.memref_slice %arg17[%dma_start3A_98, %dma_start3A_99] : memref<10000x128xf32, #tpu.memory_space<vmem_shared>> -> memref<16x128xf32, #tpu.memory_space<vmem_shared>>
        %dma_start3A_101 = arith.constant 9984 : i32
        %dma_start3A_102 = arith.constant 0 : i32
        %dma_start3A_103 = tpu.memref_slice %arg17[%dma_start3A_101, %dma_start3A_102] : memref<10000x128xf32, #tpu.memory_space<vmem_shared>> -> memref<16x128xf32, #tpu.memory_space<vmem_shared>>
        %dma_start3A_104 = arith.constant 0 : i32
        %dma_start3A_105 = arith.constant 0 : i32
        %dma_start3A_106 = tpu.memref_slice %arg14[%dma_start3A_104, %dma_start3A_105] : memref<128x128xf32, #tpu.memory_space<vmem>> -> memref<16x128xf32, #tpu.memory_space<vmem>>
        tpu.enqueue_dma source(%dma_start3A_106 : memref<16x128xf32, #tpu.memory_space<vmem>>) target(%dma_start3A_103 : memref<16x128xf32, #tpu.memory_space<vmem_shared>>) target_semaphore(%run_scoped3A : memref<!tpu.dma_semaphore, #tpu.memory_space<semaphore_mem>>)
        %dma_wait3A_107 = arith.constant 0 : i32
        %dma_wait3A_108 = arith.constant 0 : i32
        %dma_wait3A_109 = tpu.memref_slice %arg14[%dma_wait3A_107, %dma_wait3A_108] : memref<128x128xf32, #tpu.memory_space<vmem>> -> memref<16x128xf32, #tpu.memory_space<vmem>>
        %dma_wait3A_110 = arith.constant 9984 : i32
        %dma_wait3A_111 = arith.constant 0 : i32
        %dma_wait3A_112 = tpu.memref_slice %arg17[%dma_wait3A_110, %dma_wait3A_111] : memref<10000x128xf32, #tpu.memory_space<vmem_shared>> -> memref<16x128xf32, #tpu.memory_space<vmem_shared>>
        %dma_wait3A_113 = arith.constant 9984 : i32
        %dma_wait3A_114 = arith.constant 0 : i32
        %dma_wait3A_115 = tpu.memref_slice %arg17[%dma_wait3A_113, %dma_wait3A_114] : memref<10000x128xf32, #tpu.memory_space<vmem_shared>> -> memref<16x128xf32, #tpu.memory_space<vmem_shared>>
        %dma_wait3A_116 = arith.constant 0 : i32
        %dma_wait3A_117 = arith.constant 0 : i32
        %dma_wait3A_118 = tpu.memref_slice %arg14[%dma_wait3A_116, %dma_wait3A_117] : memref<128x128xf32, #tpu.memory_space<vmem>> -> memref<16x128xf32, #tpu.memory_space<vmem>>
        tpu.wait_dma2 semaphore(%run_scoped3A : memref<!tpu.dma_semaphore, #tpu.memory_space<semaphore_mem>>) src(%dma_wait3A_118 : memref<16x128xf32, #tpu.memory_space<vmem>>) dst(%dma_wait3A_115 : memref<16x128xf32, #tpu.memory_space<vmem_shared>>)
        tpu.yield
      }) : () -> ()
    } else {
    }
    %barrier3A = arith.constant 0 : index
    tpu.barrier barrier_id(%barrier3A)
    %add3A_21 = arith.constant 0 : i32
    %add3A_22 = arith.addi %mul3A_2, %add3A_21 : i32
    %dma_start3A = tpu.memref_slice %arg2[%add3A_22] : memref<640000xi32, #tpu.memory_space<hbm>> -> memref<128xi32, #tpu.memory_space<hbm>>
    %dma_start3A_23 = tpu.memref_slice %arg2[%add3A_22] : memref<640000xi32, #tpu.memory_space<hbm>> -> memref<128xi32, #tpu.memory_space<hbm>>
    tpu.enqueue_dma source(%dma_start3A_23 : memref<128xi32, #tpu.memory_space<hbm>>) target(%arg6 : memref<128xi32, #tpu.memory_space<vmem>>) target_semaphore(%arg18 : memref<!tpu.dma_semaphore, #tpu.memory_space<semaphore_mem>>)
    %dma_start3A_24 = tpu.memref_slice %arg3[%add3A_22] : memref<640000xi32, #tpu.memory_space<hbm>> -> memref<128xi32, #tpu.memory_space<hbm>>
    %dma_start3A_25 = tpu.memref_slice %arg3[%add3A_22] : memref<640000xi32, #tpu.memory_space<hbm>> -> memref<128xi32, #tpu.memory_space<hbm>>
    tpu.enqueue_dma source(%dma_start3A_25 : memref<128xi32, #tpu.memory_space<hbm>>) target(%arg9 : memref<128xi32, #tpu.memory_space<vmem>>) target_semaphore(%arg18 : memref<!tpu.dma_semaphore, #tpu.memory_space<semaphore_mem>>)
    %add3A_26 = arith.constant 128 : i32
    %add3A_27 = arith.addi %mul3A_2, %add3A_26 : i32
    %dma_start3A_28 = tpu.memref_slice %arg2[%add3A_27] : memref<640000xi32, #tpu.memory_space<hbm>> -> memref<128xi32, #tpu.memory_space<hbm>>
    %dma_start3A_29 = tpu.memref_slice %arg2[%add3A_27] : memref<640000xi32, #tpu.memory_space<hbm>> -> memref<128xi32, #tpu.memory_space<hbm>>
    tpu.enqueue_dma source(%dma_start3A_29 : memref<128xi32, #tpu.memory_space<hbm>>) target(%arg7 : memref<128xi32, #tpu.memory_space<vmem>>) target_semaphore(%arg19 : memref<!tpu.dma_semaphore, #tpu.memory_space<semaphore_mem>>)
    %dma_start3A_30 = tpu.memref_slice %arg3[%add3A_27] : memref<640000xi32, #tpu.memory_space<hbm>> -> memref<128xi32, #tpu.memory_space<hbm>>
    %dma_start3A_31 = tpu.memref_slice %arg3[%add3A_27] : memref<640000xi32, #tpu.memory_space<hbm>> -> memref<128xi32, #tpu.memory_space<hbm>>
    tpu.enqueue_dma source(%dma_start3A_31 : memref<128xi32, #tpu.memory_space<hbm>>) target(%arg10 : memref<128xi32, #tpu.memory_space<vmem>>) target_semaphore(%arg19 : memref<!tpu.dma_semaphore, #tpu.memory_space<semaphore_mem>>)
    %add3A_32 = arith.constant 256 : i32
    %add3A_33 = arith.addi %mul3A_2, %add3A_32 : i32
    %dma_start3A_34 = tpu.memref_slice %arg2[%add3A_33] : memref<640000xi32, #tpu.memory_space<hbm>> -> memref<128xi32, #tpu.memory_space<hbm>>
    %dma_start3A_35 = tpu.memref_slice %arg2[%add3A_33] : memref<640000xi32, #tpu.memory_space<hbm>> -> memref<128xi32, #tpu.memory_space<hbm>>
    tpu.enqueue_dma source(%dma_start3A_35 : memref<128xi32, #tpu.memory_space<hbm>>) target(%arg8 : memref<128xi32, #tpu.memory_space<vmem>>) target_semaphore(%arg20 : memref<!tpu.dma_semaphore, #tpu.memory_space<semaphore_mem>>)
    %dma_start3A_36 = tpu.memref_slice %arg3[%add3A_33] : memref<640000xi32, #tpu.memory_space<hbm>> -> memref<128xi32, #tpu.memory_space<hbm>>
    %dma_start3A_37 = tpu.memref_slice %arg3[%add3A_33] : memref<640000xi32, #tpu.memory_space<hbm>> -> memref<128xi32, #tpu.memory_space<hbm>>
    tpu.enqueue_dma source(%dma_start3A_37 : memref<128xi32, #tpu.memory_space<hbm>>) target(%arg11 : memref<128xi32, #tpu.memory_space<vmem>>) target_semaphore(%arg20 : memref<!tpu.dma_semaphore, #tpu.memory_space<semaphore_mem>>)
    %dma_wait3A = arith.constant 0 : i32
    %dma_wait3A_38 = tpu.memref_slice %arg2[%dma_wait3A] : memref<640000xi32, #tpu.memory_space<hbm>> -> memref<128xi32, #tpu.memory_space<hbm>>
    %dma_wait3A_39 = arith.constant 0 : i32
    %dma_wait3A_40 = tpu.memref_slice %arg2[%dma_wait3A_39] : memref<640000xi32, #tpu.memory_space<hbm>> -> memref<128xi32, #tpu.memory_space<hbm>>
    tpu.wait_dma2 semaphore(%arg18 : memref<!tpu.dma_semaphore, #tpu.memory_space<semaphore_mem>>) src(%dma_wait3A_40 : memref<128xi32, #tpu.memory_space<hbm>>) dst(%arg6 : memref<128xi32, #tpu.memory_space<vmem>>)
    %dma_wait3A_41 = arith.constant 0 : i32
    %dma_wait3A_42 = tpu.memref_slice %arg3[%dma_wait3A_41] : memref<640000xi32, #tpu.memory_space<hbm>> -> memref<128xi32, #tpu.memory_space<hbm>>
    %dma_wait3A_43 = arith.constant 0 : i32
    %dma_wait3A_44 = tpu.memref_slice %arg3[%dma_wait3A_43] : memref<640000xi32, #tpu.memory_space<hbm>> -> memref<128xi32, #tpu.memory_space<hbm>>
    tpu.wait_dma2 semaphore(%arg18 : memref<!tpu.dma_semaphore, #tpu.memory_space<semaphore_mem>>) src(%dma_wait3A_44 : memref<128xi32, #tpu.memory_space<hbm>>) dst(%arg9 : memref<128xi32, #tpu.memory_space<vmem>>)
    %dma_start3A_45 = arith.constant 0 : i32
    %dma_start3A_46 = arith.constant 0 : i32
    %dma_start3A_47 = tpu.memref_slice %arg4[%dma_start3A_45, %dma_start3A_46] : memref<10000x128xf32, #tpu.memory_space<hbm>> -> memref<10000x128xf32, #tpu.memory_space<hbm>>
    tpu.enqueue_indirect_dma source(%dma_start3A_47 : memref<10000x128xf32, #tpu.memory_space<hbm>>) target(%arg14 : memref<128x128xf32, #tpu.memory_space<vmem>>) offsets(%arg6 : memref<128xi32, #tpu.memory_space<vmem>>) semaphore(%arg21 : memref<!tpu.dma_semaphore, #tpu.memory_space<semaphore_mem>>)
    %dma_wait3A_48 = arith.constant 0 : i32
    %dma_wait3A_49 = tpu.memref_slice %arg2[%dma_wait3A_48] : memref<640000xi32, #tpu.memory_space<hbm>> -> memref<128xi32, #tpu.memory_space<hbm>>
    %dma_wait3A_50 = arith.constant 0 : i32
    %dma_wait3A_51 = tpu.memref_slice %arg2[%dma_wait3A_50] : memref<640000xi32, #tpu.memory_space<hbm>> -> memref<128xi32, #tpu.memory_space<hbm>>
    tpu.wait_dma2 semaphore(%arg19 : memref<!tpu.dma_semaphore, #tpu.memory_space<semaphore_mem>>) src(%dma_wait3A_51 : memref<128xi32, #tpu.memory_space<hbm>>) dst(%arg7 : memref<128xi32, #tpu.memory_space<vmem>>)
    %dma_wait3A_52 = arith.constant 0 : i32
    %dma_wait3A_53 = tpu.memref_slice %arg3[%dma_wait3A_52] : memref<640000xi32, #tpu.memory_space<hbm>> -> memref<128xi32, #tpu.memory_space<hbm>>
    %dma_wait3A_54 = arith.constant 0 : i32
    %dma_wait3A_55 = tpu.memref_slice %arg3[%dma_wait3A_54] : memref<640000xi32, #tpu.memory_space<hbm>> -> memref<128xi32, #tpu.memory_space<hbm>>
    tpu.wait_dma2 semaphore(%arg19 : memref<!tpu.dma_semaphore, #tpu.memory_space<semaphore_mem>>) src(%dma_wait3A_55 : memref<128xi32, #tpu.memory_space<hbm>>) dst(%arg10 : memref<128xi32, #tpu.memory_space<vmem>>)
    %dma_start3A_56 = arith.constant 0 : i32
    %dma_start3A_57 = arith.constant 0 : i32
    %dma_start3A_58 = tpu.memref_slice %arg4[%dma_start3A_56, %dma_start3A_57] : memref<10000x128xf32, #tpu.memory_space<hbm>> -> memref<10000x128xf32, #tpu.memory_space<hbm>>
    tpu.enqueue_indirect_dma source(%dma_start3A_58 : memref<10000x128xf32, #tpu.memory_space<hbm>>) target(%arg15 : memref<128x128xf32, #tpu.memory_space<vmem>>) offsets(%arg7 : memref<128xi32, #tpu.memory_space<vmem>>) semaphore(%arg22 : memref<!tpu.dma_semaphore, #tpu.memory_space<semaphore_mem>>)
    %dma_wait3A_59 = arith.constant 0 : i32
    %dma_wait3A_60 = tpu.memref_slice %arg2[%dma_wait3A_59] : memref<640000xi32, #tpu.memory_space<hbm>> -> memref<128xi32, #tpu.memory_space<hbm>>
    %dma_wait3A_61 = arith.constant 0 : i32
    %dma_wait3A_62 = tpu.memref_slice %arg2[%dma_wait3A_61] : memref<640000xi32, #tpu.memory_space<hbm>> -> memref<128xi32, #tpu.memory_space<hbm>>
    tpu.wait_dma2 semaphore(%arg20 : memref<!tpu.dma_semaphore, #tpu.memory_space<semaphore_mem>>) src(%dma_wait3A_62 : memref<128xi32, #tpu.memory_space<hbm>>) dst(%arg8 : memref<128xi32, #tpu.memory_space<vmem>>)
    %dma_wait3A_63 = arith.constant 0 : i32
    %dma_wait3A_64 = tpu.memref_slice %arg3[%dma_wait3A_63] : memref<640000xi32, #tpu.memory_space<hbm>> -> memref<128xi32, #tpu.memory_space<hbm>>
    %dma_wait3A_65 = arith.constant 0 : i32
    %dma_wait3A_66 = tpu.memref_slice %arg3[%dma_wait3A_65] : memref<640000xi32, #tpu.memory_space<hbm>> -> memref<128xi32, #tpu.memory_space<hbm>>
    tpu.wait_dma2 semaphore(%arg20 : memref<!tpu.dma_semaphore, #tpu.memory_space<semaphore_mem>>) src(%dma_wait3A_66 : memref<128xi32, #tpu.memory_space<hbm>>) dst(%arg11 : memref<128xi32, #tpu.memory_space<vmem>>)
    %dma_start3A_67 = arith.constant 0 : i32
    %dma_start3A_68 = arith.constant 0 : i32
    %dma_start3A_69 = tpu.memref_slice %arg4[%dma_start3A_67, %dma_start3A_68] : memref<10000x128xf32, #tpu.memory_space<hbm>> -> memref<10000x128xf32, #tpu.memory_space<hbm>>
    tpu.enqueue_indirect_dma source(%dma_start3A_69 : memref<10000x128xf32, #tpu.memory_space<hbm>>) target(%arg16 : memref<128x128xf32, #tpu.memory_space<vmem>>) offsets(%arg8 : memref<128xi32, #tpu.memory_space<vmem>>) semaphore(%arg23 : memref<!tpu.dma_semaphore, #tpu.memory_space<semaphore_mem>>)
    %scan3A_70 = arith.constant 0 : i32
    %scan3A_71 = arith.constant 52 : i32
    %scan3A_72 = arith.addi %scan3A_70, %scan3A_71 : i32
    %scan3A_73 = arith.constant 1 : i32
    scf.for %scan3A_95 = %scan3A_70 to %scan3A_72 step %scan3A_73  : i32 {
      %mul3A_96 = arith.constant 1 : i32
      %mul3A_97 = arith.muli %scan3A_95, %mul3A_96 : i32
      %add3A_98 = arith.constant 0 : i32
      %add3A_99 = arith.addi %add3A_98, %mul3A_97 : i32
      %mul3A_100 = arith.constant 3 : i32
      %mul3A_101 = arith.muli %mul3A_100, %add3A_99 : i32
      %dma_wait3A_102 = arith.constant 0 : i32
      %dma_wait3A_103 = arith.constant 0 : i32
      %dma_wait3A_104 = tpu.memref_slice %arg4[%dma_wait3A_102, %dma_wait3A_103] : memref<10000x128xf32, #tpu.memory_space<hbm>> -> memref<10000x128xf32, #tpu.memory_space<hbm>>
      tpu.wait_indirect_dma semaphore(%arg21 : memref<!tpu.dma_semaphore, #tpu.memory_space<semaphore_mem>>) src(%dma_wait3A_104 : memref<10000x128xf32, #tpu.memory_space<hbm>>) dst(%arg14 : memref<128x128xf32, #tpu.memory_space<vmem>>)
      %dma_start3A_105 = arith.constant 0 : i32
      %dma_start3A_106 = arith.constant 0 : i32
      %dma_start3A_107 = tpu.memref_slice %arg17[%dma_start3A_105, %dma_start3A_106] : memref<10000x128xf32, #tpu.memory_space<vmem_shared>> -> memref<10000x128xf32, #tpu.memory_space<vmem_shared>>
      tpu.enqueue_indirect_dma source(%arg14 : memref<128x128xf32, #tpu.memory_space<vmem>>) target(%dma_start3A_107 : memref<10000x128xf32, #tpu.memory_space<vmem_shared>>) offsets(%arg9 : memref<128xi32, #tpu.memory_space<vmem>>) semaphore(%arg24 : memref<!tpu.dma_semaphore, #tpu.memory_space<semaphore_mem>>) {add = true}
      %dma_wait3A_108 = arith.constant 0 : i32
      %dma_wait3A_109 = arith.constant 0 : i32
      %dma_wait3A_110 = tpu.memref_slice %arg4[%dma_wait3A_108, %dma_wait3A_109] : memref<10000x128xf32, #tpu.memory_space<hbm>> -> memref<10000x128xf32, #tpu.memory_space<hbm>>
      tpu.wait_indirect_dma semaphore(%arg22 : memref<!tpu.dma_semaphore, #tpu.memory_space<semaphore_mem>>) src(%dma_wait3A_110 : memref<10000x128xf32, #tpu.memory_space<hbm>>) dst(%arg15 : memref<128x128xf32, #tpu.memory_space<vmem>>)
      %dma_start3A_111 = arith.constant 0 : i32
      %dma_start3A_112 = arith.constant 0 : i32
      %dma_start3A_113 = tpu.memref_slice %arg17[%dma_start3A_111, %dma_start3A_112] : memref<10000x128xf32, #tpu.memory_space<vmem_shared>> -> memref<10000x128xf32, #tpu.memory_space<vmem_shared>>
      tpu.enqueue_indirect_dma source(%arg15 : memref<128x128xf32, #tpu.memory_space<vmem>>) target(%dma_start3A_113 : memref<10000x128xf32, #tpu.memory_space<vmem_shared>>) offsets(%arg10 : memref<128xi32, #tpu.memory_space<vmem>>) semaphore(%arg25 : memref<!tpu.dma_semaphore, #tpu.memory_space<semaphore_mem>>) {add = true}
      %dma_wait3A_114 = arith.constant 0 : i32
      %dma_wait3A_115 = arith.constant 0 : i32
      %dma_wait3A_116 = tpu.memref_slice %arg4[%dma_wait3A_114, %dma_wait3A_115] : memref<10000x128xf32, #tpu.memory_space<hbm>> -> memref<10000x128xf32, #tpu.memory_space<hbm>>
      tpu.wait_indirect_dma semaphore(%arg23 : memref<!tpu.dma_semaphore, #tpu.memory_space<semaphore_mem>>) src(%dma_wait3A_116 : memref<10000x128xf32, #tpu.memory_space<hbm>>) dst(%arg16 : memref<128x128xf32, #tpu.memory_space<vmem>>)
      %dma_start3A_117 = arith.constant 0 : i32
      %dma_start3A_118 = arith.constant 0 : i32
      %dma_start3A_119 = tpu.memref_slice %arg17[%dma_start3A_117, %dma_start3A_118] : memref<10000x128xf32, #tpu.memory_space<vmem_shared>> -> memref<10000x128xf32, #tpu.memory_space<vmem_shared>>
      tpu.enqueue_indirect_dma source(%arg16 : memref<128x128xf32, #tpu.memory_space<vmem>>) target(%dma_start3A_119 : memref<10000x128xf32, #tpu.memory_space<vmem_shared>>) offsets(%arg11 : memref<128xi32, #tpu.memory_space<vmem>>) semaphore(%arg26 : memref<!tpu.dma_semaphore, #tpu.memory_space<semaphore_mem>>) {add = true}
      %dma_wait3A_120 = arith.constant 0 : i32
      %dma_wait3A_121 = arith.constant 0 : i32
      %dma_wait3A_122 = tpu.memref_slice %arg17[%dma_wait3A_120, %dma_wait3A_121] : memref<10000x128xf32, #tpu.memory_space<vmem_shared>> -> memref<10000x128xf32, #tpu.memory_space<vmem_shared>>
      tpu.wait_indirect_dma semaphore(%arg24 : memref<!tpu.dma_semaphore, #tpu.memory_space<semaphore_mem>>) src(%arg14 : memref<128x128xf32, #tpu.memory_space<vmem>>) dst(%dma_wait3A_122 : memref<10000x128xf32, #tpu.memory_space<vmem_shared>>)
      %lt3A = arith.constant 51 : i32
      %lt3A_123 = arith.cmpi slt, %add3A_99, %lt3A : i32
      %convert_element_type3A_124 = arith.extui %lt3A_123 : i1 to i32
      %cond3A_125 = arith.constant 0 : i32
      %cond3A_126 = arith.cmpi ne, %convert_element_type3A_124, %cond3A_125 : i32
      scf.if %cond3A_126 {
        %add3A_158 = arith.constant 3 : i32
        %add3A_159 = arith.addi %mul3A_101, %add3A_158 : i32
        %add3A_160 = arith.constant 0 : i32
        %add3A_161 = arith.addi %add3A_159, %add3A_160 : i32
        %mul3A_162 = arith.constant 128 : i32
        %mul3A_163 = arith.muli %add3A_161, %mul3A_162 : i32
        %add3A_164 = arith.addi %mul3A_2, %mul3A_163 : i32
        %dma_start3A_165 = tpu.memref_slice %arg2[%add3A_164] : memref<640000xi32, #tpu.memory_space<hbm>> -> memref<128xi32, #tpu.memory_space<hbm>>
        %dma_start3A_166 = tpu.memref_slice %arg2[%add3A_164] : memref<640000xi32, #tpu.memory_space<hbm>> -> memref<128xi32, #tpu.memory_space<hbm>>
        tpu.enqueue_dma source(%dma_start3A_166 : memref<128xi32, #tpu.memory_space<hbm>>) target(%arg6 : memref<128xi32, #tpu.memory_space<vmem>>) target_semaphore(%arg18 : memref<!tpu.dma_semaphore, #tpu.memory_space<semaphore_mem>>)
        %dma_start3A_167 = tpu.memref_slice %arg3[%add3A_164] : memref<640000xi32, #tpu.memory_space<hbm>> -> memref<128xi32, #tpu.memory_space<hbm>>
        %dma_start3A_168 = tpu.memref_slice %arg3[%add3A_164] : memref<640000xi32, #tpu.memory_space<hbm>> -> memref<128xi32, #tpu.memory_space<hbm>>
        tpu.enqueue_dma source(%dma_start3A_168 : memref<128xi32, #tpu.memory_space<hbm>>) target(%arg9 : memref<128xi32, #tpu.memory_space<vmem>>) target_semaphore(%arg18 : memref<!tpu.dma_semaphore, #tpu.memory_space<semaphore_mem>>)
      } else {
      }
      %dma_wait3A_127 = arith.constant 0 : i32
      %dma_wait3A_128 = arith.constant 0 : i32
      %dma_wait3A_129 = tpu.memref_slice %arg17[%dma_wait3A_127, %dma_wait3A_128] : memref<10000x128xf32, #tpu.memory_space<vmem_shared>> -> memref<10000x128xf32, #tpu.memory_space<vmem_shared>>
      tpu.wait_indirect_dma semaphore(%arg25 : memref<!tpu.dma_semaphore, #tpu.memory_space<semaphore_mem>>) src(%arg15 : memref<128x128xf32, #tpu.memory_space<vmem>>) dst(%dma_wait3A_129 : memref<10000x128xf32, #tpu.memory_space<vmem_shared>>)
      %lt3A_130 = arith.constant 51 : i32
      %lt3A_131 = arith.cmpi slt, %add3A_99, %lt3A_130 : i32
      %convert_element_type3A_132 = arith.extui %lt3A_131 : i1 to i32
      %cond3A_133 = arith.constant 0 : i32
      %cond3A_134 = arith.cmpi ne, %convert_element_type3A_132, %cond3A_133 : i32
      scf.if %cond3A_134 {
        %add3A_158 = arith.constant 3 : i32
        %add3A_159 = arith.addi %mul3A_101, %add3A_158 : i32
        %add3A_160 = arith.constant 1 : i32
        %add3A_161 = arith.addi %add3A_159, %add3A_160 : i32
        %mul3A_162 = arith.constant 128 : i32
        %mul3A_163 = arith.muli %add3A_161, %mul3A_162 : i32
        %add3A_164 = arith.addi %mul3A_2, %mul3A_163 : i32
        %dma_start3A_165 = tpu.memref_slice %arg2[%add3A_164] : memref<640000xi32, #tpu.memory_space<hbm>> -> memref<128xi32, #tpu.memory_space<hbm>>
        %dma_start3A_166 = tpu.memref_slice %arg2[%add3A_164] : memref<640000xi32, #tpu.memory_space<hbm>> -> memref<128xi32, #tpu.memory_space<hbm>>
        tpu.enqueue_dma source(%dma_start3A_166 : memref<128xi32, #tpu.memory_space<hbm>>) target(%arg7 : memref<128xi32, #tpu.memory_space<vmem>>) target_semaphore(%arg19 : memref<!tpu.dma_semaphore, #tpu.memory_space<semaphore_mem>>)
        %dma_start3A_167 = tpu.memref_slice %arg3[%add3A_164] : memref<640000xi32, #tpu.memory_space<hbm>> -> memref<128xi32, #tpu.memory_space<hbm>>
        %dma_start3A_168 = tpu.memref_slice %arg3[%add3A_164] : memref<640000xi32, #tpu.memory_space<hbm>> -> memref<128xi32, #tpu.memory_space<hbm>>
        tpu.enqueue_dma source(%dma_start3A_168 : memref<128xi32, #tpu.memory_space<hbm>>) target(%arg10 : memref<128xi32, #tpu.memory_space<vmem>>) target_semaphore(%arg19 : memref<!tpu.dma_semaphore, #tpu.memory_space<semaphore_mem>>)
      } else {
      }
      %dma_wait3A_135 = arith.constant 0 : i32
      %dma_wait3A_136 = arith.constant 0 : i32
      %dma_wait3A_137 = tpu.memref_slice %arg17[%dma_wait3A_135, %dma_wait3A_136] : memref<10000x128xf32, #tpu.memory_space<vmem_shared>> -> memref<10000x128xf32, #tpu.memory_space<vmem_shared>>
      tpu.wait_indirect_dma semaphore(%arg26 : memref<!tpu.dma_semaphore, #tpu.memory_space<semaphore_mem>>) src(%arg16 : memref<128x128xf32, #tpu.memory_space<vmem>>) dst(%dma_wait3A_137 : memref<10000x128xf32, #tpu.memory_space<vmem_shared>>)
      %lt3A_138 = arith.constant 51 : i32
      %lt3A_139 = arith.cmpi slt, %add3A_99, %lt3A_138 : i32
      %convert_element_type3A_140 = arith.extui %lt3A_139 : i1 to i32
      %cond3A_141 = arith.constant 0 : i32
      %cond3A_142 = arith.cmpi ne, %convert_element_type3A_140, %cond3A_141 : i32
      scf.if %cond3A_142 {
        %add3A_158 = arith.constant 3 : i32
        %add3A_159 = arith.addi %mul3A_101, %add3A_158 : i32
        %add3A_160 = arith.constant 2 : i32
        %add3A_161 = arith.addi %add3A_159, %add3A_160 : i32
        %mul3A_162 = arith.constant 128 : i32
        %mul3A_163 = arith.muli %add3A_161, %mul3A_162 : i32
        %add3A_164 = arith.addi %mul3A_2, %mul3A_163 : i32
        %dma_start3A_165 = tpu.memref_slice %arg2[%add3A_164] : memref<640000xi32, #tpu.memory_space<hbm>> -> memref<128xi32, #tpu.memory_space<hbm>>
        %dma_start3A_166 = tpu.memref_slice %arg2[%add3A_164] : memref<640000xi32, #tpu.memory_space<hbm>> -> memref<128xi32, #tpu.memory_space<hbm>>
        tpu.enqueue_dma source(%dma_start3A_166 : memref<128xi32, #tpu.memory_space<hbm>>) target(%arg8 : memref<128xi32, #tpu.memory_space<vmem>>) target_semaphore(%arg20 : memref<!tpu.dma_semaphore, #tpu.memory_space<semaphore_mem>>)
        %dma_start3A_167 = tpu.memref_slice %arg3[%add3A_164] : memref<640000xi32, #tpu.memory_space<hbm>> -> memref<128xi32, #tpu.memory_space<hbm>>
        %dma_start3A_168 = tpu.memref_slice %arg3[%add3A_164] : memref<640000xi32, #tpu.memory_space<hbm>> -> memref<128xi32, #tpu.memory_space<hbm>>
        tpu.enqueue_dma source(%dma_start3A_168 : memref<128xi32, #tpu.memory_space<hbm>>) target(%arg11 : memref<128xi32, #tpu.memory_space<vmem>>) target_semaphore(%arg20 : memref<!tpu.dma_semaphore, #tpu.memory_space<semaphore_mem>>)
      } else {
      }
      %lt3A_143 = arith.constant 51 : i32
      %lt3A_144 = arith.cmpi slt, %add3A_99, %lt3A_143 : i32
      %convert_element_type3A_145 = arith.extui %lt3A_144 : i1 to i32
      %cond3A_146 = arith.constant 0 : i32
      %cond3A_147 = arith.cmpi ne, %convert_element_type3A_145, %cond3A_146 : i32
      scf.if %cond3A_147 {
        %dma_wait3A_158 = arith.constant 0 : i32
        %dma_wait3A_159 = tpu.memref_slice %arg2[%dma_wait3A_158] : memref<640000xi32, #tpu.memory_space<hbm>> -> memref<128xi32, #tpu.memory_space<hbm>>
        %dma_wait3A_160 = arith.constant 0 : i32
        %dma_wait3A_161 = tpu.memref_slice %arg2[%dma_wait3A_160] : memref<640000xi32, #tpu.memory_space<hbm>> -> memref<128xi32, #tpu.memory_space<hbm>>
        tpu.wait_dma2 semaphore(%arg18 : memref<!tpu.dma_semaphore, #tpu.memory_space<semaphore_mem>>) src(%dma_wait3A_161 : memref<128xi32, #tpu.memory_space<hbm>>) dst(%arg6 : memref<128xi32, #tpu.memory_space<vmem>>)
        %dma_wait3A_162 = arith.constant 0 : i32
        %dma_wait3A_163 = tpu.memref_slice %arg3[%dma_wait3A_162] : memref<640000xi32, #tpu.memory_space<hbm>> -> memref<128xi32, #tpu.memory_space<hbm>>
        %dma_wait3A_164 = arith.constant 0 : i32
        %dma_wait3A_165 = tpu.memref_slice %arg3[%dma_wait3A_164] : memref<640000xi32, #tpu.memory_space<hbm>> -> memref<128xi32, #tpu.memory_space<hbm>>
        tpu.wait_dma2 semaphore(%arg18 : memref<!tpu.dma_semaphore, #tpu.memory_space<semaphore_mem>>) src(%dma_wait3A_165 : memref<128xi32, #tpu.memory_space<hbm>>) dst(%arg9 : memref<128xi32, #tpu.memory_space<vmem>>)
        %dma_start3A_166 = arith.constant 0 : i32
        %dma_start3A_167 = arith.constant 0 : i32
        %dma_start3A_168 = tpu.memref_slice %arg4[%dma_start3A_166, %dma_start3A_167] : memref<10000x128xf32, #tpu.memory_space<hbm>> -> memref<10000x128xf32, #tpu.memory_space<hbm>>
        tpu.enqueue_indirect_dma source(%dma_start3A_168 : memref<10000x128xf32, #tpu.memory_space<hbm>>) target(%arg14 : memref<128x128xf32, #tpu.memory_space<vmem>>) offsets(%arg6 : memref<128xi32, #tpu.memory_space<vmem>>) semaphore(%arg21 : memref<!tpu.dma_semaphore, #tpu.memory_space<semaphore_mem>>)
      } else {
      }
      %lt3A_148 = arith.constant 51 : i32
      %lt3A_149 = arith.cmpi slt, %add3A_99, %lt3A_148 : i32
      %convert_element_type3A_150 = arith.extui %lt3A_149 : i1 to i32
      %cond3A_151 = arith.constant 0 : i32
      %cond3A_152 = arith.cmpi ne, %convert_element_type3A_150, %cond3A_151 : i32
      scf.if %cond3A_152 {
        %dma_wait3A_158 = arith.constant 0 : i32
        %dma_wait3A_159 = tpu.memref_slice %arg2[%dma_wait3A_158] : memref<640000xi32, #tpu.memory_space<hbm>> -> memref<128xi32, #tpu.memory_space<hbm>>
        %dma_wait3A_160 = arith.constant 0 : i32
        %dma_wait3A_161 = tpu.memref_slice %arg2[%dma_wait3A_160] : memref<640000xi32, #tpu.memory_space<hbm>> -> memref<128xi32, #tpu.memory_space<hbm>>
        tpu.wait_dma2 semaphore(%arg19 : memref<!tpu.dma_semaphore, #tpu.memory_space<semaphore_mem>>) src(%dma_wait3A_161 : memref<128xi32, #tpu.memory_space<hbm>>) dst(%arg7 : memref<128xi32, #tpu.memory_space<vmem>>)
        %dma_wait3A_162 = arith.constant 0 : i32
        %dma_wait3A_163 = tpu.memref_slice %arg3[%dma_wait3A_162] : memref<640000xi32, #tpu.memory_space<hbm>> -> memref<128xi32, #tpu.memory_space<hbm>>
        %dma_wait3A_164 = arith.constant 0 : i32
        %dma_wait3A_165 = tpu.memref_slice %arg3[%dma_wait3A_164] : memref<640000xi32, #tpu.memory_space<hbm>> -> memref<128xi32, #tpu.memory_space<hbm>>
        tpu.wait_dma2 semaphore(%arg19 : memref<!tpu.dma_semaphore, #tpu.memory_space<semaphore_mem>>) src(%dma_wait3A_165 : memref<128xi32, #tpu.memory_space<hbm>>) dst(%arg10 : memref<128xi32, #tpu.memory_space<vmem>>)
        %dma_start3A_166 = arith.constant 0 : i32
        %dma_start3A_167 = arith.constant 0 : i32
        %dma_start3A_168 = tpu.memref_slice %arg4[%dma_start3A_166, %dma_start3A_167] : memref<10000x128xf32, #tpu.memory_space<hbm>> -> memref<10000x128xf32, #tpu.memory_space<hbm>>
        tpu.enqueue_indirect_dma source(%dma_start3A_168 : memref<10000x128xf32, #tpu.memory_space<hbm>>) target(%arg15 : memref<128x128xf32, #tpu.memory_space<vmem>>) offsets(%arg7 : memref<128xi32, #tpu.memory_space<vmem>>) semaphore(%arg22 : memref<!tpu.dma_semaphore, #tpu.memory_space<semaphore_mem>>)
      } else {
      }
      %lt3A_153 = arith.constant 51 : i32
      %lt3A_154 = arith.cmpi slt, %add3A_99, %lt3A_153 : i32
      %convert_element_type3A_155 = arith.extui %lt3A_154 : i1 to i32
      %cond3A_156 = arith.constant 0 : i32
      %cond3A_157 = arith.cmpi ne, %convert_element_type3A_155, %cond3A_156 : i32
      scf.if %cond3A_157 {
        %dma_wait3A_158 = arith.constant 0 : i32
        %dma_wait3A_159 = tpu.memref_slice %arg2[%dma_wait3A_158] : memref<640000xi32, #tpu.memory_space<hbm>> -> memref<128xi32, #tpu.memory_space<hbm>>
        %dma_wait3A_160 = arith.constant 0 : i32
        %dma_wait3A_161 = tpu.memref_slice %arg2[%dma_wait3A_160] : memref<640000xi32, #tpu.memory_space<hbm>> -> memref<128xi32, #tpu.memory_space<hbm>>
        tpu.wait_dma2 semaphore(%arg20 : memref<!tpu.dma_semaphore, #tpu.memory_space<semaphore_mem>>) src(%dma_wait3A_161 : memref<128xi32, #tpu.memory_space<hbm>>) dst(%arg8 : memref<128xi32, #tpu.memory_space<vmem>>)
        %dma_wait3A_162 = arith.constant 0 : i32
        %dma_wait3A_163 = tpu.memref_slice %arg3[%dma_wait3A_162] : memref<640000xi32, #tpu.memory_space<hbm>> -> memref<128xi32, #tpu.memory_space<hbm>>
        %dma_wait3A_164 = arith.constant 0 : i32
        %dma_wait3A_165 = tpu.memref_slice %arg3[%dma_wait3A_164] : memref<640000xi32, #tpu.memory_space<hbm>> -> memref<128xi32, #tpu.memory_space<hbm>>
        tpu.wait_dma2 semaphore(%arg20 : memref<!tpu.dma_semaphore, #tpu.memory_space<semaphore_mem>>) src(%dma_wait3A_165 : memref<128xi32, #tpu.memory_space<hbm>>) dst(%arg11 : memref<128xi32, #tpu.memory_space<vmem>>)
        %dma_start3A_166 = arith.constant 0 : i32
        %dma_start3A_167 = arith.constant 0 : i32
        %dma_start3A_168 = tpu.memref_slice %arg4[%dma_start3A_166, %dma_start3A_167] : memref<10000x128xf32, #tpu.memory_space<hbm>> -> memref<10000x128xf32, #tpu.memory_space<hbm>>
        tpu.enqueue_indirect_dma source(%dma_start3A_168 : memref<10000x128xf32, #tpu.memory_space<hbm>>) target(%arg16 : memref<128x128xf32, #tpu.memory_space<vmem>>) offsets(%arg8 : memref<128xi32, #tpu.memory_space<vmem>>) semaphore(%arg23 : memref<!tpu.dma_semaphore, #tpu.memory_space<semaphore_mem>>)
      } else {
      }
    }
    %scan3A_74 = arith.constant 52 : i32
    %add3A_75 = arith.constant 19968 : i32
    %add3A_76 = arith.addi %mul3A_2, %add3A_75 : i32
    "tpu.region"() ({
      %run_scoped3A = tpu.sem_alloc : memref<!tpu.dma_semaphore, #tpu.memory_space<semaphore_mem>>
      %dma_start3A_95 = tpu.memref_slice %arg2[%add3A_76] : memref<640000xi32, #tpu.memory_space<hbm>> -> memref<32xi32, #tpu.memory_space<hbm>>
      %dma_start3A_96 = tpu.memref_slice %arg2[%add3A_76] : memref<640000xi32, #tpu.memory_space<hbm>> -> memref<32xi32, #tpu.memory_space<hbm>>
      tpu.enqueue_dma source(%dma_start3A_96 : memref<32xi32, #tpu.memory_space<hbm>>) target(%arg12 : memref<32xi32, #tpu.memory_space<vmem>>) target_semaphore(%run_scoped3A : memref<!tpu.dma_semaphore, #tpu.memory_space<semaphore_mem>>)
      %dma_wait3A_97 = tpu.memref_slice %arg2[%add3A_76] : memref<640000xi32, #tpu.memory_space<hbm>> -> memref<32xi32, #tpu.memory_space<hbm>>
      %dma_wait3A_98 = tpu.memref_slice %arg2[%add3A_76] : memref<640000xi32, #tpu.memory_space<hbm>> -> memref<32xi32, #tpu.memory_space<hbm>>
      tpu.wait_dma2 semaphore(%run_scoped3A : memref<!tpu.dma_semaphore, #tpu.memory_space<semaphore_mem>>) src(%dma_wait3A_98 : memref<32xi32, #tpu.memory_space<hbm>>) dst(%arg12 : memref<32xi32, #tpu.memory_space<vmem>>)
      tpu.yield
    }) : () -> ()
    "tpu.region"() ({
      %run_scoped3A = tpu.sem_alloc : memref<!tpu.dma_semaphore, #tpu.memory_space<semaphore_mem>>
      %dma_start3A_95 = tpu.memref_slice %arg3[%add3A_76] : memref<640000xi32, #tpu.memory_space<hbm>> -> memref<32xi32, #tpu.memory_space<hbm>>
      %dma_start3A_96 = tpu.memref_slice %arg3[%add3A_76] : memref<640000xi32, #tpu.memory_space<hbm>> -> memref<32xi32, #tpu.memory_space<hbm>>
      tpu.enqueue_dma source(%dma_start3A_96 : memref<32xi32, #tpu.memory_space<hbm>>) target(%arg13 : memref<32xi32, #tpu.memory_space<vmem>>) target_semaphore(%run_scoped3A : memref<!tpu.dma_semaphore, #tpu.memory_space<semaphore_mem>>)
      %dma_wait3A_97 = tpu.memref_slice %arg3[%add3A_76] : memref<640000xi32, #tpu.memory_space<hbm>> -> memref<32xi32, #tpu.memory_space<hbm>>
      %dma_wait3A_98 = tpu.memref_slice %arg3[%add3A_76] : memref<640000xi32, #tpu.memory_space<hbm>> -> memref<32xi32, #tpu.memory_space<hbm>>
      tpu.wait_dma2 semaphore(%run_scoped3A : memref<!tpu.dma_semaphore, #tpu.memory_space<semaphore_mem>>) src(%dma_wait3A_98 : memref<32xi32, #tpu.memory_space<hbm>>) dst(%arg13 : memref<32xi32, #tpu.memory_space<vmem>>)
      tpu.yield
    }) : () -> ()
    %dma_start3A_77 = arith.constant 0 : i32
    %dma_start3A_78 = arith.constant 0 : i32
    %dma_start3A_79 = tpu.memref_slice %arg14[%dma_start3A_77, %dma_start3A_78] : memref<128x128xf32, #tpu.memory_space<vmem>> -> memref<32x128xf32, #tpu.memory_space<vmem>>
    %dma_start3A_80 = arith.constant 0 : i32
    %dma_start3A_81 = arith.constant 0 : i32
    %dma_start3A_82 = tpu.memref_slice %arg4[%dma_start3A_80, %dma_start3A_81] : memref<10000x128xf32, #tpu.memory_space<hbm>> -> memref<10000x128xf32, #tpu.memory_space<hbm>>
    tpu.enqueue_indirect_dma source(%dma_start3A_82 : memref<10000x128xf32, #tpu.memory_space<hbm>>) target(%dma_start3A_79 : memref<32x128xf32, #tpu.memory_space<vmem>>) offsets(%arg12 : memref<32xi32, #tpu.memory_space<vmem>>) semaphore(%arg21 : memref<!tpu.dma_semaphore, #tpu.memory_space<semaphore_mem>>)
    %dma_wait3A_83 = arith.constant 0 : i32
    %dma_wait3A_84 = arith.constant 0 : i32
    %dma_wait3A_85 = tpu.memref_slice %arg14[%dma_wait3A_83, %dma_wait3A_84] : memref<128x128xf32, #tpu.memory_space<vmem>> -> memref<32x128xf32, #tpu.memory_space<vmem>>
    %dma_wait3A_86 = arith.constant 0 : i32
    %dma_wait3A_87 = arith.constant 0 : i32
    %dma_wait3A_88 = tpu.memref_slice %arg4[%dma_wait3A_86, %dma_wait3A_87] : memref<10000x128xf32, #tpu.memory_space<hbm>> -> memref<10000x128xf32, #tpu.memory_space<hbm>>
    tpu.wait_indirect_dma semaphore(%arg21 : memref<!tpu.dma_semaphore, #tpu.memory_space<semaphore_mem>>) src(%dma_wait3A_88 : memref<10000x128xf32, #tpu.memory_space<hbm>>) dst(%dma_wait3A_85 : memref<32x128xf32, #tpu.memory_space<vmem>>)
    "tpu.region"() ({
      %run_scoped3A = tpu.sem_alloc : memref<!tpu.dma_semaphore, #tpu.memory_space<semaphore_mem>>
      %dma_start3A_95 = arith.constant 0 : i32
      %dma_start3A_96 = arith.constant 0 : i32
      %dma_start3A_97 = tpu.memref_slice %arg14[%dma_start3A_95, %dma_start3A_96] : memref<128x128xf32, #tpu.memory_space<vmem>> -> memref<32x128xf32, #tpu.memory_space<vmem>>
      %dma_start3A_98 = arith.constant 0 : i32
      %dma_start3A_99 = arith.constant 0 : i32
      %dma_start3A_100 = tpu.memref_slice %arg17[%dma_start3A_98, %dma_start3A_99] : memref<10000x128xf32, #tpu.memory_space<vmem_shared>> -> memref<10000x128xf32, #tpu.memory_space<vmem_shared>>
      tpu.enqueue_indirect_dma source(%dma_start3A_97 : memref<32x128xf32, #tpu.memory_space<vmem>>) target(%dma_start3A_100 : memref<10000x128xf32, #tpu.memory_space<vmem_shared>>) offsets(%arg13 : memref<32xi32, #tpu.memory_space<vmem>>) semaphore(%run_scoped3A : memref<!tpu.dma_semaphore, #tpu.memory_space<semaphore_mem>>) {add = true}
      %dma_wait3A_101 = arith.constant 0 : i32
      %dma_wait3A_102 = arith.constant 0 : i32
      %dma_wait3A_103 = tpu.memref_slice %arg14[%dma_wait3A_101, %dma_wait3A_102] : memref<128x128xf32, #tpu.memory_space<vmem>> -> memref<32x128xf32, #tpu.memory_space<vmem>>
      %dma_wait3A_104 = arith.constant 0 : i32
      %dma_wait3A_105 = arith.constant 0 : i32
      %dma_wait3A_106 = tpu.memref_slice %arg17[%dma_wait3A_104, %dma_wait3A_105] : memref<10000x128xf32, #tpu.memory_space<vmem_shared>> -> memref<10000x128xf32, #tpu.memory_space<vmem_shared>>
      tpu.wait_indirect_dma semaphore(%run_scoped3A : memref<!tpu.dma_semaphore, #tpu.memory_space<semaphore_mem>>) src(%dma_wait3A_103 : memref<32x128xf32, #tpu.memory_space<vmem>>) dst(%dma_wait3A_106 : memref<10000x128xf32, #tpu.memory_space<vmem_shared>>)
      tpu.yield
    }) : () -> ()
    %barrier3A_89 = arith.constant 0 : index
    tpu.barrier barrier_id(%barrier3A_89)
    "tpu.region"() ({
      %run_scoped3A = tpu.sem_alloc : memref<!tpu.dma_semaphore, #tpu.memory_space<semaphore_mem>>
      %dma_start3A_95 = arith.constant 0 : i32
      %dma_start3A_96 = tpu.memref_slice %arg5[%arg0, %mul3A_8, %dma_start3A_95] : memref<2x10000x128xf32, #tpu.memory_space<hbm>> -> memref<1x624x128xf32, #tpu.memory_space<hbm>>
      %dma_start3A_97 = tpu.memref_squeeze %dma_start3A_96 : memref<1x624x128xf32, #tpu.memory_space<hbm>> -> memref<624x128xf32, #tpu.memory_space<hbm>>
      %dma_start3A_98 = arith.constant 0 : i32
      %dma_start3A_99 = tpu.memref_slice %arg17[%mul3A_8, %dma_start3A_98] : memref<10000x128xf32, #tpu.memory_space<vmem_shared>> -> memref<624x128xf32, #tpu.memory_space<vmem_shared>>
      tpu.enqueue_dma source(%dma_start3A_99 : memref<624x128xf32, #tpu.memory_space<vmem_shared>>) target(%dma_start3A_97 : memref<624x128xf32, #tpu.memory_space<hbm>>) target_semaphore(%run_scoped3A : memref<!tpu.dma_semaphore, #tpu.memory_space<semaphore_mem>>)
      %dma_wait3A_100 = arith.constant 0 : i32
      %dma_wait3A_101 = tpu.memref_slice %arg5[%arg0, %mul3A_8, %dma_wait3A_100] : memref<2x10000x128xf32, #tpu.memory_space<hbm>> -> memref<1x624x128xf32, #tpu.memory_space<hbm>>
      %dma_wait3A_102 = tpu.memref_squeeze %dma_wait3A_101 : memref<1x624x128xf32, #tpu.memory_space<hbm>> -> memref<624x128xf32, #tpu.memory_space<hbm>>
      %dma_wait3A_103 = arith.constant 0 : i32
      %dma_wait3A_104 = tpu.memref_slice %arg17[%mul3A_8, %dma_wait3A_103] : memref<10000x128xf32, #tpu.memory_space<vmem_shared>> -> memref<624x128xf32, #tpu.memory_space<vmem_shared>>
      tpu.wait_dma2 semaphore(%run_scoped3A : memref<!tpu.dma_semaphore, #tpu.memory_space<semaphore_mem>>) src(%dma_wait3A_104 : memref<624x128xf32, #tpu.memory_space<vmem_shared>>) dst(%dma_wait3A_102 : memref<624x128xf32, #tpu.memory_space<hbm>>)
      tpu.yield
    }) : () -> ()
    %eq3A_90 = arith.constant 15 : i32
    %eq3A_91 = arith.cmpi eq, %arg1, %eq3A_90 : i32
    %convert_element_type3A_92 = arith.extui %eq3A_91 : i1 to i32
    %cond3A_93 = arith.constant 0 : i32
    %cond3A_94 = arith.cmpi ne, %convert_element_type3A_92, %cond3A_93 : i32
    scf.if %cond3A_94 {
      "tpu.region"() ({
        %run_scoped3A = tpu.sem_alloc : memref<!tpu.dma_semaphore, #tpu.memory_space<semaphore_mem>>
        %dma_start3A_95 = arith.constant 9984 : i32
        %dma_start3A_96 = arith.constant 0 : i32
        %dma_start3A_97 = tpu.memref_slice %arg5[%arg0, %dma_start3A_95, %dma_start3A_96] : memref<2x10000x128xf32, #tpu.memory_space<hbm>> -> memref<1x16x128xf32, #tpu.memory_space<hbm>>
        %dma_start3A_98 = tpu.memref_squeeze %dma_start3A_97 : memref<1x16x128xf32, #tpu.memory_space<hbm>> -> memref<16x128xf32, #tpu.memory_space<hbm>>
        %dma_start3A_99 = arith.constant 9984 : i32
        %dma_start3A_100 = arith.constant 0 : i32
        %dma_start3A_101 = tpu.memref_slice %arg17[%dma_start3A_99, %dma_start3A_100] : memref<10000x128xf32, #tpu.memory_space<vmem_shared>> -> memref<16x128xf32, #tpu.memory_space<vmem_shared>>
        tpu.enqueue_dma source(%dma_start3A_101 : memref<16x128xf32, #tpu.memory_space<vmem_shared>>) target(%dma_start3A_98 : memref<16x128xf32, #tpu.memory_space<hbm>>) target_semaphore(%run_scoped3A : memref<!tpu.dma_semaphore, #tpu.memory_space<semaphore_mem>>)
        %dma_wait3A_102 = arith.constant 9984 : i32
        %dma_wait3A_103 = arith.constant 0 : i32
        %dma_wait3A_104 = tpu.memref_slice %arg5[%arg0, %dma_wait3A_102, %dma_wait3A_103] : memref<2x10000x128xf32, #tpu.memory_space<hbm>> -> memref<1x16x128xf32, #tpu.memory_space<hbm>>
        %dma_wait3A_105 = tpu.memref_squeeze %dma_wait3A_104 : memref<1x16x128xf32, #tpu.memory_space<hbm>> -> memref<16x128xf32, #tpu.memory_space<hbm>>
        %dma_wait3A_106 = arith.constant 9984 : i32
        %dma_wait3A_107 = arith.constant 0 : i32
        %dma_wait3A_108 = tpu.memref_slice %arg17[%dma_wait3A_106, %dma_wait3A_107] : memref<10000x128xf32, #tpu.memory_space<vmem_shared>> -> memref<16x128xf32, #tpu.memory_space<vmem_shared>>
        tpu.wait_dma2 semaphore(%run_scoped3A : memref<!tpu.dma_semaphore, #tpu.memory_space<semaphore_mem>>) src(%dma_wait3A_108 : memref<16x128xf32, #tpu.memory_space<vmem_shared>>) dst(%dma_wait3A_105 : memref<16x128xf32, #tpu.memory_space<hbm>>)
        tpu.yield
      }) : () -> ()
    } else {
    }
    return
  }
}

module attributes {stable_mosaic.version = 14 : i64} {
  func.func @_dinv_body(%arg0: memref<2x10240xf32, #tpu.memory_space<vmem>>, %arg1: memref<1x10240xf32, #tpu.memory_space<vmem>>) attributes {dimension_semantics = [], scalar_prefetch = 0 : i64, scratch_operands = 0 : i64, tpu.core_type = #tpu.core_type<tc>} {
    %get3A = arith.constant 0 : index
    %get3A_0 = arith.constant 0 : index
    %get3A_1 = vector.load %arg0[%get3A, %get3A_0] : memref<2x10240xf32, #tpu.memory_space<vmem>>, vector<2x10240xf32>
    %slice3A = vector.extract_strided_slice %get3A_1 {offsets = [0, 0], sizes = [1, 10240], strides = [1, 1]} : vector<2x10240xf32> to vector<1x10240xf32>
    %squeeze3A = vector.shape_cast %slice3A : vector<1x10240xf32> to vector<10240xf32>
    %slice3A_2 = vector.extract_strided_slice %get3A_1 {offsets = [1, 0], sizes = [1, 10240], strides = [1, 1]} : vector<2x10240xf32> to vector<1x10240xf32>
    %squeeze3A_3 = vector.shape_cast %slice3A_2 : vector<1x10240xf32> to vector<10240xf32>
    %add3A = arith.addf %squeeze3A, %squeeze3A_3 : vector<10240xf32>
    %add3A_4 = arith.constant 1.000000e+00 : f32
    %add3A_5 = vector.broadcast %add3A_4 : f32 to vector<10240xf32>
    %add3A_6 = arith.addf %add3A, %add3A_5 : vector<10240xf32>
    %rsqrt3A = math.rsqrt %add3A_6 : vector<10240xf32>
    %broadcast_in_dim3A = vector.shape_cast %rsqrt3A : vector<10240xf32> to vector<1x10240xf32>
    %swap3A = arith.constant 0 : index
    %swap3A_7 = arith.constant 0 : index
    %swap3A_8 = vector.load %arg1[%swap3A, %swap3A_7] : memref<1x10240xf32, #tpu.memory_space<vmem>>, vector<1x10240xf32>
    tpu.vector_store %arg1[%swap3A, %swap3A_7], %broadcast_in_dim3A {strides = array<i32>} : memref<1x10240xf32, #tpu.memory_space<vmem>>, vector<1x10240xf32>,
    return
  }
}

module attributes {stable_mosaic.version = 14 : i64} {
  func.func @_mm_body(%arg0: i32, %arg1: memref<1000x1000xf32, #tpu.memory_space<vmem>>, %arg2: memref<128x1000xf32, #tpu.memory_space<vmem>>, %arg3: memref<1000x1xf32, #tpu.memory_space<vmem>>, %arg4: memref<1000x128xf32, #tpu.memory_space<vmem>>) attributes {dimension_semantics = [#tpu.dimension_semantics<arbitrary>], iteration_bounds = array<i64: 10>, scalar_prefetch = 0 : i64, scratch_operands = 0 : i64, tpu.core_type = #tpu.core_type<tc>, window_params = [{transform_indices = @transform_0, window_bounds = array<i64: 1000, 1000>}, {pipeline_mode = #tpu.pipeline_mode<synchronous>, transform_indices = @transform_1, window_bounds = array<i64: 128, 1000>}, {transform_indices = @transform_2, window_bounds = array<i64: 1000, 1>}, {transform_indices = @transform_3, window_bounds = array<i64: 1000, 128>}]} {
    %get3A = arith.constant 0 : index
    %get3A_0 = arith.constant 0 : index
    %get3A_1 = vector.load %arg1[%get3A, %get3A_0] : memref<1000x1000xf32, #tpu.memory_space<vmem>>, vector<1000x1000xf32>
    %get3A_2 = arith.constant 0 : index
    %get3A_3 = arith.constant 0 : index
    %get3A_4 = vector.load %arg2[%get3A_2, %get3A_3] : memref<128x1000xf32, #tpu.memory_space<vmem>>, vector<128x1000xf32>
    %dot_general3A = arith.constant dense<0.000000e+00> : vector<1000x128xf32>
    %dot_general3A_5 = tpu.matmul %get3A_1, %get3A_4, %dot_general3A {dimension_numbers = #tpu.dot_dimension_numbers<[1], [1], [0], [0], [0, 0, 1, 0], [], []>, transpose_lhs_hint = false} : vector<1000x1000xf32>, vector<128x1000xf32>, vector<1000x128xf32> -> vector<1000x128xf32>
    %get3A_6 = arith.constant 0 : index
    %get3A_7 = arith.constant 0 : index
    %get3A_8 = vector.load %arg3[%get3A_6, %get3A_7] : memref<1000x1xf32, #tpu.memory_space<vmem>>, vector<1000x1xf32>
    %mul3A = vector.broadcast %get3A_8 : vector<1000x1xf32> to vector<1000x128xf32>
    %mul3A_9 = arith.mulf %dot_general3A_5, %mul3A : vector<1000x128xf32>
    %swap3A = arith.constant 0 : index
    %swap3A_10 = arith.constant 0 : index
    %swap3A_11 = vector.load %arg4[%swap3A, %swap3A_10] : memref<1000x128xf32, #tpu.memory_space<vmem>>, vector<1000x128xf32>
    tpu.vector_store %arg4[%swap3A, %swap3A_10], %mul3A_9 {strides = array<i32>} : memref<1000x128xf32, #tpu.memory_space<vmem>>, vector<1000x128xf32>,
    return
  }
  func.func @transform_0(%arg0: i32) -> (i32, i32) {
    %c0_i32 = arith.constant 0 : i32
    %c0_i32_0 = arith.constant 0 : i32
    return %arg0, %c0_i32 : i32, i32
  }
  func.func @transform_1(%arg0: i32) -> (i32, i32) {
    %c0_i32 = arith.constant 0 : i32
    %c0_i32_0 = arith.constant 0 : i32
    %c0_i32_1 = arith.constant 0 : i32
    return %c0_i32, %c0_i32_0 : i32, i32
  }
  func.func @transform_2(%arg0: i32) -> (i32, i32) {
    %c0_i32 = arith.constant 0 : i32
    %c0_i32_0 = arith.constant 0 : i32
    return %arg0, %c0_i32 : i32, i32
  }
  func.func @transform_3(%arg0: i32) -> (i32, i32) {
    %c0_i32 = arith.constant 0 : i32
    %c0_i32_0 = arith.constant 0 : i32
    return %arg0, %c0_i32 : i32, i32
  }
}

module attributes {stable_mosaic.version = 14 : i64} {
  func.func @_epi_body(%arg0: i32, %arg1: memref<1000x128xf32, #tpu.memory_space<vmem>>, %arg2: memref<1000x128xf32, #tpu.memory_space<vmem>>, %arg3: memref<1000x128xf32, #tpu.memory_space<vmem>>, %arg4: memref<1000x1xf32, #tpu.memory_space<vmem>>, %arg5: memref<1x128xf32, #tpu.memory_space<vmem>>, %arg6: memref<1000x128xf32, #tpu.memory_space<vmem>>) attributes {dimension_semantics = [#tpu.dimension_semantics<arbitrary>], iteration_bounds = array<i64: 10>, scalar_prefetch = 0 : i64, scratch_operands = 0 : i64, tpu.core_type = #tpu.core_type<tc>, window_params = [{transform_indices = @transform_0, window_bounds = array<i64: 1000, 128>}, {transform_indices = @transform_1, window_bounds = array<i64: 1000, 128>}, {transform_indices = @transform_2, window_bounds = array<i64: 1000, 128>}, {transform_indices = @transform_3, window_bounds = array<i64: 1000, 1>}, {pipeline_mode = #tpu.pipeline_mode<synchronous>, transform_indices = @transform_4, window_bounds = array<i64: 1, 128>}, {transform_indices = @transform_5, window_bounds = array<i64: 1000, 128>}]} {
    %get3A = arith.constant 0 : index
    %get3A_0 = arith.constant 0 : index
    %get3A_1 = vector.load %arg1[%get3A, %get3A_0] : memref<1000x128xf32, #tpu.memory_space<vmem>>, vector<1000x128xf32>
    %get3A_2 = arith.constant 0 : index
    %get3A_3 = arith.constant 0 : index
    %get3A_4 = vector.load %arg2[%get3A_2, %get3A_3] : memref<1000x128xf32, #tpu.memory_space<vmem>>, vector<1000x128xf32>
    %add3A = arith.addf %get3A_1, %get3A_4 : vector<1000x128xf32>
    %get3A_5 = arith.constant 0 : index
    %get3A_6 = arith.constant 0 : index
    %get3A_7 = vector.load %arg3[%get3A_5, %get3A_6] : memref<1000x128xf32, #tpu.memory_space<vmem>>, vector<1000x128xf32>
    %add3A_8 = arith.addf %add3A, %get3A_7 : vector<1000x128xf32>
    %get3A_9 = arith.constant 0 : index
    %get3A_10 = arith.constant 0 : index
    %get3A_11 = vector.load %arg4[%get3A_9, %get3A_10] : memref<1000x1xf32, #tpu.memory_space<vmem>>, vector<1000x1xf32>
    %mul3A = vector.broadcast %get3A_11 : vector<1000x1xf32> to vector<1000x128xf32>
    %mul3A_12 = arith.mulf %add3A_8, %mul3A : vector<1000x128xf32>
    %get3A_13 = arith.constant 0 : index
    %get3A_14 = arith.constant 0 : index
    %get3A_15 = vector.load %arg5[%get3A_13, %get3A_14] : memref<1x128xf32, #tpu.memory_space<vmem>>, vector<1x128xf32>
    %add3A_16 = vector.broadcast %get3A_15 : vector<1x128xf32> to vector<1000x128xf32>
    %add3A_17 = arith.addf %mul3A_12, %add3A_16 : vector<1000x128xf32>
    %max3A = arith.constant 0.000000e+00 : f32
    %max3A_18 = vector.broadcast %max3A : f32 to vector<1000x128xf32>
    %max3A_19 = arith.maximumf %add3A_17, %max3A_18 : vector<1000x128xf32>
    %swap3A = arith.constant 0 : index
    %swap3A_20 = arith.constant 0 : index
    %swap3A_21 = vector.load %arg6[%swap3A, %swap3A_20] : memref<1000x128xf32, #tpu.memory_space<vmem>>, vector<1000x128xf32>
    tpu.vector_store %arg6[%swap3A, %swap3A_20], %max3A_19 {strides = array<i32>} : memref<1000x128xf32, #tpu.memory_space<vmem>>, vector<1000x128xf32>,
    return
  }
  func.func @transform_0(%arg0: i32) -> (i32, i32) {
    %c0_i32 = arith.constant 0 : i32
    %c0_i32_0 = arith.constant 0 : i32
    return %arg0, %c0_i32 : i32, i32
  }
  func.func @transform_1(%arg0: i32) -> (i32, i32) {
    %c0_i32 = arith.constant 0 : i32
    %c0_i32_0 = arith.constant 0 : i32
    return %arg0, %c0_i32 : i32, i32
  }
  func.func @transform_2(%arg0: i32) -> (i32, i32) {
    %c0_i32 = arith.constant 0 : i32
    %c0_i32_0 = arith.constant 0 : i32
    return %arg0, %c0_i32 : i32, i32
  }
  func.func @transform_3(%arg0: i32) -> (i32, i32) {
    %c0_i32 = arith.constant 0 : i32
    %c0_i32_0 = arith.constant 0 : i32
    return %arg0, %c0_i32 : i32, i32
  }
  func.func @transform_4(%arg0: i32) -> (i32, i32) {
    %c0_i32 = arith.constant 0 : i32
    %c0_i32_0 = arith.constant 0 : i32
    %c0_i32_1 = arith.constant 0 : i32
    return %c0_i32, %c0_i32_0 : i32, i32
  }
  func.func @transform_5(%arg0: i32) -> (i32, i32) {
    %c0_i32 = arith.constant 0 : i32
    %c0_i32_0 = arith.constant 0 : i32
    return %arg0, %c0_i32 : i32, i32
  }
}

</mosaic_0001>

<sc_bundles>
// kernel: kernel.10.cloned.1.call-start
scs
__scs_entry_jumppad:
0x0: {  	(pc) =	sbr.rel $0x88, $3  }
0x1: {  	(tag) =	ssettag $0x0;
	lr =	simm.s32 $0x1  }
0x2: {  	[smem:$0x3F9D] =	sst lr;
	_ =	strace $0xD0000000  }
0x3: {  	_ = 	snop  }
0x4: {  	_ = 	snop  }
0x5: {  	_ = 	snop  }
0x6: {  	_ = 	snop  }
0x7: {  	_ = 	snop  }
__scs_overlays_trampoline_lowered:
0x8: {  	[smem:$0x3FAC] =	sst s0  }
0x9: {  	[smem:$0x3FAD] =	sst s1  }
0xa: {  	[smem:$0x3FAE] =	sst s2  }
0xb: {  	[smem:$0x3FAF] =	sst s3  }
0xc: {  	[smem:$0x3FB0] =	sst s4  }
0xd: {  	[smem:$0x3FB1] =	sst s5  }
0xe: {  	[smem:$0x3FB2] =	sst s6  }
0xf: {  	[smem:$0x3FB3] =	sst s7  }
0x10: {  	[smem:$0x3FB4] =	sst s8  }
0x11: {  	[smem:$0x3FB5] =	sst s9;
	s0 =	simm.s32 @!p0 $0x0  }
0x12: {  	s1 =	sld [smem:$0x3F9B];
	s0 =	simm.s32 @p0 $0x1  }
0x13: {  	[smem:$0x3FB6] =	sst s0;
	s0 =	simm.s32 @!p1 $0x0  }
0x14: {  	s2 =	sld [smem:$0x3F9A];
	s0 =	simm.s32 @p1 $0x1  }
0x15: {  	[smem:$0x3FB7] =	sst s0;
	s0 =	simm.s32 @!p2 $0x0  }
0x16: {  	s3 =	sld [smem:$0x3FDB];
	s0 =	simm.s32 @p2 $0x1  }
0x17: {  	s4 =	simm.s32 $0x1BF5;
	[smem:$0x3FB9] =	sst s0  }
0x18: {  	s0 =	sld [smem:$0x3F9C];
	_ =	swait.ge [sflag:s4], $0x0  }
0x19: {  	s7 =	sld [smem:$0x3F9D]  }
0x1a: {  	s8 =	sadd.s32 $0xFFFFE003, lr  }
0x1b: {  	s9 =	sadd.s32 $0xFFFFFEF7, lr;
	s5 =	simm.s32 $0xFFFFFFFF;
	p2 =	slt.u32 s8, $0xFFFFF086  }
0x1c: {  	p1 =	slt.u32 s9, $0xF7A;
	s5 =	simm.s32 @!p2 $0x0  }
0x1d: {  	s5 =	simm.s32 @p1 $0x1;
	p0 =	seq.s32 s7, s2  }
0x1e: {  	s7 =	smul.u32 @!p0 $0xF7A, s2;
	p2 =	seq.s32 @!p0 s5, $0x0  }
0x1f: {  	s9 =	smul.u32 $0xF7A, s1;
	s8 =	simm.s32 @!p0 $0x1BF5;
	p2 =	por !p2, p0  }
0x20: {  	[sflag:s8] =	ssyncset.s32 @!p0 $0xFFFFF086;
	s6 =	sadd.s32 @!p0 s3, s7;
	s7 =	simm.s32 @!p0 $0x108  }
0x21: {  	s3 =	sadd.s32 s3, s9;
	s6 =	sadd.s32 @!p0 $0x88, s6;
	s7 =	simm.s32 @p2 $0x1082  }
0x22: {  	[simem:s7], [sflag:s8] =	dma.local @!p0 [hbm:s6], $0xF7A  }
0x23: {  	s9 =	sor.u32 $0xD0000000, s2;
	s6 =	simm.s32 $0x108;
	_ =	swait.ge @!p0 [sflag:s8], $0x0  }
0x24: {  	s3 =	sadd.s32 $0x88, s3;
	s6 =	simm.s32 @!p1 $0x1082;
	[sflag:s4] =	ssyncset.s32 $0xFFFFF086  }
0x25: {  	[simem:s6], [sflag:s4] =	dma.local [hbm:s3], $0xF7A  }
0x26: {  	[smem:$0x3F9D] =	sst s1;
	(tag) =	ssettag s2;
	_ =	strace s9  }
0x27: {  	s1 =	sld [smem:$0x3FAD]  }
0x28: {  	s2 =	sld [smem:$0x3FAE]  }
0x29: {  	s4 =	sld [smem:$0x3FB0]  }
0x2a: {  	p0 =	seq.s32 s5, $0x0;
	s5 =	sld [smem:$0x3FB1]  }
0x2b: {  	s6 =	sld [smem:$0x3FB2]  }
0x2c: {  	s7 =	sld [smem:$0x3FB3]  }
0x2d: {  	s3 =	simm.s32 $0x108;
	s8 =	sld [smem:$0x3FB4]  }
0x2e: {  	s3 =	simm.s32 @!p0 $0x1082;
	s9 =	sld [smem:$0x3FB5]  }
0x2f: {  	lr =	sadd.s32 s0, s3;
	s0 =	sld [smem:$0x3FAC]  }
0x30: {  	s3 =	sld [smem:$0x3FAF]  }
0x31: {  	[smem:$0x3FB8] =	sst s10  }
0x32: {  	s10 =	sld [smem:$0x3FB6];
	_ =	sdelay $0x3  }
0x33: {  	p0 =	seq.s32 s10, $0x1;
	s10 =	sld [smem:$0x3FB8];
	_ =	sdelay $0x3  }
0x34: {  	[smem:$0x3FB8] =	sst s10  }
0x35: {  	s10 =	sld [smem:$0x3FB7];
	_ =	sdelay $0x3  }
0x36: {  	p1 =	seq.s32 s10, $0x1;
	s10 =	sld [smem:$0x3FB8];
	_ =	sdelay $0x3  }
0x37: {  	[smem:$0x3FB8] =	sst s10  }
0x38: {  	s10 =	sld [smem:$0x3FB9]  }
0x39: {  	_ = 	snop;
	(pc) =	sbr.ind lr, $3  }
0x3a: {  	_ = 	snop  }
0x3b: {  	_ = 	snop  }
0x3c: {  	p2 =	seq.s32 s10, $0x1;
	s10 =	sld [smem:$0x3FB8]  }
0x3d: {  	_ =	shalt  }
0x3e: {  	_ =	shalt  }
0x3f: {  	_ =	shalt  }
0x40: {  	_ =	shalt  }
0x41: {  	_ =	shalt  }
0x42: {  	_ =	shalt  }
0x43: {  	_ =	shalt  }
0x44: {  	_ =	shalt  }
0x45: {  	_ =	shalt  }
0x46: {  	_ =	shalt  }
0x47: {  	_ =	shalt  }
0x48: {  	_ =	shalt  }
0x49: {  	_ =	shalt  }
0x4a: {  	_ =	shalt  }
0x4b: {  	_ =	shalt  }
0x4c: {  	_ =	shalt  }
0x4d: {  	_ =	shalt  }
0x4e: {  	_ =	shalt  }
0x4f: {  	_ =	shalt  }
0x50: {  	_ =	shalt  }
0x51: {  	_ =	shalt  }
0x52: {  	_ =	shalt  }
0x53: {  	_ =	shalt  }
0x54: {  	_ =	shalt  }
0x55: {  	_ =	shalt  }
0x56: {  	_ =	shalt  }
0x57: {  	_ =	shalt  }
0x58: {  	_ =	shalt  }
0x59: {  	_ =	shalt  }
0x5a: {  	_ =	shalt  }
0x5b: {  	_ =	shalt  }
0x5c: {  	_ =	shalt  }
0x5d: {  	_ =	shalt  }
0x5e: {  	_ =	shalt  }
0x5f: {  	_ =	shalt  }
0x60: {  	_ =	shalt  }
0x61: {  	_ =	shalt  }
0x62: {  	_ =	shalt  }
0x63: {  	_ =	shalt  }
0x64: {  	_ =	shalt  }
0x65: {  	_ =	shalt  }
0x66: {  	_ =	shalt  }
0x67: {  	_ =	shalt  }
0x68: {  	_ =	shalt  }
0x69: {  	_ =	shalt  }
0x6a: {  	_ =	shalt  }
0x6b: {  	_ =	shalt  }
0x6c: {  	_ =	shalt  }
0x6d: {  	_ =	shalt  }
0x6e: {  	_ =	shalt  }
0x6f: {  	_ =	shalt  }
0x70: {  	_ =	shalt  }
0x71: {  	_ =	shalt  }
0x72: {  	_ =	shalt  }
0x73: {  	_ =	shalt  }
0x74: {  	_ =	shalt  }
0x75: {  	_ =	shalt  }
0x76: {  	_ =	shalt  }
0x77: {  	_ =	shalt  }
0x78: {  	_ =	shalt  }
0x79: {  	_ =	shalt  }
0x7a: {  	_ =	shalt  }
0x7b: {  	_ =	shalt  }
0x7c: {  	_ =	shalt  }
0x7d: {  	_ =	shalt  }
0x7e: {  	_ =	shalt  }
0x7f: {  	_ =	shalt  }
0x80: {  	_ =	shalt  }
0x81: {  	_ =	shalt  }
0x82: {  	_ =	shalt  }
0x83: {  	_ =	shalt  }
0x84: {  	_ =	shalt  }
0x85: {  	_ =	shalt  }
0x86: {  	_ =	shalt  }
0x87: {  	_ =	shalt  }
.Lfunc_end0:
.L_simem_size_0:
called_computation.1_lowered:
.L_overlay_start_0:
0x88: {  	s2 =	sld [smem:$0x3FD9]  }
0x89: {  	s3 =	sld [smem:$0x3FFE];
	_ =	sdelay $0x1  }
0x8a: {  	s1 =	srdreg.scid  }
0x8b: {  	s0 =	sand.u32 $0x1, s1  }
0x8c: {  	s17 =	sshll.u32 s0, $0xA;
	s2 =	sadd.s32 s3, s2  }
0x8d: {  	s2 =	sadd.s32 s2, s17  }
0x8e: {  	[smem:$0x3FC4] =	sst s2  }
0x8f: {  	_ = 	snop  }
0x90: {  	s2 =	sld [smem:$0x3FD0];
	(tm) =	ssettm $0x1  }
0x91: {  	s18 =	sld [smem:$0x3FFB];
	_ =	sdelay $0x3  }
0x92: {  	_ =	strace s18  }
0x93: {  	s3 =	sld [smem:$0x3FFC];
	_ =	sdelay $0x3  }
0x94: {  	_ =	strace s3  }
0x95: {  	s3 =	sld [smem:$0x3FFD];
	_ =	sdelay $0x3  }
0x96: {  	_ =	strace s3  }
0x97: {  	_ =	strace $0x8FFFFFFF  }
0x98: {  	s19 =	sld [smem:$0x3FDB];
	_ =	sdelay $0x1  }
0x99: {  	s4 =	simm.s32 $_scs_section_size  }
0x9a: {  	s5 =	simm.s32 $_size__tile_overlayer_lowered;
	s6 =	simm.s32 $_tile_overlayer_lowered  }
0x9b: {  	s22 =	simm.s32 $0x1BFF;
	s21 =	sshll.u32 s6, $0x1;
	s3 =	sadd.s32 s4, s19  }
0x9c: {  	s7 =	simm.s32 $0x0;
	s20 =	sshll.u32 s5, $0x1;
	s5 =	sadd.s32 s21, s3  }
0x9d: {  	[timem:s7], [sflag:s22] =	dma.local [hbm:s5], s20  }
0x9e: {  	_ =	swait.ge [sflag:s22], s20  }
0x9f: {  	s4 =	ssub.s32 $0x0, s20;
	[sflag:s22] =	ssyncset.done $0x0  }
0xa0: {  	[sflag:s22] =	ssyncadd.s32 s4;
	_ =	sdelay $0x1  }
0xa1: {  	s23 =	simm.s32 $0x1B8B  }
0xa2: {  	_ =	swait.ge [sflag:s23], $0x1  }
0xa3: {  	[sflag:s23] =	ssyncset.done $0x0  }
0xa4: {  	s25 =	simm.s32 $0x1B8E;
	s24 =	sld [smem:$0x3FFE];
	[sflag:s23] =	ssyncadd.s32 $0xFFFFFFFF  }
0xa5: {  	s26 =	simm.s32 $execute0_lowered;
	[smem:$0x3FD2] =	sst s25  }
0xa6: {  	s5 =	sshll.u32 s26, $0x1;
	_ =	strace $0x80000049;
	[dreg:$0x1] =	wrdreg $0xFFFFFFFF  }
0xa7: {  	s28 =	simm.s32 $_size_execute0_lowered;
	s3 =	sadd.s32 s3, s5;
	[dreg:$0x0] =	wrdreg $0x0  }
0xa8: {  	s5 =	sshll.u32 s28, $0x1;
	[dreg:$0x2] =	wrdreg s3  }
0xa9: {  	[dreg:$0x3] =	wrdreg s5  }
0xaa: {  	[dreg:$0x4] =	wrdreg $0xC0  }
0xab: {  	_ =	task [dreg:s7], $0x5FFFF  }
0xac: {  	[dreg:$0x1] =	wrdreg $0xFFFFFFFF  }
0xad: {  	[dreg:$0x0] =	wrdreg $0x60  }
0xae: {  	[dreg:$0x2] =	wrdreg s24  }
0xaf: {  	[dreg:$0x3] =	wrdreg s2  }
0xb0: {  	[dreg:$0x4] =	wrdreg $0xC4000  }
0xb1: {  	[dreg:$0x5] =	wrdreg $0x9  }
0xb2: {  	_ =	task.clear_ibuf [dreg:s7], $0x6FFFF;
	_ =	strace $0x90000049  }
0xb3: {  	s29 =	simm.s32 $0x9;
	_ =	strace $0x8000004B  }
0xb4: {  	_ =	swait.ge [sflag:s29], $0x1  }
0xb5: {  	[sflag:s29] =	ssyncadd.s32 $0xFFFFFFFF  }
0xb6: {  	_ =	strace $0x9000004B  }
0xb7: {  	_ =	sfence  }
0xb8: {  	s30 =	sld [smem:$0x0];
	_ =	sdelay $0x2  }
0xb9: {  	s31 =	sshll.u32 s1, $0xD;
	s1 =	sshrl.u32 s1, $0x2  }
0xba: {  	s3 =	sand.u32 $0x4000, s31;
	s1 =	sadd.s32 s1, s30  }
0xbb: {  	s0 =	sor.u32 s3, s0;
	s1 =	sshll.u32 s1, $0x11  }
0xbc: {  	s0 =	sor.u32 s1, s0  }
0xbd: {  	s0 =	sadd.s32 $0x8F2B, s0  }
0xbe: {  	[sflag:s0] =	ssyncadd.remote.s32 $0x1  }
0xbf: {  	_ =	sfence.sel $0xFFFF  }
0xc0: {  	[dreg:$0x0] =	wrdreg $0xFFFFFFFF;
	(pc) =	sbr.abs _section_cstart, $3  }
0xc1: {  	[dreg:$0x1] =	wrdreg $0xFFFFFFFF  }
0xc2: {  	_ =	task.clear_ibuf [dreg:s7], $0x2FFFF;
	_ =	strace $0x9FFFFFFF  }
0xc3: {  	(tm) =	ssettm $0x7FFFFFFF  }
tec
execute0_lowered:
.L_overlay_start_1:
0x0: {  	(tag) =	ssettag $0x1  }
0x1: {  	s0 =	rddreg [dreg:$0x0]  }
0x2: {  	s1 =	rddreg [dreg:$0x1]  }
0x3: {  	s2 =	rddreg [dreg:$0x2];
	s4 =	simm.s32 $0x0;
	s3 =	srdreg.scid  }
0x4: {  	s13 =	stileid.u32;
	s30 =	simm.s32 $0x400;
	s31 =	simm.s32 $0xA  }
0x5: {  	s28 =	simm.s32 $0x0;
	[smem:$0x7FF] =	sst s4;
	s8 =	smul.u32 $0x4E000, s13  }
0x6: {  	s3 =	sand.u32 $0x1, s3;
	s6 =	sshll.u32 s13, $0x1;
	s12 =	smul.u32 $0x13800, s13  }
0x7: {  	s5 =	sadd.s32 $0x14E00, s0;
	s26 =	smul.u32 $0x9C40, s13;
	p0 =	sne.s32 s13, $0xF  }
0x8: {  	s13 =	simm.s32 $0x4400;
	_ =	strace $0x8000004A;
	s7 =	sor.u32 s3, s6  }
0x9: {  	s6 =	sadd.s32 $0x1400, s0;
	s9 =	ssub.s32 $0x2, s3;
	s23 =	smul.u32 $0x138800, s3  }
0xa: {  	s0 =	sadd.s32 $0x28800, s0;
	s3 =	smul.u32 $0x4E20, s3;
	s10 =	sshrl.u32 s9, $0x1  }
0xb: {  	s7 =	smul.u32 $0x4E20, s7;
	s8 =	sshrl.u32 s8, $0x2;
	s9 =	ssub.s32 s9, s10  }
0xc: {  	s14 =	sadd.s32 s8, s2;
	s15 =	sadd.s32 s12, s23;
	s10 =	sshrl.u32 s23, $0x3  }
0xd: {  	s3 =	sadd.s32 s3, s26;
	s12 =	simm.s32 $0x2;
	s7 =	sshrl.u32 s7, $0x3  }
0xe: {  	s8 =	sadd.s32 $0x4000, s14;
	s19 =	sadd.s32 $0x8000, s14;
	[dreg:$0x4] =	wrdreg s14  }
0xf: {  	s16 =	sadd.s32 $0x280, s3;
	s18 =	sadd.s32 $0x200, s3;
	[dreg:$0x5] =	wrdreg s8  }
0x10: {  	s26 =	sadd.s32 $0x10000, s14;
	[dreg:$0x6] =	wrdreg s19;
	s20 =	sadd.s32 s5, s7  }
0x11: {  	s21 =	sadd.s32 s6, s7;
	s22 =	sadd.s32 $0x10, s7;
	s24 =	sadd.s32 $0x20, s7  }
0x12: {  	s7 =	sadd.s32 $0x9C0, s7;
	s17 =	sshrl.u32 s16, $0x3;
	[dreg:$0x14] =	wrdreg s26  }
0x13: {  	s19 =	smax.u32 s9, $0x1;
	s9 =	simm.s32 $0x100;
	[dreg:$0x7] =	wrdreg s20  }
0x14: {  	s16 =	simm.s32 $0x4;
	s26 =	simm.s32 $0x9;
	[dreg:$0x8] =	wrdreg s21  }
0x15: {  	s11 =	sadd.s32 s5, s22;
	s8 =	sadd.s32 s6, s22;
	[dreg:$0x11] =	wrdreg s19  }
0x16: {  	s25 =	sadd.s32 s5, s24;
	s29 =	sadd.s32 s5, s7;
	[dreg:$0x9] =	wrdreg s11  }
0x17: {  	s7 =	sadd.s32 s6, s7;
	s21 =	sadd.s32 s17, s6;
	[dreg:$0xa] =	wrdreg s8  }
0x18: {  	s22 =	sadd.s32 s17, s5;
	s20 =	sadd.s32 $0x180, s3;
	[dreg:$0xb] =	wrdreg s25  }
0x19: {  	s3 =	simm.s32 $0x80;
	s17 =	simm.s32 $0x5;
	[dreg:$0xd] =	wrdreg s29  }
0x1a: {  	s19 =	simm.s32 $0x7;
	s11 =	sadd.s32 s6, s24;
	[dreg:$0xe] =	wrdreg s7  }
0x1b: {  	s7 =	sshrl.u32 s15, $0x3;
	[dreg:$0x12] =	wrdreg s20;
	s25 =	sadd.s32 $0xC000, s14  }
0x1c: {  	s29 =	sadd.s32 $0x138000, s2;
	s8 =	simm.s32 $0x200;
	s14 =	simm.s32 $0x3  }
0x1d: {  	s15 =	simm.s32 $0x8400;
	s20 =	simm.s32 $0x8;
	[dreg:$0xc] =	wrdreg s11  }
.Ltmp0:
0x1e: {  	s7 =	sadd.s32 s0, s7;
	[dreg:$0x13] =	wrdreg s25;
	(pc) =	sbr.rel .LBB2_1-.Ltmp0, $4  }
0x1f: {  	s0 =	sadd.s32 s0, s10;
	[dreg:$0x15] =	wrdreg s29;
	s10 =	simm.s32 $0x280  }
0x20: {  	s11 =	simm.s32 $0x1;
	[dreg:$0xf] =	wrdreg s7;
	s0 =	sadd.s32 $0x27000, s0  }
0x21: {  	s7 =	sshrl.u32 s18, $0x3;
	s18 =	simm.s32 $0x6;
	[dreg:$0x10] =	wrdreg s0  }
0x22: {  	v0 =	vimm.f32 $0.0e+00;
	s23 =	sadd.s32 s7, s6;
	s24 =	sadd.s32 s7, s5;
	s0 =	simm.s32 $0x180  }
.LBB2_6:
0x23: {  	_ =	swait.ge [sflag:s20], $0x4000  }
0x24: {  	[sflag:s20] =	ssyncset.done $0x0  }
0x25: {  	[sflag:s20] =	ssyncadd.s32 $0xFFFFC000  }
0x26: {  	_ =	swait.ge [sflag:s26], $0x4000  }
0x27: {  	[sflag:s26] =	ssyncset.done $0x0  }
0x28: {  	s25 =	simm.s32 $0x300;
	s7 =	rddreg [dreg:$0xd];
	[sflag:s26] =	ssyncadd.s32 $0xFFFFC000  }
0x29: {  	[tilespmem:s25], [sflag:$0xA] =	stream.linear.gather [hbm4b:s7+s4], $0x20, $0x38;
	[tilespmem:$0x1FC80] =	vst v63  }
0x2a: {  	_ =	swait.ge [sflag:s31], $0x20  }
0x2b: {  	[sflag:s31] =	ssyncset.done $0x0  }
0x2c: {  	s28 =	simm.s32 $0x380;
	s29 =	rddreg [dreg:$0xe];
	[sflag:s31] =	ssyncadd.s32 $0xFFFFFFE0  }
0x2d: {  	[tilespmem:s28], [sflag:$0xA] =	stream.linear.gather [hbm4b:s29+s4], $0x20, $0x38;
	[tilespmem:$0x1FC80] =	vst v63  }
0x2e: {  	_ =	swait.ge [sflag:s31], $0x20  }
0x2f: {  	[sflag:s31] =	ssyncset.done $0x0  }
0x30: {  	s29 =	simm.s32 $0x20;
	[sflag:s31] =	ssyncadd.s32 $0xFFFFFFE0  }
0x31: {  	[tilespmem:s30], [sflag:$0x4] =	stream.indirect.gather [hbm4b:s1+s29], $0x80, s25, s29, $0xb8;
	[tilespmem:$0x1FC80] =	vst v63  }
0x32: {  	_ =	swait.ge [sflag:s16], $0x1000  }
0x33: {  	[sflag:s16] =	ssyncset.done $0x0  }
0x34: {  	[sflag:s16] =	ssyncadd.s32 $0xFFFFF000  }
0x35: {  	[spmem:s2] =	stream.indirect.scatter.add.f32 [tilespmem:s30], [sflag:$0xA], $0x80, s28, s29, $0xb8;
	[tilespmem:$0x1FC80] =	vst v63  }
0x36: {  	_ =	swait.ge [sflag:s31], $0x1000  }
0x37: {  	[sflag:s31] =	ssyncset.done $0x0  }
0x38: {  	[sflag:s31] =	ssyncadd.s32 $0xFFFFF000  }
0x39: {  	s25 =	stileid.u32;
	[bflag:$0x0] =	sbarrier.arrive $0xFFFF  }
0x3a: {  	s7 =	sshll.u32 s25, $0x6;
	s29 =	rddreg [dreg:$0x4]  }
0x3b: {  	s7 =	sor.u32 $0x1C0A, s7;
	s28 =	rddreg [dreg:$0xf];
	s25 =	sshrl.u32 s29, $0x3  }
0x3c: {  	[hbm:s28], [sflag:s7] =	dma.local [spmem:s25], $0x2700  }
0x3d: {  	_ =	swait.ge [sflag:s31], $0x2700  }
0x3e: {  	[sflag:s31] =	ssyncset.done $0x0;
	s25 =	rddreg [dreg:$0x15]  }
0x3f: {  	s28 =	rddreg [dreg:$0x10];
	[sflag:s31] =	ssyncadd.s32 $0xFFFFD900;
	s25 =	sshrl.u32 @!p0 s25, $0x3  }
0x40: {  	[hbm:s28], [sflag:s7] =	dma.local @!p0 [spmem:s25], $0x100  }
0x41: {  	s7 =	simm.s32 @!p0 $0xA  }
0x42: {  	_ =	swait.ge @!p0 [sflag:s7], $0x100  }
0x43: {  	s28 =	rddreg [dreg:$0x16]  }
0x44: {  	s29 =	rddreg [dreg:$0x11];
	s28 =	sadd.s32 $0x1, s28  }
0x45: {  	p1 =	sne.s32 s28, s29  }
.Ltmp1:
0x46: {  	_ = 	snop;
	(pc) =	sbr.rel @!p1 .LBB2_7-.Ltmp1, $3  }
0x47: {  	_ =	sdelay $0x1  }
0x48: {  	[sflag:s7] =	ssyncset.done @!p0 $0x0  }
0x49: {  	[sflag:s7] =	ssyncadd.s32 @!p0 $0xFFFFFF00  }
.LBB2_1:
0x4a: {  	[dreg:$0x16] =	wrdreg s28;
	s7 =	simm.s32 $0x0;
	s25 =	simm.s32 $0x200  }
.LBB2_2:
0x4b: {  	p1 =	sne.s32 s25, $0xFE00;
	[tilespmem:s7+$0x470] =	vst v0  }
0x4c: {  	[tilespmem:s7+$0x400] =	vst v0  }
0x4d: {  	[tilespmem:s7+$0x410] =	vst v0  }
.Ltmp2:
0x4e: {  	[tilespmem:s7+$0x420] =	vst v0;
	(pc) =	sbr.rel @p1 .LBB2_2-.Ltmp2, $4  }
0x4f: {  	[tilespmem:s7+$0x430] =	vst v0  }
0x50: {  	[tilespmem:s7+$0x440] =	vst v0  }
0x51: {  	[tilespmem:s7+$0x450] =	vst v0  }
0x52: {  	[tilespmem:s7+$0x460] =	vst v0;
	s7 =	sshra.s32 s25, $0x2;
	s25 =	sadd.s32 $0x200, s25  }
0x53: {  	[tilespmem:s7+$0x470] =	vst v0  }
0x54: {  	[tilespmem:s7+$0x400] =	vst v0  }
0x55: {  	[tilespmem:s7+$0x410] =	vst v0  }
0x56: {  	[tilespmem:s7+$0x420] =	vst v0  }
0x57: {  	[tilespmem:s7+$0x430] =	vst v0  }
0x58: {  	[tilespmem:s7+$0x440] =	vst v0  }
0x59: {  	[tilespmem:s7+$0x450] =	vst v0  }
0x5a: {  	[tilespmem:s7+$0x460] =	vst v0;
	s29 =	rddreg [dreg:$0x4]  }
0x5b: {  	[spmem:s29] =	stream.linear.scatter [tilespmem:s30], [sflag:$0xA], $0x4000, $0x38;
	[tilespmem:$0x1FC80] =	vst v63  }
0x5c: {  	_ =	swait.ge [sflag:s31], $0x4000  }
0x5d: {  	[sflag:s31] =	ssyncset.done $0x0  }
0x5e: {  	s25 =	rddreg [dreg:$0x5];
	[sflag:s31] =	ssyncadd.s32 $0xFFFFC000  }
0x5f: {  	[spmem:s25] =	stream.linear.scatter [tilespmem:s30], [sflag:$0xA], $0x4000, $0x38;
	[tilespmem:$0x1FC80] =	vst v63  }
0x60: {  	_ =	swait.ge [sflag:s31], $0x4000  }
0x61: {  	[sflag:s31] =	ssyncset.done $0x0  }
0x62: {  	s28 =	rddreg [dreg:$0x6];
	[sflag:s31] =	ssyncadd.s32 $0xFFFFC000  }
0x63: {  	[spmem:s28] =	stream.linear.scatter [tilespmem:s30], [sflag:$0xA], $0x4000, $0x38;
	[tilespmem:$0x1FC80] =	vst v63  }
0x64: {  	_ =	swait.ge [sflag:s31], $0x4000  }
0x65: {  	[sflag:s31] =	ssyncset.done $0x0  }
0x66: {  	s29 =	rddreg [dreg:$0x13];
	[sflag:s31] =	ssyncadd.s32 $0xFFFFC000  }
0x67: {  	[spmem:s29] =	stream.linear.scatter [tilespmem:s30], [sflag:$0xA], $0x4000, $0x38;
	[tilespmem:$0x1FC80] =	vst v63  }
0x68: {  	_ =	swait.ge [sflag:s31], $0x4000  }
0x69: {  	[sflag:s31] =	ssyncset.done $0x0  }
0x6a: {  	s25 =	rddreg [dreg:$0x14];
	[sflag:s31] =	ssyncadd.s32 $0xFFFFC000  }
0x6b: {  	[spmem:s25] =	stream.linear.scatter [tilespmem:s30], [sflag:$0xA], $0x3800, $0x38;
	[tilespmem:$0x1FC80] =	vst v63  }
0x6c: {  	_ =	swait.ge [sflag:s31], $0x3800  }
0x6d: {  	[sflag:s31] =	ssyncset.done $0x0  }
0x6e: {  	s7 =	simm.s32 @!p0 $0x400;
	s25 =	rddreg [dreg:$0x15];
	[sflag:s31] =	ssyncadd.s32 $0xFFFFC800  }
0x6f: {  	[spmem:s25] =	stream.linear.scatter @!p0 [tilespmem:s7], [sflag:$0xA], $0x800, $0x38;
	[tilespmem:$0x1FC80] =	vst v63  }
0x70: {  	s7 =	simm.s32 @!p0 $0xA  }
0x71: {  	_ =	swait.ge @!p0 [sflag:s7], $0x800  }
0x72: {  	[sflag:s7] =	ssyncset.done @!p0 $0x0  }
0x73: {  	[sflag:s7] =	ssyncadd.s32 @!p0 $0xFFFFF800  }
0x74: {  	[bflag:$0x0] =	sbarrier.arrive $0xFFFF  }
0x75: {  	s25 =	simm.s32 $0x0;
	s28 =	rddreg [dreg:$0x7]  }
0x76: {  	[tilespmem:s25], [sflag:$0x1] =	stream.linear.gather [hbm4b:s28+s25], $0x80, $0x38;
	[tilespmem:$0x1FC80] =	vst v63  }
0x77: {  	s29 =	rddreg [dreg:$0x8]  }
0x78: {  	[tilespmem:s0], [sflag:$0x1] =	stream.linear.gather [hbm4b:s29+s25], $0x80, $0x38;
	[tilespmem:$0x1FC80] =	vst v63  }
0x79: {  	s28 =	rddreg [dreg:$0x9]  }
0x7a: {  	[tilespmem:s3], [sflag:$0x2] =	stream.linear.gather [hbm4b:s28+s25], $0x80, $0x38;
	[tilespmem:$0x1FC80] =	vst v63  }
0x7b: {  	s29 =	rddreg [dreg:$0xa]  }
0x7c: {  	[tilespmem:s8], [sflag:$0x2] =	stream.linear.gather [hbm4b:s29+s25], $0x80, $0x38;
	[tilespmem:$0x1FC80] =	vst v63  }
0x7d: {  	s28 =	rddreg [dreg:$0xb]  }
0x7e: {  	[tilespmem:s9], [sflag:$0x3] =	stream.linear.gather [hbm4b:s28+s25], $0x80, $0x38;
	[tilespmem:$0x1FC80] =	vst v63  }
0x7f: {  	s29 =	rddreg [dreg:$0xc]  }
0x80: {  	[tilespmem:s10], [sflag:$0x3] =	stream.linear.gather [hbm4b:s29+s25], $0x80, $0x38;
	[tilespmem:$0x1FC80] =	vst v63  }
0x81: {  	_ =	swait.ge [sflag:s11], $0x80  }
0x82: {  	[sflag:s11] =	ssyncset.done $0x0  }
0x83: {  	[sflag:s11] =	ssyncadd.s32 $0xFFFFFF80  }
0x84: {  	_ =	swait.ge [sflag:s11], $0x80  }
0x85: {  	[sflag:s11] =	ssyncset.done $0x0  }
0x86: {  	[sflag:s11] =	ssyncadd.s32 $0xFFFFFF80  }
0x87: {  	[tilespmem:s30], [sflag:$0x4] =	stream.indirect.gather [hbm4b:s1+s3], $0x80, s25, s3, $0xb8;
	[tilespmem:$0x1FC80] =	vst v63  }
0x88: {  	_ =	swait.ge [sflag:s12], $0x80  }
0x89: {  	[sflag:s12] =	ssyncset.done $0x0  }
0x8a: {  	[sflag:s12] =	ssyncadd.s32 $0xFFFFFF80  }
0x8b: {  	_ =	swait.ge [sflag:s12], $0x80  }
0x8c: {  	[sflag:s12] =	ssyncset.done $0x0  }
0x8d: {  	[sflag:s12] =	ssyncadd.s32 $0xFFFFFF80  }
0x8e: {  	[tilespmem:s13], [sflag:$0x5] =	stream.indirect.gather [hbm4b:s1+s3], $0x80, s3, s3, $0xb8;
	[tilespmem:$0x1FC80] =	vst v63  }
0x8f: {  	_ =	swait.ge [sflag:s14], $0x80  }
0x90: {  	[sflag:s14] =	ssyncset.done $0x0  }
0x91: {  	[sflag:s14] =	ssyncadd.s32 $0xFFFFFF80  }
0x92: {  	_ =	swait.ge [sflag:s14], $0x80  }
0x93: {  	[sflag:s14] =	ssyncset.done $0x0  }
0x94: {  	s7 =	rddreg [dreg:$0x12];
	[sflag:s14] =	ssyncadd.s32 $0xFFFFFF80  }
0x95: {  	[tilespmem:s15], [sflag:$0x6] =	stream.indirect.gather [hbm4b:s1+s3], $0x80, s9, s3, $0xb8;
	[tilespmem:$0x1FC80] =	vst v63  }
.LBB2_4:
0x96: {  	_ =	swait.ge [sflag:s16], $0x4000  }
0x97: {  	[sflag:s16] =	ssyncset.done $0x0  }
0x98: {  	[sflag:s16] =	ssyncadd.s32 $0xFFFFC000  }
0x99: {  	[spmem:s2] =	stream.indirect.scatter.add.f32 [tilespmem:s30], [sflag:$0x7], $0x80, s0, s3, $0xb8;
	[tilespmem:$0x1FC80] =	vst v63  }
0x9a: {  	_ =	swait.ge [sflag:s17], $0x4000  }
0x9b: {  	[sflag:s17] =	ssyncset.done $0x0  }
0x9c: {  	[sflag:s17] =	ssyncadd.s32 $0xFFFFC000  }
0x9d: {  	[spmem:s2] =	stream.indirect.scatter.add.f32 [tilespmem:s13], [sflag:$0x8], $0x80, s8, s3, $0xb8;
	[tilespmem:$0x1FC80] =	vst v63  }
0x9e: {  	_ =	swait.ge [sflag:s18], $0x4000  }
0x9f: {  	p1 =	seq.s32 s25, $0x990;
	[sflag:s18] =	ssyncset.done $0x0  }
.Ltmp3:
0xa0: {  	[sflag:s18] =	ssyncadd.s32 $0xFFFFC000;
	(pc) =	sbr.rel @p1 .LBB2_6-.Ltmp3, $4  }
0xa1: {  	[spmem:s2] =	stream.indirect.scatter.add.f32 [tilespmem:s15], [sflag:$0x9], $0x80, s10, s3, $0xb8;
	[tilespmem:$0x1FC80] =	vst v63  }
0xa2: {  	_ =	swait.ge [sflag:s19], $0x4000  }
0xa3: {  	[sflag:s19] =	ssyncset.done $0x0  }
0xa4: {  	[sflag:s19] =	ssyncadd.s32 $0xFFFFC000  }
0xa5: {  	s29 =	sshrl.u32 s7, $0x3  }
0xa6: {  	s28 =	sadd.s32 s5, s29  }
0xa7: {  	[tilespmem:s4], [sflag:$0x1] =	stream.linear.gather [hbm4b:s28+s4], $0x80, $0x38;
	[tilespmem:$0x1FC80] =	vst v63  }
0xa8: {  	s29 =	sadd.s32 s6, s29  }
0xa9: {  	[tilespmem:s0], [sflag:$0x1] =	stream.linear.gather [hbm4b:s29+s4], $0x80, $0x38;
	[tilespmem:$0x1FC80] =	vst v63  }
0xaa: {  	_ =	swait.ge [sflag:s20], $0x4000  }
0xab: {  	[sflag:s20] =	ssyncset.done $0x0  }
0xac: {  	s29 =	sadd.s32 s25, s24;
	[sflag:s20] =	ssyncadd.s32 $0xFFFFC000  }
0xad: {  	[tilespmem:s3], [sflag:$0x2] =	stream.linear.gather [hbm4b:s29+s4], $0x80, $0x38;
	[tilespmem:$0x1FC80] =	vst v63  }
0xae: {  	s29 =	sadd.s32 s25, s23  }
0xaf: {  	[tilespmem:s8], [sflag:$0x2] =	stream.linear.gather [hbm4b:s29+s4], $0x80, $0x38;
	[tilespmem:$0x1FC80] =	vst v63  }
0xb0: {  	_ =	swait.ge [sflag:s26], $0x4000  }
0xb1: {  	[sflag:s26] =	ssyncset.done $0x0  }
0xb2: {  	s29 =	sadd.s32 s25, s22;
	[sflag:s26] =	ssyncadd.s32 $0xFFFFC000  }
0xb3: {  	[tilespmem:s9], [sflag:$0x3] =	stream.linear.gather [hbm4b:s29+s4], $0x80, $0x38;
	[tilespmem:$0x1FC80] =	vst v63  }
0xb4: {  	s29 =	sadd.s32 s25, s21  }
0xb5: {  	[tilespmem:s10], [sflag:$0x3] =	stream.linear.gather [hbm4b:s29+s4], $0x80, $0x38;
	[tilespmem:$0x1FC80] =	vst v63  }
0xb6: {  	_ =	swait.ge [sflag:s11], $0x80  }
0xb7: {  	[sflag:s11] =	ssyncset.done $0x0  }
0xb8: {  	[sflag:s11] =	ssyncadd.s32 $0xFFFFFF80  }
0xb9: {  	_ =	swait.ge [sflag:s11], $0x80  }
0xba: {  	[sflag:s11] =	ssyncset.done $0x0  }
0xbb: {  	[sflag:s11] =	ssyncadd.s32 $0xFFFFFF80  }
0xbc: {  	[tilespmem:s30], [sflag:$0x4] =	stream.indirect.gather [hbm4b:s1+s3], $0x80, s4, s3, $0xb8;
	[tilespmem:$0x1FC80] =	vst v63  }
0xbd: {  	_ =	swait.ge [sflag:s12], $0x80  }
0xbe: {  	[sflag:s12] =	ssyncset.done $0x0  }
0xbf: {  	[sflag:s12] =	ssyncadd.s32 $0xFFFFFF80  }
0xc0: {  	_ =	swait.ge [sflag:s12], $0x80  }
0xc1: {  	[sflag:s12] =	ssyncset.done $0x0  }
0xc2: {  	[sflag:s12] =	ssyncadd.s32 $0xFFFFFF80  }
0xc3: {  	[tilespmem:s13], [sflag:$0x5] =	stream.indirect.gather [hbm4b:s1+s3], $0x80, s3, s3, $0xb8;
	[tilespmem:$0x1FC80] =	vst v63  }
0xc4: {  	_ =	swait.ge [sflag:s14], $0x80  }
0xc5: {  	[sflag:s14] =	ssyncset.done $0x0  }
.Ltmp4:
0xc6: {  	[sflag:s14] =	ssyncadd.s32 $0xFFFFFF80;
	(pc) =	sbr.rel .LBB2_4-.Ltmp4, $4  }
0xc7: {  	_ =	swait.ge [sflag:s14], $0x80  }
0xc8: {  	[sflag:s14] =	ssyncset.done $0x0  }
0xc9: {  	s7 =	sadd.s32 $0x180, s7;
	s25 =	sadd.s32 $0x30, s25;
	[sflag:s14] =	ssyncadd.s32 $0xFFFFFF80  }
0xca: {  	[tilespmem:s15], [sflag:$0x6] =	stream.indirect.gather [hbm4b:s1+s3], $0x80, s9, s3, $0xb8;
	[tilespmem:$0x1FC80] =	vst v63  }
.LBB2_7:
0xcb: {  	_ =	sfence.sel $0x180000  }
0xcc: {  	[bflag:$0x0] =	sbarrier.arrive $0xFFFF  }
0xcd: {  	_ =	strace $0x9000004A  }
0xce: {  	s0 =	stileid.u32;
	[bflag:$0x2] =	sbarrier.arrive $0xFFFF  }
0xcf: {  	p0 =	sne.s32 s0, $0x0;
	s0 =	rddreg [dreg:$0x3]  }
0xd0: {  	s0 =	sadd.s32 @!p0 $0x100000, s0  }
0xd1: {  	[sflag:s0] =	ssyncadd.tile.s32 @!p0 $0x1;
	_ =	shalt  }
.Lfunc_end2:
_tile_overlayer_lowered:
.L_overlay_start_2:
0xd2: {  	(tag) =	ssettag $0x2  }
0xd3: {  	s0 =	rddreg [dreg:$0x0];
	s2 =	stileid.u32  }
0xd4: {  	s1 =	rddreg [dreg:$0x1];
	p0 =	sne.s32 s2, $0x0  }
0xd5: {  	s3 =	rddreg [dreg:$0x2];
	[bflag:$0x3] =	sbarrier.arrive $0xFFFF;
	s2 =	simm.s32 @!p0 $0x1C0A  }
0xd6: {  	[timem:s3], [sflag:s2] =	dma.local @!p0 [hbm:s0], s1  }
0xd7: {  	s0 =	simm.s32 @!p0 $0xA  }
0xd8: {  	_ =	swait.ge @!p0 [sflag:s0], s1  }
0xd9: {  	s1 =	ssub.s32 @!p0 $0x0, s1;
	[sflag:s0] =	ssyncset.done @!p0 $0x0  }
0xda: {  	[sflag:s0] =	ssyncadd.s32 @!p0 s1  }
0xdb: {  	[bflag:$0x3] =	sbarrier.arrive $0xFFFF  }
0xdc: {  	_ =	shalt  }

// kernel: kernel.7.cloned.1.call-start
scs
__scs_entry_jumppad:
0x0: {  	(pc) =	sbr.rel $0x88, $3  }
0x1: {  	(tag) =	ssettag $0x0;
	lr =	simm.s32 $0x1  }
0x2: {  	[smem:$0x3F9D] =	sst lr;
	_ =	strace $0xD0000000  }
0x3: {  	_ = 	snop  }
0x4: {  	_ = 	snop  }
0x5: {  	_ = 	snop  }
0x6: {  	_ = 	snop  }
0x7: {  	_ = 	snop  }
__scs_overlays_trampoline_lowered:
0x8: {  	[smem:$0x3FAC] =	sst s0  }
0x9: {  	[smem:$0x3FAD] =	sst s1  }
0xa: {  	[smem:$0x3FAE] =	sst s2  }
0xb: {  	[smem:$0x3FAF] =	sst s3  }
0xc: {  	[smem:$0x3FB0] =	sst s4  }
0xd: {  	[smem:$0x3FB1] =	sst s5  }
0xe: {  	[smem:$0x3FB2] =	sst s6  }
0xf: {  	[smem:$0x3FB3] =	sst s7  }
0x10: {  	[smem:$0x3FB4] =	sst s8  }
0x11: {  	[smem:$0x3FB5] =	sst s9;
	s0 =	simm.s32 @!p0 $0x0  }
0x12: {  	s1 =	sld [smem:$0x3F9B];
	s0 =	simm.s32 @p0 $0x1  }
0x13: {  	[smem:$0x3FB6] =	sst s0;
	s0 =	simm.s32 @!p1 $0x0  }
0x14: {  	s2 =	sld [smem:$0x3F9A];
	s0 =	simm.s32 @p1 $0x1  }
0x15: {  	[smem:$0x3FB7] =	sst s0;
	s0 =	simm.s32 @!p2 $0x0  }
0x16: {  	s3 =	sld [smem:$0x3FDB];
	s0 =	simm.s32 @p2 $0x1  }
0x17: {  	s4 =	simm.s32 $0x1BF5;
	[smem:$0x3FB9] =	sst s0  }
0x18: {  	s0 =	sld [smem:$0x3F9C];
	_ =	swait.ge [sflag:s4], $0x0  }
0x19: {  	s7 =	sld [smem:$0x3F9D]  }
0x1a: {  	s8 =	sadd.s32 $0xFFFFE003, lr  }
0x1b: {  	s9 =	sadd.s32 $0xFFFFFEF7, lr;
	s5 =	simm.s32 $0xFFFFFFFF;
	p2 =	slt.u32 s8, $0xFFFFF086  }
0x1c: {  	p1 =	slt.u32 s9, $0xF7A;
	s5 =	simm.s32 @!p2 $0x0  }
0x1d: {  	s5 =	simm.s32 @p1 $0x1;
	p0 =	seq.s32 s7, s2  }
0x1e: {  	s7 =	smul.u32 @!p0 $0xF7A, s2;
	p2 =	seq.s32 @!p0 s5, $0x0  }
0x1f: {  	s9 =	smul.u32 $0xF7A, s1;
	s8 =	simm.s32 @!p0 $0x1BF5;
	p2 =	por !p2, p0  }
0x20: {  	[sflag:s8] =	ssyncset.s32 @!p0 $0xFFFFF086;
	s6 =	sadd.s32 @!p0 s3, s7;
	s7 =	simm.s32 @!p0 $0x108  }
0x21: {  	s3 =	sadd.s32 s3, s9;
	s6 =	sadd.s32 @!p0 $0x88, s6;
	s7 =	simm.s32 @p2 $0x1082  }
0x22: {  	[simem:s7], [sflag:s8] =	dma.local @!p0 [hbm:s6], $0xF7A  }
0x23: {  	s9 =	sor.u32 $0xD0000000, s2;
	s6 =	simm.s32 $0x108;
	_ =	swait.ge @!p0 [sflag:s8], $0x0  }
0x24: {  	s3 =	sadd.s32 $0x88, s3;
	s6 =	simm.s32 @!p1 $0x1082;
	[sflag:s4] =	ssyncset.s32 $0xFFFFF086  }
0x25: {  	[simem:s6], [sflag:s4] =	dma.local [hbm:s3], $0xF7A  }
0x26: {  	[smem:$0x3F9D] =	sst s1;
	(tag) =	ssettag s2;
	_ =	strace s9  }
0x27: {  	s1 =	sld [smem:$0x3FAD]  }
0x28: {  	s2 =	sld [smem:$0x3FAE]  }
0x29: {  	s4 =	sld [smem:$0x3FB0]  }
0x2a: {  	p0 =	seq.s32 s5, $0x0;
	s5 =	sld [smem:$0x3FB1]  }
0x2b: {  	s6 =	sld [smem:$0x3FB2]  }
0x2c: {  	s7 =	sld [smem:$0x3FB3]  }
0x2d: {  	s3 =	simm.s32 $0x108;
	s8 =	sld [smem:$0x3FB4]  }
0x2e: {  	s3 =	simm.s32 @!p0 $0x1082;
	s9 =	sld [smem:$0x3FB5]  }
0x2f: {  	lr =	sadd.s32 s0, s3;
	s0 =	sld [smem:$0x3FAC]  }
0x30: {  	s3 =	sld [smem:$0x3FAF]  }
0x31: {  	[smem:$0x3FB8] =	sst s10  }
0x32: {  	s10 =	sld [smem:$0x3FB6];
	_ =	sdelay $0x3  }
0x33: {  	p0 =	seq.s32 s10, $0x1;
	s10 =	sld [smem:$0x3FB8];
	_ =	sdelay $0x3  }
0x34: {  	[smem:$0x3FB8] =	sst s10  }
0x35: {  	s10 =	sld [smem:$0x3FB7];
	_ =	sdelay $0x3  }
0x36: {  	p1 =	seq.s32 s10, $0x1;
	s10 =	sld [smem:$0x3FB8];
	_ =	sdelay $0x3  }
0x37: {  	[smem:$0x3FB8] =	sst s10  }
0x38: {  	s10 =	sld [smem:$0x3FB9]  }
0x39: {  	_ = 	snop;
	(pc) =	sbr.ind lr, $3  }
0x3a: {  	_ = 	snop  }
0x3b: {  	_ = 	snop  }
0x3c: {  	p2 =	seq.s32 s10, $0x1;
	s10 =	sld [smem:$0x3FB8]  }
0x3d: {  	_ =	shalt  }
0x3e: {  	_ =	shalt  }
0x3f: {  	_ =	shalt  }
0x40: {  	_ =	shalt  }
0x41: {  	_ =	shalt  }
0x42: {  	_ =	shalt  }
0x43: {  	_ =	shalt  }
0x44: {  	_ =	shalt  }
0x45: {  	_ =	shalt  }
0x46: {  	_ =	shalt  }
0x47: {  	_ =	shalt  }
0x48: {  	_ =	shalt  }
0x49: {  	_ =	shalt  }
0x4a: {  	_ =	shalt  }
0x4b: {  	_ =	shalt  }
0x4c: {  	_ =	shalt  }
0x4d: {  	_ =	shalt  }
0x4e: {  	_ =	shalt  }
0x4f: {  	_ =	shalt  }
0x50: {  	_ =	shalt  }
0x51: {  	_ =	shalt  }
0x52: {  	_ =	shalt  }
0x53: {  	_ =	shalt  }
0x54: {  	_ =	shalt  }
0x55: {  	_ =	shalt  }
0x56: {  	_ =	shalt  }
0x57: {  	_ =	shalt  }
0x58: {  	_ =	shalt  }
0x59: {  	_ =	shalt  }
0x5a: {  	_ =	shalt  }
0x5b: {  	_ =	shalt  }
0x5c: {  	_ =	shalt  }
0x5d: {  	_ =	shalt  }
0x5e: {  	_ =	shalt  }
0x5f: {  	_ =	shalt  }
0x60: {  	_ =	shalt  }
0x61: {  	_ =	shalt  }
0x62: {  	_ =	shalt  }
0x63: {  	_ =	shalt  }
0x64: {  	_ =	shalt  }
0x65: {  	_ =	shalt  }
0x66: {  	_ =	shalt  }
0x67: {  	_ =	shalt  }
0x68: {  	_ =	shalt  }
0x69: {  	_ =	shalt  }
0x6a: {  	_ =	shalt  }
0x6b: {  	_ =	shalt  }
0x6c: {  	_ =	shalt  }
0x6d: {  	_ =	shalt  }
0x6e: {  	_ =	shalt  }
0x6f: {  	_ =	shalt  }
0x70: {  	_ =	shalt  }
0x71: {  	_ =	shalt  }
0x72: {  	_ =	shalt  }
0x73: {  	_ =	shalt  }
0x74: {  	_ =	shalt  }
0x75: {  	_ =	shalt  }
0x76: {  	_ =	shalt  }
0x77: {  	_ =	shalt  }
0x78: {  	_ =	shalt  }
0x79: {  	_ =	shalt  }
0x7a: {  	_ =	shalt  }
0x7b: {  	_ =	shalt  }
0x7c: {  	_ =	shalt  }
0x7d: {  	_ =	shalt  }
0x7e: {  	_ =	shalt  }
0x7f: {  	_ =	shalt  }
0x80: {  	_ =	shalt  }
0x81: {  	_ =	shalt  }
0x82: {  	_ =	shalt  }
0x83: {  	_ =	shalt  }
0x84: {  	_ =	shalt  }
0x85: {  	_ =	shalt  }
0x86: {  	_ =	shalt  }
0x87: {  	_ =	shalt  }
.Lfunc_end0:
.L_simem_size_0:
called_computation_lowered:
.L_overlay_start_0:
0x88: {  	s2 =	sld [smem:$0x3FD9]  }
0x89: {  	s3 =	sld [smem:$0x3FFE];
	_ =	sdelay $0x1  }
0x8a: {  	s1 =	srdreg.scid  }
0x8b: {  	s0 =	sand.u32 $0x1, s1  }
0x8c: {  	s17 =	sshll.u32 s0, $0xA;
	s2 =	sadd.s32 s3, s2  }
0x8d: {  	s2 =	sadd.s32 s2, s17  }
0x8e: {  	[smem:$0x3FC4] =	sst s2  }
0x8f: {  	_ = 	snop  }
0x90: {  	s2 =	sld [smem:$0x3FD0];
	(tm) =	ssettm $0x1  }
0x91: {  	s18 =	sld [smem:$0x3FFB];
	_ =	sdelay $0x3  }
0x92: {  	_ =	strace s18  }
0x93: {  	s3 =	sld [smem:$0x3FFC];
	_ =	sdelay $0x3  }
0x94: {  	_ =	strace s3  }
0x95: {  	s3 =	sld [smem:$0x3FFD];
	_ =	sdelay $0x3  }
0x96: {  	_ =	strace s3  }
0x97: {  	_ =	strace $0x8FFFFFFF  }
0x98: {  	s19 =	sld [smem:$0x3FDB];
	_ =	sdelay $0x1  }
0x99: {  	s4 =	simm.s32 $_scs_section_size  }
0x9a: {  	s5 =	simm.s32 $_size__tile_overlayer_lowered;
	s6 =	simm.s32 $_tile_overlayer_lowered  }
0x9b: {  	s22 =	simm.s32 $0x1BFF;
	s21 =	sshll.u32 s6, $0x1;
	s3 =	sadd.s32 s4, s19  }
0x9c: {  	s7 =	simm.s32 $0x0;
	s20 =	sshll.u32 s5, $0x1;
	s5 =	sadd.s32 s21, s3  }
0x9d: {  	[timem:s7], [sflag:s22] =	dma.local [hbm:s5], s20  }
0x9e: {  	_ =	swait.ge [sflag:s22], s20  }
0x9f: {  	s4 =	ssub.s32 $0x0, s20;
	[sflag:s22] =	ssyncset.done $0x0  }
0xa0: {  	[sflag:s22] =	ssyncadd.s32 s4;
	_ =	sdelay $0x1  }
0xa1: {  	s23 =	simm.s32 $0x1B8B  }
0xa2: {  	_ =	swait.ge [sflag:s23], $0x1  }
0xa3: {  	[sflag:s23] =	ssyncset.done $0x0  }
0xa4: {  	s25 =	simm.s32 $0x1B8E;
	s24 =	sld [smem:$0x3FFE];
	[sflag:s23] =	ssyncadd.s32 $0xFFFFFFFF  }
0xa5: {  	s26 =	simm.s32 $execute0_lowered;
	[smem:$0x3FD2] =	sst s25  }
0xa6: {  	s5 =	sshll.u32 s26, $0x1;
	_ =	strace $0x80000046;
	[dreg:$0x1] =	wrdreg $0xFFFFFFFF  }
0xa7: {  	s28 =	simm.s32 $_size_execute0_lowered;
	s3 =	sadd.s32 s3, s5;
	[dreg:$0x0] =	wrdreg $0x0  }
0xa8: {  	s5 =	sshll.u32 s28, $0x1;
	[dreg:$0x2] =	wrdreg s3  }
0xa9: {  	[dreg:$0x3] =	wrdreg s5  }
0xaa: {  	[dreg:$0x4] =	wrdreg $0xC0  }
0xab: {  	_ =	task [dreg:s7], $0x5FFFF  }
0xac: {  	[dreg:$0x1] =	wrdreg $0xFFFFFFFF  }
0xad: {  	[dreg:$0x0] =	wrdreg $0x60  }
0xae: {  	[dreg:$0x2] =	wrdreg s24  }
0xaf: {  	[dreg:$0x3] =	wrdreg s2  }
0xb0: {  	[dreg:$0x4] =	wrdreg $0x5A800  }
0xb1: {  	[dreg:$0x5] =	wrdreg $0x9  }
0xb2: {  	_ =	task.clear_ibuf [dreg:s7], $0x6FFFF;
	_ =	strace $0x90000046  }
0xb3: {  	s29 =	simm.s32 $0x9;
	_ =	strace $0x80000048  }
0xb4: {  	_ =	swait.ge [sflag:s29], $0x1  }
0xb5: {  	[sflag:s29] =	ssyncadd.s32 $0xFFFFFFFF  }
0xb6: {  	_ =	strace $0x90000048  }
0xb7: {  	_ =	sfence  }
0xb8: {  	s30 =	sld [smem:$0x0];
	_ =	sdelay $0x2  }
0xb9: {  	s31 =	sshll.u32 s1, $0xD;
	s1 =	sshrl.u32 s1, $0x2  }
0xba: {  	s3 =	sand.u32 $0x4000, s31;
	s1 =	sadd.s32 s1, s30  }
0xbb: {  	s0 =	sor.u32 s3, s0;
	s1 =	sshll.u32 s1, $0x11  }
0xbc: {  	s0 =	sor.u32 s1, s0  }
0xbd: {  	s0 =	sadd.s32 $0x8F2B, s0  }
0xbe: {  	[sflag:s0] =	ssyncadd.remote.s32 $0x1  }
0xbf: {  	_ =	sfence.sel $0xFFFF  }
0xc0: {  	[dreg:$0x0] =	wrdreg $0xFFFFFFFF;
	(pc) =	sbr.abs _section_cstart, $3  }
0xc1: {  	[dreg:$0x1] =	wrdreg $0xFFFFFFFF  }
0xc2: {  	_ =	task.clear_ibuf [dreg:s7], $0x2FFFF;
	_ =	strace $0x9FFFFFFF  }
0xc3: {  	(tm) =	ssettm $0x7FFFFFFF  }
tec
execute0_lowered:
.L_overlay_start_1:
0x0: {  	(tag) =	ssettag $0x1  }
0x1: {  	s0 =	rddreg [dreg:$0x0]  }
0x2: {  	s1 =	rddreg [dreg:$0x1]  }
0x3: {  	s2 =	rddreg [dreg:$0x2]  }
0x4: {  	s3 =	simm.s32 $0x0;
	s25 =	srdreg.scid;
	s8 =	stileid.u32  }
0x5: {  	[smem:$0x7FF] =	sst s3;
	s5 =	sand.u32 $0x1, s25;
	s4 =	smul.u32 $0xA000, s8  }
0x6: {  	s7 =	sshll.u32 s8, $0x1;
	s8 =	smul.u32 $0x280, s8;
	s26 =	ssub.s32 $0x2, s5  }
0x7: {  	s3 =	sadd.s32 $0x1400, s0;
	s6 =	sshrl.u32 s26, $0x1;
	s10 =	sshrl.u32 s4, $0x2  }
0x8: {  	s0 =	ssub.s32 s26, s6;
	s11 =	sadd.s32 s10, s2;
	s6 =	sadd.s32 s8, s2  }
0x9: {  	_ =	strace $0x80000047;
	[dreg:$0x4] =	wrdreg s11;
	s2 =	sadd.s32 $0x2800, s6  }
0xa: {  	s12 =	sadd.s32 $0x5000, s6;
	[dreg:$0x5] =	wrdreg s2  }
0xb: {  	s13 =	sadd.s32 $0x7800, s6;
	[dreg:$0x6] =	wrdreg s12  }
0xc: {  	s14 =	sadd.s32 $0xA000, s6;
	[dreg:$0x7] =	wrdreg s13  }
0xd: {  	s15 =	sadd.s32 $0xC800, s6;
	[dreg:$0x8] =	wrdreg s14  }
0xe: {  	s16 =	sadd.s32 $0xF000, s6;
	[dreg:$0x9] =	wrdreg s15  }
0xf: {  	s17 =	sadd.s32 $0x11800, s6;
	[dreg:$0xa] =	wrdreg s16  }
0x10: {  	s18 =	sadd.s32 $0x14000, s6;
	[dreg:$0xb] =	wrdreg s17  }
0x11: {  	s20 =	sadd.s32 $0x16800, s6;
	[dreg:$0xc] =	wrdreg s18  }
0x12: {  	s21 =	sadd.s32 $0x19000, s6;
	[dreg:$0xd] =	wrdreg s20  }
0x13: {  	s22 =	sadd.s32 $0x1B800, s6;
	[dreg:$0xe] =	wrdreg s21  }
0x14: {  	s23 =	sadd.s32 $0x1E000, s6;
	[dreg:$0xf] =	wrdreg s22  }
0x15: {  	s24 =	sadd.s32 $0x20800, s6;
	[dreg:$0x10] =	wrdreg s23  }
0x16: {  	s25 =	sadd.s32 $0x23000, s6;
	[dreg:$0x11] =	wrdreg s24  }
0x17: {  	s26 =	sadd.s32 $0x25800, s6;
	[dreg:$0x12] =	wrdreg s25  }
0x18: {  	s9 =	sor.u32 s5, s7;
	s0 =	smax.u32 s0, $0x1;
	[dreg:$0x13] =	wrdreg s26  }
0x19: {  	s19 =	smul.u32 $0x2800, s5;
	s5 =	sadd.s32 $0x80, s6;
	[dreg:$0x15] =	wrdreg s0  }
0x1a: {  	s7 =	sadd.s32 $0x100, s6;
	[dreg:$0x16] =	wrdreg s5  }
0x1b: {  	s4 =	smul.u32 $0x4E20, s9;
	s9 =	sadd.s32 $0x200, s6;
	[dreg:$0x17] =	wrdreg s7  }
0x1c: {  	s10 =	sadd.s32 $0x2880, s6;
	[dreg:$0x19] =	wrdreg s9  }
0x1d: {  	s11 =	sadd.s32 $0x2900, s6;
	[dreg:$0x1a] =	wrdreg s10  }
0x1e: {  	s2 =	sadd.s32 s8, s19;
	s8 =	sadd.s32 $0x180, s6;
	[dreg:$0x1b] =	wrdreg s11  }
0x1f: {  	s12 =	sadd.s32 $0x2980, s6;
	[dreg:$0x18] =	wrdreg s8  }
0x20: {  	s13 =	sadd.s32 $0x2A00, s6;
	[dreg:$0x1c] =	wrdreg s12  }
0x21: {  	s14 =	sadd.s32 $0x5080, s6;
	[dreg:$0x1d] =	wrdreg s13  }
0x22: {  	s15 =	sadd.s32 $0x5100, s6;
	[dreg:$0x1e] =	wrdreg s14  }
0x23: {  	s16 =	sadd.s32 $0x5180, s6;
	[dreg:$0x1f] =	wrdreg s15  }
0x24: {  	s17 =	sadd.s32 $0x5200, s6;
	[smem:$0x7DC] =	sst s16  }
0x25: {  	s18 =	sadd.s32 $0x7880, s6;
	[smem:$0x7DD] =	sst s17  }
0x26: {  	s19 =	sadd.s32 $0x7900, s6;
	[smem:$0x7DE] =	sst s18  }
0x27: {  	s20 =	sadd.s32 $0x7980, s6;
	[smem:$0x7DF] =	sst s19  }
0x28: {  	s21 =	sadd.s32 $0x7A00, s6;
	[smem:$0x7E0] =	sst s20  }
0x29: {  	s22 =	sadd.s32 $0xA080, s6;
	[smem:$0x7E1] =	sst s21  }
0x2a: {  	s23 =	sadd.s32 $0xA100, s6;
	[smem:$0x7E2] =	sst s22  }
0x2b: {  	s24 =	sadd.s32 $0xA180, s6;
	[smem:$0x7E3] =	sst s23  }
0x2c: {  	s25 =	sadd.s32 $0xA200, s6;
	[smem:$0x7E4] =	sst s24  }
0x2d: {  	s26 =	sadd.s32 $0xC880, s6;
	[smem:$0x7E5] =	sst s25  }
0x2e: {  	s5 =	sadd.s32 $0xCA00, s6;
	[smem:$0x7E6] =	sst s26  }
0x2f: {  	s7 =	sadd.s32 $0xF080, s6;
	[smem:$0x7E9] =	sst s5  }
0x30: {  	s9 =	sadd.s32 $0xF180, s6;
	[smem:$0x7EA] =	sst s7  }
0x31: {  	s10 =	sadd.s32 $0xF200, s6;
	[smem:$0x7EC] =	sst s9  }
0x32: {  	s11 =	sadd.s32 $0x11880, s6;
	[smem:$0x7ED] =	sst s10  }
0x33: {  	s8 =	sadd.s32 $0xF100, s6;
	[smem:$0x7EE] =	sst s11  }
0x34: {  	s12 =	sadd.s32 $0x11900, s6;
	[smem:$0x7EB] =	sst s8  }
0x35: {  	s13 =	sadd.s32 $0x11980, s6;
	[smem:$0x7EF] =	sst s12  }
0x36: {  	s14 =	sadd.s32 $0x11A00, s6;
	[smem:$0x7F0] =	sst s13  }
0x37: {  	s15 =	sadd.s32 $0x14080, s6;
	[smem:$0x7F1] =	sst s14  }
0x38: {  	s16 =	sadd.s32 $0x14100, s6;
	[smem:$0x7F2] =	sst s15  }
0x39: {  	s17 =	sadd.s32 $0x14180, s6;
	[smem:$0x7F3] =	sst s16  }
0x3a: {  	s18 =	sadd.s32 $0x14200, s6;
	[smem:$0x7F4] =	sst s17  }
0x3b: {  	s19 =	sadd.s32 $0x16880, s6;
	[smem:$0x7F5] =	sst s18  }
0x3c: {  	s28 =	sadd.s32 $0x23200, s6;
	s20 =	sadd.s32 $0x16900, s6;
	[smem:$0x7F6] =	sst s19  }
0x3d: {  	s29 =	sadd.s32 $0x25880, s6;
	s21 =	sadd.s32 $0x16980, s6;
	[smem:$0x7F7] =	sst s20  }
0x3e: {  	s30 =	sadd.s32 $0x25900, s6;
	s22 =	sadd.s32 $0x16A00, s6;
	[smem:$0x7F8] =	sst s21  }
0x3f: {  	s31 =	sadd.s32 $0x25980, s6;
	s23 =	sadd.s32 $0x19080, s6;
	[smem:$0x7F9] =	sst s22  }
0x40: {  	s0 =	sadd.s32 $0x25A00, s6;
	s24 =	sadd.s32 $0x19100, s6;
	[smem:$0x7FA] =	sst s23  }
0x41: {  	s2 =	sshrl.u32 s2, $0x3;
	s25 =	sadd.s32 $0x19180, s6;
	[smem:$0x7FB] =	sst s24  }
0x42: {  	s26 =	sadd.s32 $0x19200, s6;
	s5 =	simm.s32 $0x0;
	[smem:$0x7FC] =	sst s25  }
0x43: {  	s1 =	sadd.s32 s1, s2;
	s2 =	sadd.s32 $0xC980, s6;
	[smem:$0x7FD] =	sst s26  }
0x44: {  	s12 =	sadd.s32 $0x1B880, s6;
	s13 =	sadd.s32 $0x1B900, s6;
	s14 =	sadd.s32 $0x1B980, s6  }
0x45: {  	s15 =	sadd.s32 $0x1BA00, s6;
	s16 =	sadd.s32 $0x1E080, s6;
	s17 =	sadd.s32 $0x1E100, s6  }
0x46: {  	s18 =	sadd.s32 $0x1E180, s6;
	s19 =	sadd.s32 $0x1E200, s6;
	s20 =	sadd.s32 $0x20880, s6  }
0x47: {  	s21 =	sadd.s32 $0x20900, s6;
	s22 =	sadd.s32 $0x20980, s6;
	s23 =	sadd.s32 $0x20A00, s6  }
0x48: {  	s24 =	sadd.s32 $0x23080, s6;
	s25 =	sadd.s32 $0x23100, s6;
	[dreg:$0x14] =	wrdreg s1  }
0x49: {  	s26 =	sadd.s32 $0x23180, s6;
	s1 =	sadd.s32 $0xC900, s6;
	[smem:$0x7E8] =	sst s2  }
0x4a: {  	v0 =	vimm.f32 $0.0e+00;
	v1 =	vimm.f32 $1.000000000e+00;
	s2 =	simm.s32 $0x800;
	[smem:$0x7E7] =	sst s1;
	s1 =	simm.s32 $0x1  }
.LBB2_1:
0x4b: {  	s7 =	simm.s32 $0x40;
	s8 =	simm.s32 $0x0  }
.LBB2_2:
0x4c: {  	p0 =	sne.s32 s7, $0x9FC0;
	[tilespmem:s8+$0x800] =	vst v0;
	s8 =	smov.u32 s7;
	s7 =	sadd.s32 $0x40, s7  }
.Ltmp0:
0x4d: {  	(pc) =	sbr.rel @p0 .LBB2_2-.Ltmp0, $2  }
0x4e: {  	_ =	sdelay $0x2  }
0x4f: {  	s8 =	sshra.s32 s8, $0x2  }
0x50: {  	[tilespmem:s8+$0x800] =	vst v0;
	s7 =	simm.s32 $0x0;
	s8 =	simm.s32 $0x0  }
.LBB2_4:
0x51: {  	s9 =	smul.u32 $0x7D0, s8;
	_ =	sdelay $0x1  }
0x52: {  	s9 =	sadd.s32 s4, s9  }
0x53: {  	s9 =	sshrl.u32 s9, $0x3  }
0x54: {  	s9 =	sadd.s32 s3, s9  }
0x55: {  	[tilespmem:s7], [sflag:$0x1] =	stream.linear.gather [hbm4b:s9+s7], $0x7D0, $0x38;
	[tilespmem:$0x8280] =	vst v63  }
0x56: {  	_ =	swait.ge [sflag:s1], $0x7D0  }
0x57: {  	[sflag:s1] =	ssyncset.done $0x0  }
0x58: {  	s10 =	simm.s32 $0x0;
	s9 =	simm.s32 $0x40;
	[sflag:s1] =	ssyncadd.s32 $0xFFFFF830  }
.LBB2_5:
0x59: {  	p0 =	sne.s32 s9, $0x1F00;
	v2 =	vld [tilespmem:s10+$0x0];
	_ =	sdelay $0x3  }
.Ltmp1:
0x5a: {  	(pc) =	sbr.rel @p0 .LBB2_5-.Ltmp1, $2  }
0x5b: {  	_ =	sdelay $0x2  }
0x5c: {  	s10 =	sshra.s32 s9, $0x2;
	s9 =	sadd.s32 $0x40, s9;
	[tilespmem:v2+s2+$0x0] =	vst.idx.add.f32.msk $0xffff, v1  }
0x5d: {  	v2 =	vld [tilespmem:s10+$0x0];
	_ =	sdelay $0x1  }
0x5e: {  	s8 =	sadd.s32 $0x1, s8  }
0x5f: {  	p0 =	sne.s32 s8, $0xA  }
.Ltmp2:
0x60: {  	_ = 	snop;
	(pc) =	sbr.rel @p0 .LBB2_4-.Ltmp2, $2  }
0x61: {  	_ =	sdelay $0x2  }
0x62: {  	[tilespmem:v2+s2+$0x0] =	vst.idx.add.f32.msk $0xffff, v1  }
0x63: {  	s7 =	rddreg [dreg:$0x4]  }
0x64: {  	[spmem:s7] =	stream.linear.scatter [tilespmem:s2], [sflag:$0x1], $0x2800, $0x38;
	[tilespmem:$0x8280] =	vst v63  }
0x65: {  	_ =	swait.ge [sflag:s1], $0x2800  }
0x66: {  	[sflag:s1] =	ssyncset.done $0x0  }
0x67: {  	[sflag:s1] =	ssyncadd.s32 $0xFFFFD800  }
0x68: {  	s8 =	simm.s32 $0x3000;
	[bflag:$0x0] =	sbarrier.arrive $0xFFFF  }
0x69: {  	[tilespmem:s8], [sflag:$0x1] =	stream.linear.gather [spmem:s6], $0x80, $0x38;
	[tilespmem:$0x8280] =	vst v63  }
0x6a: {  	s9 =	rddreg [dreg:$0x16];
	s8 =	simm.s32 $0x3400  }
0x6b: {  	[tilespmem:s8], [sflag:$0x1] =	stream.linear.gather [spmem:s9], $0x80, $0x38;
	[tilespmem:$0x8280] =	vst v63  }
0x6c: {  	s11 =	simm.s32 $0x3800;
	s10 =	rddreg [dreg:$0x17]  }
0x6d: {  	[tilespmem:s11], [sflag:$0x1] =	stream.linear.gather [spmem:s10], $0x80, $0x38;
	[tilespmem:$0x8280] =	vst v63  }
0x6e: {  	s8 =	rddreg [dreg:$0x18];
	s9 =	simm.s32 $0x3C00  }
0x6f: {  	[tilespmem:s9], [sflag:$0x1] =	stream.linear.gather [spmem:s8], $0x80, $0x38;
	[tilespmem:$0x8280] =	vst v63  }
0x70: {  	s10 =	rddreg [dreg:$0x19];
	s11 =	simm.s32 $0x4000  }
0x71: {  	[tilespmem:s11], [sflag:$0x1] =	stream.linear.gather [spmem:s10], $0x80, $0x38;
	[tilespmem:$0x8280] =	vst v63  }
0x72: {  	_ =	swait.ge [sflag:s1], $0x280  }
0x73: {  	[sflag:s1] =	ssyncset.done $0x0  }
0x74: {  	s9 =	simm.s32 $0x3080;
	s8 =	rddreg [dreg:$0x5];
	[sflag:s1] =	ssyncadd.s32 $0xFFFFFD80  }
0x75: {  	[tilespmem:s9], [sflag:$0x1] =	stream.linear.gather [spmem:s8], $0x80, $0x38;
	[tilespmem:$0x8280] =	vst v63  }
0x76: {  	s11 =	simm.s32 $0x3480;
	s10 =	rddreg [dreg:$0x1a]  }
0x77: {  	[tilespmem:s11], [sflag:$0x1] =	stream.linear.gather [spmem:s10], $0x80, $0x38;
	[tilespmem:$0x8280] =	vst v63  }
0x78: {  	s8 =	rddreg [dreg:$0x1b];
	s9 =	simm.s32 $0x3880  }
0x79: {  	[tilespmem:s9], [sflag:$0x1] =	stream.linear.gather [spmem:s8], $0x80, $0x38;
	[tilespmem:$0x8280] =	vst v63  }
0x7a: {  	s10 =	rddreg [dreg:$0x1c];
	s11 =	simm.s32 $0x3C80  }
0x7b: {  	[tilespmem:s11], [sflag:$0x1] =	stream.linear.gather [spmem:s10], $0x80, $0x38;
	[tilespmem:$0x8280] =	vst v63  }
0x7c: {  	s8 =	rddreg [dreg:$0x1d];
	s9 =	simm.s32 $0x4080  }
0x7d: {  	[tilespmem:s9], [sflag:$0x1] =	stream.linear.gather [spmem:s8], $0x80, $0x38;
	[tilespmem:$0x8280] =	vst v63  }
0x7e: {  	_ =	swait.ge [sflag:s1], $0x280  }
0x7f: {  	[sflag:s1] =	ssyncset.done $0x0;
	s10 =	rddreg [dreg:$0x6]  }
0x80: {  	s11 =	simm.s32 $0x3100;
	s8 =	rddreg [dreg:$0x1e];
	[sflag:s1] =	ssyncadd.s32 $0xFFFFFD80  }
0x81: {  	[tilespmem:s11], [sflag:$0x1] =	stream.linear.gather [spmem:s10], $0x80, $0x38;
	[tilespmem:$0x8280] =	vst v63  }
0x82: {  	s9 =	simm.s32 $0x3500;
	s10 =	rddreg [dreg:$0x1f]  }
0x83: {  	[tilespmem:s9], [sflag:$0x1] =	stream.linear.gather [spmem:s8], $0x80, $0x38;
	[tilespmem:$0x8280] =	vst v63  }
0x84: {  	s11 =	simm.s32 $0x3900;
	s8 =	sld [smem:$0x7DC]  }
0x85: {  	[tilespmem:s11], [sflag:$0x1] =	stream.linear.gather [spmem:s10], $0x80, $0x38;
	[tilespmem:$0x8280] =	vst v63  }
0x86: {  	s9 =	simm.s32 $0x3D00;
	s10 =	sld [smem:$0x7DD]  }
0x87: {  	[tilespmem:s9], [sflag:$0x1] =	stream.linear.gather [spmem:s8], $0x80, $0x38;
	[tilespmem:$0x8280] =	vst v63  }
0x88: {  	s11 =	simm.s32 $0x4100  }
0x89: {  	[tilespmem:s11], [sflag:$0x1] =	stream.linear.gather [spmem:s10], $0x80, $0x38;
	[tilespmem:$0x8280] =	vst v63  }
0x8a: {  	_ =	swait.ge [sflag:s1], $0x280  }
0x8b: {  	[sflag:s1] =	ssyncset.done $0x0;
	s8 =	rddreg [dreg:$0x7]  }
0x8c: {  	s9 =	simm.s32 $0x3180;
	s10 =	sld [smem:$0x7DE];
	[sflag:s1] =	ssyncadd.s32 $0xFFFFFD80  }
0x8d: {  	[tilespmem:s9], [sflag:$0x1] =	stream.linear.gather [spmem:s8], $0x80, $0x38;
	[tilespmem:$0x8280] =	vst v63  }
0x8e: {  	s11 =	simm.s32 $0x3580;
	s8 =	sld [smem:$0x7DF]  }
0x8f: {  	[tilespmem:s11], [sflag:$0x1] =	stream.linear.gather [spmem:s10], $0x80, $0x38;
	[tilespmem:$0x8280] =	vst v63  }
0x90: {  	s9 =	simm.s32 $0x3980;
	s10 =	sld [smem:$0x7E0]  }
0x91: {  	[tilespmem:s9], [sflag:$0x1] =	stream.linear.gather [spmem:s8], $0x80, $0x38;
	[tilespmem:$0x8280] =	vst v63  }
0x92: {  	s11 =	simm.s32 $0x3D80;
	s8 =	sld [smem:$0x7E1]  }
0x93: {  	[tilespmem:s11], [sflag:$0x1] =	stream.linear.gather [spmem:s10], $0x80, $0x38;
	[tilespmem:$0x8280] =	vst v63  }
0x94: {  	s9 =	simm.s32 $0x4180  }
0x95: {  	[tilespmem:s9], [sflag:$0x1] =	stream.linear.gather [spmem:s8], $0x80, $0x38;
	[tilespmem:$0x8280] =	vst v63  }
0x96: {  	_ =	swait.ge [sflag:s1], $0x280  }
0x97: {  	[sflag:s1] =	ssyncset.done $0x0;
	s10 =	rddreg [dreg:$0x8]  }
0x98: {  	s11 =	simm.s32 $0x3200;
	s8 =	sld [smem:$0x7E2];
	[sflag:s1] =	ssyncadd.s32 $0xFFFFFD80  }
0x99: {  	[tilespmem:s11], [sflag:$0x1] =	stream.linear.gather [spmem:s10], $0x80, $0x38;
	[tilespmem:$0x8280] =	vst v63  }
0x9a: {  	s9 =	simm.s32 $0x3600;
	s10 =	sld [smem:$0x7E3]  }
0x9b: {  	[tilespmem:s9], [sflag:$0x1] =	stream.linear.gather [spmem:s8], $0x80, $0x38;
	[tilespmem:$0x8280] =	vst v63  }
0x9c: {  	s11 =	simm.s32 $0x3A00;
	s8 =	sld [smem:$0x7E4]  }
0x9d: {  	[tilespmem:s11], [sflag:$0x1] =	stream.linear.gather [spmem:s10], $0x80, $0x38;
	[tilespmem:$0x8280] =	vst v63  }
0x9e: {  	s9 =	simm.s32 $0x3E00;
	s10 =	sld [smem:$0x7E5]  }
0x9f: {  	[tilespmem:s9], [sflag:$0x1] =	stream.linear.gather [spmem:s8], $0x80, $0x38;
	[tilespmem:$0x8280] =	vst v63  }
0xa0: {  	s11 =	simm.s32 $0x4200  }
0xa1: {  	[tilespmem:s11], [sflag:$0x1] =	stream.linear.gather [spmem:s10], $0x80, $0x38;
	[tilespmem:$0x8280] =	vst v63  }
0xa2: {  	_ =	swait.ge [sflag:s1], $0x280  }
0xa3: {  	[sflag:s1] =	ssyncset.done $0x0;
	s8 =	rddreg [dreg:$0x9]  }
0xa4: {  	s9 =	simm.s32 $0x3280;
	s10 =	sld [smem:$0x7E6];
	[sflag:s1] =	ssyncadd.s32 $0xFFFFFD80  }
0xa5: {  	[tilespmem:s9], [sflag:$0x1] =	stream.linear.gather [spmem:s8], $0x80, $0x38;
	[tilespmem:$0x8280] =	vst v63  }
0xa6: {  	s11 =	simm.s32 $0x3680;
	s8 =	sld [smem:$0x7E7]  }
0xa7: {  	[tilespmem:s11], [sflag:$0x1] =	stream.linear.gather [spmem:s10], $0x80, $0x38;
	[tilespmem:$0x8280] =	vst v63  }
0xa8: {  	s9 =	simm.s32 $0x3A80;
	s10 =	sld [smem:$0x7E8]  }
0xa9: {  	[tilespmem:s9], [sflag:$0x1] =	stream.linear.gather [spmem:s8], $0x80, $0x38;
	[tilespmem:$0x8280] =	vst v63  }
0xaa: {  	s11 =	simm.s32 $0x3E80;
	s8 =	sld [smem:$0x7E9]  }
0xab: {  	[tilespmem:s11], [sflag:$0x1] =	stream.linear.gather [spmem:s10], $0x80, $0x38;
	[tilespmem:$0x8280] =	vst v63  }
0xac: {  	s9 =	simm.s32 $0x4280  }
0xad: {  	[tilespmem:s9], [sflag:$0x1] =	stream.linear.gather [spmem:s8], $0x80, $0x38;
	[tilespmem:$0x8280] =	vst v63  }
0xae: {  	_ =	swait.ge [sflag:s1], $0x280  }
0xaf: {  	[sflag:s1] =	ssyncset.done $0x0;
	s10 =	rddreg [dreg:$0xa]  }
0xb0: {  	s11 =	simm.s32 $0x3300;
	s8 =	sld [smem:$0x7EA];
	[sflag:s1] =	ssyncadd.s32 $0xFFFFFD80  }
0xb1: {  	[tilespmem:s11], [sflag:$0x1] =	stream.linear.gather [spmem:s10], $0x80, $0x38;
	[tilespmem:$0x8280] =	vst v63  }
0xb2: {  	s9 =	simm.s32 $0x3700;
	s10 =	sld [smem:$0x7EB]  }
0xb3: {  	[tilespmem:s9], [sflag:$0x1] =	stream.linear.gather [spmem:s8], $0x80, $0x38;
	[tilespmem:$0x8280] =	vst v63  }
0xb4: {  	s11 =	simm.s32 $0x3B00;
	s8 =	sld [smem:$0x7EC]  }
0xb5: {  	[tilespmem:s11], [sflag:$0x1] =	stream.linear.gather [spmem:s10], $0x80, $0x38;
	[tilespmem:$0x8280] =	vst v63  }
0xb6: {  	s9 =	simm.s32 $0x3F00;
	s10 =	sld [smem:$0x7ED]  }
0xb7: {  	[tilespmem:s9], [sflag:$0x1] =	stream.linear.gather [spmem:s8], $0x80, $0x38;
	[tilespmem:$0x8280] =	vst v63  }
0xb8: {  	s11 =	simm.s32 $0x4300  }
0xb9: {  	[tilespmem:s11], [sflag:$0x1] =	stream.linear.gather [spmem:s10], $0x80, $0x38;
	[tilespmem:$0x8280] =	vst v63  }
0xba: {  	_ =	swait.ge [sflag:s1], $0x280  }
0xbb: {  	[sflag:s1] =	ssyncset.done $0x0;
	s8 =	rddreg [dreg:$0xb]  }
0xbc: {  	s9 =	simm.s32 $0x3380;
	s10 =	sld [smem:$0x7EE];
	[sflag:s1] =	ssyncadd.s32 $0xFFFFFD80  }
0xbd: {  	[tilespmem:s9], [sflag:$0x1] =	stream.linear.gather [spmem:s8], $0x80, $0x38;
	[tilespmem:$0x8280] =	vst v63  }
0xbe: {  	s11 =	simm.s32 $0x3780;
	s8 =	sld [smem:$0x7EF]  }
0xbf: {  	[tilespmem:s11], [sflag:$0x1] =	stream.linear.gather [spmem:s10], $0x80, $0x38;
	[tilespmem:$0x8280] =	vst v63  }
0xc0: {  	s9 =	simm.s32 $0x3B80;
	s10 =	sld [smem:$0x7F0]  }
0xc1: {  	[tilespmem:s9], [sflag:$0x1] =	stream.linear.gather [spmem:s8], $0x80, $0x38;
	[tilespmem:$0x8280] =	vst v63  }
0xc2: {  	s11 =	simm.s32 $0x3F80;
	s8 =	sld [smem:$0x7F1]  }
0xc3: {  	[tilespmem:s11], [sflag:$0x1] =	stream.linear.gather [spmem:s10], $0x80, $0x38;
	[tilespmem:$0x8280] =	vst v63  }
0xc4: {  	s9 =	simm.s32 $0x4380  }
0xc5: {  	[tilespmem:s9], [sflag:$0x1] =	stream.linear.gather [spmem:s8], $0x80, $0x38;
	[tilespmem:$0x8280] =	vst v63  }
0xc6: {  	_ =	swait.ge [sflag:s1], $0x280  }
0xc7: {  	[sflag:s1] =	ssyncset.done $0x0;
	s10 =	rddreg [dreg:$0xc]  }
0xc8: {  	s11 =	simm.s32 $0x4400;
	s8 =	sld [smem:$0x7F2];
	[sflag:s1] =	ssyncadd.s32 $0xFFFFFD80  }
0xc9: {  	[tilespmem:s11], [sflag:$0x1] =	stream.linear.gather [spmem:s10], $0x80, $0x38;
	[tilespmem:$0x8280] =	vst v63  }
0xca: {  	s9 =	simm.s32 $0x4800;
	s10 =	sld [smem:$0x7F3]  }
0xcb: {  	[tilespmem:s9], [sflag:$0x1] =	stream.linear.gather [spmem:s8], $0x80, $0x38;
	[tilespmem:$0x8280] =	vst v63  }
0xcc: {  	s11 =	simm.s32 $0x4C00;
	s8 =	sld [smem:$0x7F4]  }
0xcd: {  	[tilespmem:s11], [sflag:$0x1] =	stream.linear.gather [spmem:s10], $0x80, $0x38;
	[tilespmem:$0x8280] =	vst v63  }
0xce: {  	s9 =	simm.s32 $0x5000;
	s10 =	sld [smem:$0x7F5]  }
0xcf: {  	[tilespmem:s9], [sflag:$0x1] =	stream.linear.gather [spmem:s8], $0x80, $0x38;
	[tilespmem:$0x8280] =	vst v63  }
0xd0: {  	s11 =	simm.s32 $0x5400  }
0xd1: {  	[tilespmem:s11], [sflag:$0x1] =	stream.linear.gather [spmem:s10], $0x80, $0x38;
	[tilespmem:$0x8280] =	vst v63  }
0xd2: {  	_ =	swait.ge [sflag:s1], $0x280  }
0xd3: {  	[sflag:s1] =	ssyncset.done $0x0;
	s8 =	rddreg [dreg:$0xd]  }
0xd4: {  	s9 =	simm.s32 $0x4480;
	s10 =	sld [smem:$0x7F6];
	[sflag:s1] =	ssyncadd.s32 $0xFFFFFD80  }
0xd5: {  	[tilespmem:s9], [sflag:$0x1] =	stream.linear.gather [spmem:s8], $0x80, $0x38;
	[tilespmem:$0x8280] =	vst v63  }
0xd6: {  	s11 =	simm.s32 $0x4880;
	s8 =	sld [smem:$0x7F7]  }
0xd7: {  	[tilespmem:s11], [sflag:$0x1] =	stream.linear.gather [spmem:s10], $0x80, $0x38;
	[tilespmem:$0x8280] =	vst v63  }
0xd8: {  	s9 =	simm.s32 $0x4C80;
	s10 =	sld [smem:$0x7F8]  }
0xd9: {  	[tilespmem:s9], [sflag:$0x1] =	stream.linear.gather [spmem:s8], $0x80, $0x38;
	[tilespmem:$0x8280] =	vst v63  }
0xda: {  	s11 =	simm.s32 $0x5080;
	s8 =	sld [smem:$0x7F9]  }
0xdb: {  	[tilespmem:s11], [sflag:$0x1] =	stream.linear.gather [spmem:s10], $0x80, $0x38;
	[tilespmem:$0x8280] =	vst v63  }
0xdc: {  	s9 =	simm.s32 $0x5480  }
0xdd: {  	[tilespmem:s9], [sflag:$0x1] =	stream.linear.gather [spmem:s8], $0x80, $0x38;
	[tilespmem:$0x8280] =	vst v63  }
0xde: {  	_ =	swait.ge [sflag:s1], $0x280  }
0xdf: {  	[sflag:s1] =	ssyncset.done $0x0;
	s10 =	rddreg [dreg:$0xe]  }
0xe0: {  	s11 =	simm.s32 $0x4500;
	s8 =	sld [smem:$0x7FA];
	[sflag:s1] =	ssyncadd.s32 $0xFFFFFD80  }
0xe1: {  	[tilespmem:s11], [sflag:$0x1] =	stream.linear.gather [spmem:s10], $0x80, $0x38;
	[tilespmem:$0x8280] =	vst v63  }
0xe2: {  	s9 =	simm.s32 $0x4900;
	s10 =	sld [smem:$0x7FB]  }
0xe3: {  	[tilespmem:s9], [sflag:$0x1] =	stream.linear.gather [spmem:s8], $0x80, $0x38;
	[tilespmem:$0x8280] =	vst v63  }
0xe4: {  	s11 =	simm.s32 $0x4D00;
	s8 =	sld [smem:$0x7FC]  }
0xe5: {  	[tilespmem:s11], [sflag:$0x1] =	stream.linear.gather [spmem:s10], $0x80, $0x38;
	[tilespmem:$0x8280] =	vst v63  }
0xe6: {  	s9 =	simm.s32 $0x5100;
	s10 =	sld [smem:$0x7FD]  }
0xe7: {  	[tilespmem:s9], [sflag:$0x1] =	stream.linear.gather [spmem:s8], $0x80, $0x38;
	[tilespmem:$0x8280] =	vst v63  }
0xe8: {  	s11 =	simm.s32 $0x5500  }
0xe9: {  	[tilespmem:s11], [sflag:$0x1] =	stream.linear.gather [spmem:s10], $0x80, $0x38;
	[tilespmem:$0x8280] =	vst v63  }
0xea: {  	_ =	swait.ge [sflag:s1], $0x280  }
0xeb: {  	[sflag:s1] =	ssyncset.done $0x0  }
0xec: {  	s9 =	simm.s32 $0x4580;
	s8 =	rddreg [dreg:$0xf];
	[sflag:s1] =	ssyncadd.s32 $0xFFFFFD80  }
0xed: {  	[tilespmem:s9], [sflag:$0x1] =	stream.linear.gather [spmem:s8], $0x80, $0x38;
	[tilespmem:$0x8280] =	vst v63  }
0xee: {  	s10 =	simm.s32 $0x4980  }
0xef: {  	[tilespmem:s10], [sflag:$0x1] =	stream.linear.gather [spmem:s12], $0x80, $0x38;
	[tilespmem:$0x8280] =	vst v63  }
0xf0: {  	s11 =	simm.s32 $0x4D80  }
0xf1: {  	[tilespmem:s11], [sflag:$0x1] =	stream.linear.gather [spmem:s13], $0x80, $0x38;
	[tilespmem:$0x8280] =	vst v63  }
0xf2: {  	s8 =	simm.s32 $0x5180  }
0xf3: {  	[tilespmem:s8], [sflag:$0x1] =	stream.linear.gather [spmem:s14], $0x80, $0x38;
	[tilespmem:$0x8280] =	vst v63  }
0xf4: {  	s9 =	simm.s32 $0x5580  }
0xf5: {  	[tilespmem:s9], [sflag:$0x1] =	stream.linear.gather [spmem:s15], $0x80, $0x38;
	[tilespmem:$0x8280] =	vst v63  }
0xf6: {  	_ =	swait.ge [sflag:s1], $0x280  }
0xf7: {  	[sflag:s1] =	ssyncset.done $0x0  }
0xf8: {  	s11 =	simm.s32 $0x4600;
	s10 =	rddreg [dreg:$0x10];
	[sflag:s1] =	ssyncadd.s32 $0xFFFFFD80  }
0xf9: {  	[tilespmem:s11], [sflag:$0x1] =	stream.linear.gather [spmem:s10], $0x80, $0x38;
	[tilespmem:$0x8280] =	vst v63  }
0xfa: {  	s8 =	simm.s32 $0x4A00  }
0xfb: {  	[tilespmem:s8], [sflag:$0x1] =	stream.linear.gather [spmem:s16], $0x80, $0x38;
	[tilespmem:$0x8280] =	vst v63  }
0xfc: {  	s9 =	simm.s32 $0x4E00  }
0xfd: {  	[tilespmem:s9], [sflag:$0x1] =	stream.linear.gather [spmem:s17], $0x80, $0x38;
	[tilespmem:$0x8280] =	vst v63  }
0xfe: {  	s10 =	simm.s32 $0x5200  }
0xff: {  	[tilespmem:s10], [sflag:$0x1] =	stream.linear.gather [spmem:s18], $0x80, $0x38;
	[tilespmem:$0x8280] =	vst v63  }
0x100: {  	s11 =	simm.s32 $0x5600  }
0x101: {  	[tilespmem:s11], [sflag:$0x1] =	stream.linear.gather [spmem:s19], $0x80, $0x38;
	[tilespmem:$0x8280] =	vst v63  }
0x102: {  	_ =	swait.ge [sflag:s1], $0x280  }
0x103: {  	[sflag:s1] =	ssyncset.done $0x0  }
0x104: {  	s9 =	simm.s32 $0x4680;
	s8 =	rddreg [dreg:$0x11];
	[sflag:s1] =	ssyncadd.s32 $0xFFFFFD80  }
0x105: {  	[tilespmem:s9], [sflag:$0x1] =	stream.linear.gather [spmem:s8], $0x80, $0x38;
	[tilespmem:$0x8280] =	vst v63  }
0x106: {  	s10 =	simm.s32 $0x4A80  }
0x107: {  	[tilespmem:s10], [sflag:$0x1] =	stream.linear.gather [spmem:s20], $0x80, $0x38;
	[tilespmem:$0x8280] =	vst v63  }
0x108: {  	s11 =	simm.s32 $0x4E80  }
0x109: {  	[tilespmem:s11], [sflag:$0x1] =	stream.linear.gather [spmem:s21], $0x80, $0x38;
	[tilespmem:$0x8280] =	vst v63  }
0x10a: {  	s8 =	simm.s32 $0x5280  }
0x10b: {  	[tilespmem:s8], [sflag:$0x1] =	stream.linear.gather [spmem:s22], $0x80, $0x38;
	[tilespmem:$0x8280] =	vst v63  }
0x10c: {  	s9 =	simm.s32 $0x5680  }
0x10d: {  	[tilespmem:s9], [sflag:$0x1] =	stream.linear.gather [spmem:s23], $0x80, $0x38;
	[tilespmem:$0x8280] =	vst v63  }
0x10e: {  	_ =	swait.ge [sflag:s1], $0x280  }
0x10f: {  	[sflag:s1] =	ssyncset.done $0x0  }
0x110: {  	s11 =	simm.s32 $0x4700;
	s10 =	rddreg [dreg:$0x12];
	[sflag:s1] =	ssyncadd.s32 $0xFFFFFD80  }
0x111: {  	[tilespmem:s11], [sflag:$0x1] =	stream.linear.gather [spmem:s10], $0x80, $0x38;
	[tilespmem:$0x8280] =	vst v63  }
0x112: {  	s8 =	simm.s32 $0x4B00  }
0x113: {  	[tilespmem:s8], [sflag:$0x1] =	stream.linear.gather [spmem:s24], $0x80, $0x38;
	[tilespmem:$0x8280] =	vst v63  }
0x114: {  	s9 =	simm.s32 $0x4F00  }
0x115: {  	[tilespmem:s9], [sflag:$0x1] =	stream.linear.gather [spmem:s25], $0x80, $0x38;
	[tilespmem:$0x8280] =	vst v63  }
0x116: {  	s10 =	simm.s32 $0x5300  }
0x117: {  	[tilespmem:s10], [sflag:$0x1] =	stream.linear.gather [spmem:s26], $0x80, $0x38;
	[tilespmem:$0x8280] =	vst v63  }
0x118: {  	s11 =	simm.s32 $0x5700  }
0x119: {  	[tilespmem:s11], [sflag:$0x1] =	stream.linear.gather [spmem:s28], $0x80, $0x38;
	[tilespmem:$0x8280] =	vst v63  }
0x11a: {  	_ =	swait.ge [sflag:s1], $0x280  }
0x11b: {  	[sflag:s1] =	ssyncset.done $0x0  }
0x11c: {  	s9 =	simm.s32 $0x4780;
	s8 =	rddreg [dreg:$0x13];
	[sflag:s1] =	ssyncadd.s32 $0xFFFFFD80  }
0x11d: {  	[tilespmem:s9], [sflag:$0x1] =	stream.linear.gather [spmem:s8], $0x80, $0x38;
	[tilespmem:$0x8280] =	vst v63  }
0x11e: {  	s10 =	simm.s32 $0x4B80  }
0x11f: {  	[tilespmem:s10], [sflag:$0x1] =	stream.linear.gather [spmem:s29], $0x80, $0x38;
	[tilespmem:$0x8280] =	vst v63  }
0x120: {  	s11 =	simm.s32 $0x4F80  }
0x121: {  	[tilespmem:s11], [sflag:$0x1] =	stream.linear.gather [spmem:s30], $0x80, $0x38;
	[tilespmem:$0x8280] =	vst v63  }
0x122: {  	s8 =	simm.s32 $0x5380  }
0x123: {  	[tilespmem:s8], [sflag:$0x1] =	stream.linear.gather [spmem:s31], $0x80, $0x38;
	[tilespmem:$0x8280] =	vst v63  }
0x124: {  	s9 =	simm.s32 $0x5780  }
0x125: {  	[tilespmem:s9], [sflag:$0x1] =	stream.linear.gather [spmem:s0], $0x80, $0x38;
	[tilespmem:$0x8280] =	vst v63  }
0x126: {  	s10 =	simm.s32 $0x0;
	_ =	swait.ge [sflag:s1], $0x280  }
0x127: {  	s7 =	sand.u32 $0x1C00, s10;
	s11 =	sand.u32 $0x70, s10;
	[sflag:s1] =	ssyncset.done $0x0  }
0x128: {  	s7 =	sor.u32 s11, s7;
	[sflag:s1] =	ssyncadd.s32 $0xFFFFFD80  }
0x129: {  	v2 =	vld [tilespmem:s7+$0x3000];
	_ =	sdelay $0x1  }
0x12a: {  	v3 =	vld [tilespmem:s7+$0x3080];
	_ =	sdelay $0x1  }
0x12b: {  	v4 =	vld [tilespmem:s7+$0x3100]  }
0x12c: {  	v2 =	vadd.f32 $0.0e+00, v2  }
0x12d: {  	v5 =	vld [tilespmem:s7+$0x3180]  }
0x12e: {  	v2 =	vadd.f32 v3, v2  }
0x12f: {  	v3 =	vld [tilespmem:s7+$0x3200]  }
0x130: {  	v2 =	vadd.f32 v4, v2  }
0x131: {  	v56 =	vld [tilespmem:s7+$0x3280]  }
0x132: {  	v2 =	vadd.f32 v5, v2  }
0x133: {  	v57 =	vld [tilespmem:s7+$0x3300]  }
0x134: {  	v2 =	vadd.f32 v3, v2  }
0x135: {  	v3 =	vld [tilespmem:s7+$0x3380]  }
0x136: {  	v2 =	vadd.f32 v56, v2  }
0x137: {  	v58 =	vld [tilespmem:s7+$0x4400]  }
0x138: {  	v2 =	vadd.f32 v57, v2  }
0x139: {  	v59 =	vld [tilespmem:s7+$0x4480]  }
0x13a: {  	v2 =	vadd.f32 v3, v2  }
0x13b: {  	v3 =	vld [tilespmem:s7+$0x4500]  }
0x13c: {  	v2 =	vadd.f32 v58, v2  }
0x13d: {  	v60 =	vld [tilespmem:s7+$0x4580]  }
0x13e: {  	v2 =	vadd.f32 v59, v2  }
0x13f: {  	v61 =	vld [tilespmem:s7+$0x4600]  }
0x140: {  	v2 =	vadd.f32 v3, v2  }
0x141: {  	v3 =	vld [tilespmem:s7+$0x4680]  }
0x142: {  	v2 =	vadd.f32 v60, v2  }
0x143: {  	v62 =	vld [tilespmem:s7+$0x4700]  }
0x144: {  	v2 =	vadd.f32 v61, v2  }
0x145: {  	v63 =	vld [tilespmem:s7+$0x4780]  }
0x146: {  	v2 =	vadd.f32 v3, v2;
	_ =	sdelay $0x1  }
0x147: {  	v2 =	vadd.f32 v62, v2  }
0x148: {  	s8 =	simm.s32 $0x80  }
0x149: {  	s11 =	sand.u32 $0x1C00, s8;
	s9 =	simm.s32 $0x10;
	v2 =	vadd.f32 v63, v2  }
0x14a: {  	s10 =	sand.u32 $0x70, s9;
	s9 =	simm.s32 $0x20;
	s7 =	simm.s32 $0x5800  }
.LBB2_8:
0x14b: {  	p0 =	sne.s32 s9, $0x270;
	s10 =	sor.u32 s10, s11;
	[tilespmem:s7+$0x0] =	vst v2  }
0x14c: {  	v2 =	vld [tilespmem:s10+$0x3000];
	_ =	sdelay $0x1  }
0x14d: {  	v3 =	vld [tilespmem:s10+$0x3080];
	_ =	sdelay $0x1  }
0x14e: {  	v4 =	vld [tilespmem:s10+$0x3100]  }
0x14f: {  	v2 =	vadd.f32 $0.0e+00, v2  }
0x150: {  	v5 =	vld [tilespmem:s10+$0x3180]  }
0x151: {  	v2 =	vadd.f32 v3, v2  }
0x152: {  	v3 =	vld [tilespmem:s10+$0x3200]  }
0x153: {  	v2 =	vadd.f32 v4, v2  }
0x154: {  	v4 =	vld [tilespmem:s10+$0x3280]  }
0x155: {  	v2 =	vadd.f32 v5, v2  }
0x156: {  	v5 =	vld [tilespmem:s10+$0x3300]  }
0x157: {  	v2 =	vadd.f32 v3, v2  }
0x158: {  	v3 =	vld [tilespmem:s10+$0x3380]  }
0x159: {  	v2 =	vadd.f32 v4, v2  }
0x15a: {  	v4 =	vld [tilespmem:s10+$0x4400]  }
0x15b: {  	v2 =	vadd.f32 v5, v2  }
0x15c: {  	v5 =	vld [tilespmem:s10+$0x4480]  }
0x15d: {  	v2 =	vadd.f32 v3, v2  }
0x15e: {  	v3 =	vld [tilespmem:s10+$0x4500]  }
0x15f: {  	v2 =	vadd.f32 v4, v2  }
0x160: {  	v4 =	vld [tilespmem:s10+$0x4580]  }
0x161: {  	v2 =	vadd.f32 v5, v2  }
0x162: {  	v5 =	vld [tilespmem:s10+$0x4600]  }
0x163: {  	v2 =	vadd.f32 v3, v2  }
0x164: {  	v3 =	vld [tilespmem:s10+$0x4680]  }
0x165: {  	v2 =	vadd.f32 v4, v2  }
0x166: {  	v4 =	vld [tilespmem:s10+$0x4700]  }
0x167: {  	v2 =	vadd.f32 v5, v2  }
0x168: {  	v5 =	vld [tilespmem:s10+$0x4780]  }
0x169: {  	v2 =	vadd.f32 v3, v2  }
.Ltmp3:
0x16a: {  	(pc) =	sbr.rel @p0 .LBB2_8-.Ltmp3, $3  }
0x16b: {  	v2 =	vadd.f32 v4, v2;
	_ =	sdelay $0x1  }
0x16c: {  	s8 =	sadd.s32 $0x80, s8;
	s7 =	sadd.s32 $0x10, s7;
	v2 =	vadd.f32 v5, v2  }
0x16d: {  	s11 =	sand.u32 $0x1C00, s8;
	s10 =	sand.u32 $0x70, s9;
	s9 =	sadd.s32 $0x10, s9  }
0x16e: {  	s8 =	sor.u32 s10, s11;
	[tilespmem:s7+$0x0] =	vst v2  }
0x16f: {  	v2 =	vld [tilespmem:s8+$0x3000];
	_ =	sdelay $0x1  }
0x170: {  	v3 =	vld [tilespmem:s8+$0x3080];
	_ =	sdelay $0x1  }
0x171: {  	v4 =	vld [tilespmem:s8+$0x3100]  }
0x172: {  	v2 =	vadd.f32 $0.0e+00, v2  }
0x173: {  	v5 =	vld [tilespmem:s8+$0x3180]  }
0x174: {  	v2 =	vadd.f32 v3, v2  }
0x175: {  	v3 =	vld [tilespmem:s8+$0x3200]  }
0x176: {  	v2 =	vadd.f32 v4, v2  }
0x177: {  	v56 =	vld [tilespmem:s8+$0x3280]  }
0x178: {  	v2 =	vadd.f32 v5, v2  }
0x179: {  	v57 =	vld [tilespmem:s8+$0x3300]  }
0x17a: {  	v2 =	vadd.f32 v3, v2  }
0x17b: {  	v3 =	vld [tilespmem:s8+$0x3380]  }
0x17c: {  	v2 =	vadd.f32 v56, v2  }
0x17d: {  	v58 =	vld [tilespmem:s8+$0x4400]  }
0x17e: {  	v2 =	vadd.f32 v57, v2  }
0x17f: {  	v59 =	vld [tilespmem:s8+$0x4480]  }
0x180: {  	v2 =	vadd.f32 v3, v2  }
0x181: {  	v3 =	vld [tilespmem:s8+$0x4500]  }
0x182: {  	v2 =	vadd.f32 v58, v2  }
0x183: {  	v60 =	vld [tilespmem:s8+$0x4580]  }
0x184: {  	v2 =	vadd.f32 v59, v2  }
0x185: {  	v61 =	vld [tilespmem:s8+$0x4600]  }
0x186: {  	v2 =	vadd.f32 v3, v2  }
0x187: {  	v3 =	vld [tilespmem:s8+$0x4680]  }
0x188: {  	v2 =	vadd.f32 v60, v2  }
0x189: {  	v62 =	vld [tilespmem:s8+$0x4700]  }
0x18a: {  	v2 =	vadd.f32 v61, v2  }
0x18b: {  	v63 =	vld [tilespmem:s8+$0x4780]  }
0x18c: {  	v2 =	vadd.f32 v3, v2;
	_ =	sdelay $0x1  }
0x18d: {  	v2 =	vadd.f32 v62, v2;
	_ =	sdelay $0x1  }
0x18e: {  	v2 =	vadd.f32 v63, v2  }
0x18f: {  	s11 =	sadd.s32 $0x10, s7  }
0x190: {  	s10 =	rddreg [dreg:$0x14];
	s9 =	simm.s32 $0x5800;
	s8 =	simm.s32 $0x0;
	[tilespmem:s11+$0x0] =	vst v2  }
0x191: {  	[hbm4b:s10+s8] =	stream.linear.scatter [tilespmem:s9], [sflag:$0x1], $0x280, $0x38;
	[tilespmem:$0x8280] =	vst v63  }
0x192: {  	_ =	swait.ge [sflag:s1], $0x280  }
0x193: {  	s5 =	sadd.s32 $0x1, s5;
	s11 =	rddreg [dreg:$0x15]  }
0x194: {  	p0 =	sne.s32 s5, s11  }
.Ltmp4:
0x195: {  	_ = 	snop;
	(pc) =	sbr.rel @p0 .LBB2_1-.Ltmp4, $3  }
0x196: {  	_ =	sdelay $0x1  }
0x197: {  	[sflag:s1] =	ssyncset.done $0x0  }
0x198: {  	[sflag:s1] =	ssyncadd.s32 $0xFFFFFD80  }
0x199: {  	_ =	sfence.sel $0x180000  }
0x19a: {  	[bflag:$0x0] =	sbarrier.arrive $0xFFFF  }
0x19b: {  	_ =	strace $0x90000047  }
0x19c: {  	s0 =	stileid.u32;
	[bflag:$0x2] =	sbarrier.arrive $0xFFFF  }
0x19d: {  	p0 =	sne.s32 s0, $0x0;
	s0 =	rddreg [dreg:$0x3]  }
0x19e: {  	s0 =	sadd.s32 @!p0 $0x100000, s0  }
0x19f: {  	[sflag:s0] =	ssyncadd.tile.s32 @!p0 $0x1;
	_ =	shalt  }
.Lfunc_end2:
_tile_overlayer_lowered:
.L_overlay_start_2:
0x1a0: {  	(tag) =	ssettag $0x2  }
0x1a1: {  	s0 =	rddreg [dreg:$0x0];
	s2 =	stileid.u32  }
0x1a2: {  	s1 =	rddreg [dreg:$0x1];
	p0 =	sne.s32 s2, $0x0  }
0x1a3: {  	s3 =	rddreg [dreg:$0x2];
	[bflag:$0x3] =	sbarrier.arrive $0xFFFF;
	s2 =	simm.s32 @!p0 $0x1C01  }
0x1a4: {  	[timem:s3], [sflag:s2] =	dma.local @!p0 [hbm:s0], s1  }
0x1a5: {  	s0 =	simm.s32 @!p0 $0x1  }
0x1a6: {  	_ =	swait.ge @!p0 [sflag:s0], s1  }
0x1a7: {  	s1 =	ssub.s32 @!p0 $0x0, s1;
	[sflag:s0] =	ssyncset.done @!p0 $0x0  }
0x1a8: {  	[sflag:s0] =	ssyncadd.s32 @!p0 s1  }
0x1a9: {  	[bflag:$0x3] =	sbarrier.arrive $0xFFFF  }
0x1aa: {  	_ =	shalt  }

</sc_bundles>
